<compile_context>
chip_gen: v7x
topology: tpu7x:2x2x1
jax: 0.10.2.dev20260603
libtpu: 0.0.44.dev20260713+nightly
codegen_flags: <defaults>
</compile_context>

<pallas_src>
import functools

import jax
import jax.numpy as jnp
from jax import lax
from jax.experimental import pallas as pl
from jax.experimental.pallas import tpu as pltpu
from jax.experimental.pallas import tpu_sc as plsc

B, V, D = 4, 10000, 16
N = B * V * D
BV = B * V
TROWS = B * (V + 1)
VE = EE = CE = 16
T = 2
F32 = jnp.float32

NW = 32
PER_W = N // NW
CH = 1000
NCH = PER_W // CH


def _sc_gather(tables, idxs):
    ns = len(tables)
    mesh = plsc.VectorSubcoreMesh(core_axis_name="c", subcore_axis_name="s")
    scratch = ([pltpu.VMEM((PER_W,), jnp.int32)] * ns
               + [pltpu.VMEM((CH, 16), F32)] * (2 * ns)
               + [pltpu.SemaphoreType.DMA] * (2 * ns))

    @functools.partial(
        pl.kernel,
        mesh=mesh,
        compiler_params=pltpu.CompilerParams(use_tc_tiling_on_sc=False),
        out_type=tuple(jax.ShapeDtypeStruct((N, 16), F32) for _ in range(ns)),
        scratch_types=scratch,
    )
    def gk(*refs):
        t_hbm = refs[0:ns]
        i_hbm = refs[ns:2 * ns]
        o_hbm = refs[2 * ns:3 * ns]
        k = 3 * ns
        i_v = refs[k:k + ns]
        bufs = [(refs[k + ns + 2 * j], refs[k + ns + 2 * j + 1]) for j in range(ns)]
        sems = [(refs[k + 3 * ns + 2 * j], refs[k + 3 * ns + 2 * j + 1])
                for j in range(ns)]
        wid = lax.axis_index("s") * 2 + lax.axis_index("c")
        base = wid * PER_W

        for j in range(ns):
            pltpu.sync_copy(i_hbm[j].at[pl.ds(base, PER_W)], i_v[j])

        def dsc(j, c, s):
            return pltpu.make_async_copy(
                t_hbm[j].at[i_v[j].at[pl.ds(c * CH, CH)]], bufs[j][s], sems[j][s])

        def start(c, s):
            for j in range(ns):
                dsc(j, c, s).start()

        def wait(c, s):
            for j in range(ns):
                dsc(j, c, s).wait()

        for s in range(2):
            start(s, s)

        def body(i, carry):
            for s in range(2):
                c = 2 * i + s
                wait(c, s)
                for j in range(ns):
                    pltpu.sync_copy(bufs[j][s],
                                    o_hbm[j].at[pl.ds(base + c * CH, CH)])

                @pl.when(c + 2 < NCH)
                def _():
                    start(c + 2, s)
            return carry

        lax.fori_loop(0, NCH // 2, body, 0)

    return gk(*tables, *idxs)


VB = 400
EB = VB * D
GRID = BV // VB
GPB = V // VB
PK = 4
EBP = EB // PK
NP = N // PK


def _relu(x):
    return jnp.maximum(x, 0.0)


def _full(w):
    return pl.BlockSpec(w.shape, lambda *g: tuple(0 for _ in w.shape))


_ENC_VB = 2000


def _enc_v_body(vx, ctx, inc, wv1, bv1, wv2, bv2, wv3, bv3,
                wc1, bc1, wc2, bc2, wc3, bc3, out_v, out_c, o_is, o_ir):
    g = pl.program_id(0)
    h = _relu(vx[...] @ wv1[...] + bv1[...])
    h = _relu(h @ wv2[...] + bv2[...])
    out_v[...] = h @ wv3[...] + bv3[...]
    bofs = (g // (V // _ENC_VB)) * V
    o_is[...] = jnp.maximum(inc[...] - 1, 0) + bofs
    o_ir[...] = (jax.lax.broadcasted_iota(jnp.int32, (_ENC_VB, D), 0)
                 + g * _ENC_VB)

    @pl.when(g == 0)
    def _():
        hc = _relu(ctx[...] @ wc1[...] + bc1[...])
        hc = _relu(hc @ wc2[...] + bc2[...])
        out_c[...] = hc @ wc3[...] + bc3[...]


def _enc_v(vertex_f, context, inc2d, pv, pc):
    vb = _ENC_VB
    ws = (pv['W1'], pv['b1'], pv['W2'], pv['b2'], pv['W3'], pv['b3'],
          pc['W1'], pc['b1'], pc['W2'], pc['b2'], pc['W3'], pc['b3'])
    return pl.pallas_call(
        _enc_v_body,
        grid=(BV // vb,),
        in_specs=[pl.BlockSpec((vb, 8), lambda g: (g, 0)),
                  _full(context),
                  pl.BlockSpec((vb, D), lambda g: (g, 0))]
        + [_full(w) for w in ws],
        out_specs=[pl.BlockSpec((vb, VE), lambda g: (g, 0)),
                   pl.BlockSpec((B, CE), lambda g: (0, 0)),
                   pl.BlockSpec((vb, D), lambda g: (g, 0)),
                   pl.BlockSpec((vb, D), lambda g: (g, 0))],
        out_shape=[jax.ShapeDtypeStruct((BV, VE), F32),
                   jax.ShapeDtypeStruct((B, CE), F32),
                   jax.ShapeDtypeStruct((BV, D), jnp.int32),
                   jax.ShapeDtypeStruct((BV, D), jnp.int32)],
    )(vertex_f, context, inc2d, *ws)


def _mega_tail(mask16, inc, embv, embc, h, wv, o_e, o_oe, o_v, o_ov, o_ge, o_gv, o_ne):
    g = pl.program_id(0)
    b = g // GPB
    h = _relu(h @ wv['w2'][...] + wv['b2'][...])
    e_new = h @ wv['w3'][...] + wv['b3'][...]
    o_e[...] = e_new
    dh = _relu(h @ wv['wd1'][...] + wv['bd1'][...])
    dh = _relu(dh @ wv['d2'][...] + wv['dd2'][...])
    w = dh @ wv['d3q'][...] + wv['dd3q'][...]
    sp = jnp.maximum(w, 0.0) + jnp.log(1.0 + jnp.exp(-jnp.abs(w)))
    mask2 = jnp.concatenate([mask16[:, 0:2], mask16[:, 16:18],
                             mask16[:, 32:34], mask16[:, 48:50]], axis=1)
    o_oe[...] = mask2 * (-sp)

    m_e = mask16 * e_new
    es4 = jnp.sum(m_e.reshape(VB, PK, 64), axis=1)
    es = (es4[:, 0:16] + es4[:, 16:32] + es4[:, 32:48] + es4[:, 48:64])
    ns = jnp.sum((inc[...] > 0).astype(F32), axis=1, keepdims=True)
    avg_e = es / jnp.maximum(ns, 1.0)
    xv = jnp.concatenate([avg_e, embv[...]], axis=1)
    ccv = embc[pl.ds(b, 1), :] @ wv['wv1c'][...]
    hv = _relu(xv @ wv['wv1'][...] + ccv + wv['bv1'][...])
    hv = _relu(hv @ wv['wv2'][...] + wv['bv2'][...])
    ov80 = hv @ wv['wv3d'][...] + wv['bvd'][...]
    v_new = ov80[:, 0:16]
    o_v[...] = v_new
    dv = _relu(ov80[:, 16:80])
    dv = _relu(dv @ wv['dv2'][...] + wv['ddv2'][...])
    o_ov[...] = dv @ wv['dv3'][...] + wv['ddv3'][...]

    @pl.when(g == 0)
    def _():
        o_ge[...] = jnp.zeros_like(o_ge)
        o_gv[...] = jnp.zeros_like(o_gv)
        o_ne[...] = jnp.zeros_like(o_ne)

    ones1 = jnp.ones((1, VB), F32)
    o_ge[pl.ds(b, 1), :] += ones1 @ es
    o_gv[pl.ds(b, 1), :] += ones1 @ v_new
    o_ne[pl.ds(b, 1), :] += jnp.broadcast_to(ones1 @ ns, (1, 16))


_TAIL_KEYS = ('w2', 'b2', 'w3', 'b3', 'wd1', 'bd1', 'd2', 'dd2', 'd3q', 'dd3q',
              'wv1', 'wv1c', 'bv1', 'wv2', 'bv2', 'wv3d', 'bvd',
              'dv2', 'ddv2', 'dv3', 'ddv3')
_T0_KEYS = ('we1', 'be1', 'we2', 'be2', 'wfa', 'wfr', 'wfs', 'w1c', 'b1e') + _TAIL_KEYS
_T1_KEYS = ('wfe', 'wfr', 'wfs', 'w1c', 'b1e') + _TAIL_KEYS


def _mega_body_t0(ein, sv, rv, mk, inc, embv, embc, *rest):
    nw = len(_T0_KEYS)
    wv = dict(zip(_T0_KEYS, rest[:nw]))
    outs = rest[nw:]
    mask16 = mk[...]
    he = _relu(ein[...] @ wv['we1'][...] + wv['be1'][...])
    he = _relu(he @ wv['we2'][...] + wv['be2'][...])
    cc = embc[pl.ds(pl.program_id(0) // GPB, 1), :] @ wv['w1c'][...]
    h = _relu(he @ wv['wfa'][...] + (mask16 * rv[...]) @ wv['wfr'][...]
              + (mask16 * sv[...]) @ wv['wfs'][...] + cc + wv['b1e'][...])
    _mega_tail(mask16, inc, embv, embc, h, wv, *outs)


def _mega_body_t1(ein, sv, rv, mk, inc, embv, embc, *rest):
    nw = len(_T1_KEYS)
    wv = dict(zip(_T1_KEYS, rest[:nw]))
    outs = rest[nw:]
    mask16 = mk[...]
    cc = embc[pl.ds(pl.program_id(0) // GPB, 1), :] @ wv['w1c'][...]
    h = _relu(ein[...] @ wv['wfe'][...] + (mask16 * rv[...]) @ wv['wfr'][...]
              + (mask16 * sv[...]) @ wv['wfs'][...] + cc + wv['b1e'][...])
    _mega_tail(mask16, inc, embv, embc, h, wv, *outs)


def _mega(t0, ein, sv, rv, mk, inc2d, embv, embc, wd):
    keys = _T0_KEYS if t0 else _T1_KEYS
    ein_w = ein.shape[1]
    body = _mega_body_t0 if t0 else _mega_body_t1
    return pl.pallas_call(
        body,
        grid=(GRID,),
        in_specs=[
            pl.BlockSpec((EBP, ein_w), lambda g: (g, 0)),
            pl.BlockSpec((EBP, 64), lambda g: (g, 0)),
            pl.BlockSpec((EBP, 64), lambda g: (g, 0)),
            pl.BlockSpec((EBP, 64), lambda g: (g, 0)),
            pl.BlockSpec((VB, D), lambda g: (g, 0)),
            pl.BlockSpec((VB, VE), lambda g: (g, 0)),
            pl.BlockSpec((B, CE), lambda g: (0, 0)),
        ] + [_full(wd[k]) for k in keys],
        out_specs=[
            pl.BlockSpec((EBP, 64), lambda g: (g, 0)),
            pl.BlockSpec((EBP, 8), lambda g: (g, 0)),
            pl.BlockSpec((VB, VE), lambda g: (g, 0)),
            pl.BlockSpec((VB, 2), lambda g: (g, 0)),
            pl.BlockSpec((B, EE), lambda g: (0, 0)),
            pl.BlockSpec((B, VE), lambda g: (0, 0)),
            pl.BlockSpec((B, 16), lambda g: (0, 0)),
        ],
        out_shape=[
            jax.ShapeDtypeStruct((NP, 64), F32),
            jax.ShapeDtypeStruct((NP, 8), F32),
            jax.ShapeDtypeStruct((BV, VE), F32),
            jax.ShapeDtypeStruct((BV, 2), F32),
            jax.ShapeDtypeStruct((B, EE), F32),
            jax.ShapeDtypeStruct((B, VE), F32),
            jax.ShapeDtypeStruct((B, 16), F32),
        ],
    )(ein, sv, rv, mk, inc2d, embv, embc, *[wd[k] for k in keys])


def _ctx_body(ge, gv, ne, embc, w1e, w1v, w1c, b1, w2, b2, w3d, bd,
              dc2, ddc2, dc3, ddc3, o_c, o_oc):
    gee = ge[...] / ne[:, 0:1]
    gvv = gv[...] * (1.0 / V)
    h = _relu(gee @ w1e[...] + gvv @ w1v[...] + embc[...] @ w1c[...] + b1[...])
    h = _relu(h @ w2[...] + b2[...])
    o80 = h @ w3d[...] + bd[...]
    o_c[...] = o80[:, 0:16]
    dh = _relu(o80[:, 16:80])
    dh = _relu(dh @ dc2[...] + ddc2[...])
    o_oc[...] = dh @ dc3[...] + ddc3[...]


def _ctx(ge, gv, ne, embc, cw):
    args = (ge, gv, ne, embc) + cw
    return pl.pallas_call(
        _ctx_body,
        in_specs=[_full(a) for a in args],
        out_specs=[pl.BlockSpec((B, CE), lambda *g: (0, 0)),
                   pl.BlockSpec((B, 2), lambda *g: (0, 0))],
        out_shape=[jax.ShapeDtypeStruct((B, CE), F32),
                   jax.ShapeDtypeStruct((B, 2), F32)],
    )(*args)



def _prep_weights(params):
    p_e, p_v, p_c = params['e_net'], params['v_net'], params['c_net']
    d_e, d_v, d_c = params['dec_e'], params['dec_v'], params['dec_c']
    enc_e = params['enc_e']

    def row(b):
        return b.reshape(1, -1)

    eye4 = jnp.eye(PK, dtype=F32)

    def bd4(w):
        return jnp.kron(eye4, w)

    def rowt(b):
        return jnp.tile(b.reshape(1, -1), (1, PK))

    wd = {}
    w1 = p_e['W1']
    wd['w1c'] = jnp.tile(p_e['W1'][48:64], (1, PK))
    wd['b1e'] = rowt(p_e['b1'])
    wd['w2'] = bd4(p_e['W2'])
    wd['b2'] = rowt(p_e['b2'])
    wd['w3'] = bd4(p_e['W3'])
    wd['b3'] = rowt(p_e['b3'])
    wd['wd1'] = bd4(p_e['W3'] @ d_e['W1'])
    wd['bd1'] = rowt(p_e['b3'] @ d_e['W1'] + d_e['b1'])
    wd['d2'] = bd4(d_e['W2'])
    wd['dd2'] = rowt(d_e['b2'])
    q = jnp.array([[-1.0, 1.0], [1.0, -1.0]], F32)
    wd['d3q'] = bd4(d_e['W3'] @ q)
    wd['dd3q'] = rowt(d_e['b3'] @ q)
    wv1 = p_v['W1']
    wd['wv1'] = wv1[0:32]
    wd['wv1c'] = wv1[32:48]
    wd['bv1'] = row(p_v['b1'])
    wd['wv2'] = p_v['W2']
    wd['bv2'] = row(p_v['b2'])
    wd['wv3d'] = jnp.concatenate([p_v['W3'], p_v['W3'] @ d_v['W1']], axis=1)
    wd['bvd'] = row(jnp.concatenate([p_v['b3'], p_v['b3'] @ d_v['W1'] + d_v['b1']]))
    wd['dv2'] = d_v['W2']
    wd['ddv2'] = row(d_v['b2'])
    wd['dv3'] = d_v['W3']
    wd['ddv3'] = row(d_v['b3'])
    wd['we1'] = bd4(enc_e['W1'])
    wd['be1'] = rowt(enc_e['b1'])
    wd['we2'] = bd4(enc_e['W2'])
    wd['be2'] = rowt(enc_e['b2'])
    wd['wfa0'] = bd4(enc_e['W3'] @ w1[0:16])
    wd['b1e0'] = rowt(p_e['b1'] + enc_e['b3'] @ w1[0:16])
    wd['wfe'] = bd4(w1[0:16])
    wd['wfr'] = bd4(w1[16:32])
    wd['wfs'] = bd4(w1[32:48])
    wc1 = p_c['W1']
    cw = (wc1[0:16], wc1[16:32], wc1[32:48], row(p_c['b1']),
          p_c['W2'], row(p_c['b2']),
          jnp.concatenate([p_c['W3'], p_c['W3'] @ d_c['W1']], axis=1),
          row(jnp.concatenate([p_c['b3'], p_c['b3'] @ d_c['W1'] + d_c['b1']])),
          d_c['W2'], row(d_c['b2']), d_c['W3'], row(d_c['b3']))
    return wd, cw


def kernel(vertex, edge, context, incoming, params):
    wd, cw = _prep_weights(params)
    vertex_f = vertex.reshape(BV, 8)
    edge_f = edge.reshape(NP, 4 * PK)
    inc2d = incoming.reshape(BV, D)

    idx_m = incoming.reshape(N)
    mtab = jnp.concatenate(
        [jnp.zeros((1, 16), F32), jnp.ones((V, 16), F32)], axis=0)

    (mk,) = _sc_gather((mtab,), (idx_m,))
    mk = mk.reshape(NP, 16 * PK)
    emb_v, emb_c, idx_s2, idx_r2 = _enc_v(
        vertex_f, context, inc2d, params['enc_v'], params['enc_c'])
    idx_s = idx_s2.reshape(N)
    idx_r = idx_r2.reshape(N)

    outs_v, outs_e, outs_c = [], [], []
    ein = edge_f
    for t in range(T):
        sv, rv = _sc_gather((emb_v, emb_v), (idx_s, idx_r))
        sv = sv.reshape(NP, 16 * PK)
        rv = rv.reshape(NP, 16 * PK)

        wd_t = dict(wd)
        if t == 0:
            wd_t['wfa'], wd_t['b1e'] = wd['wfa0'], wd['b1e0']
        e_new, o_e, v_new, o_v, ge, gv, ne = _mega(
            t == 0, ein, sv, rv, mk, inc2d, emb_v, emb_c, wd_t)
        emb_c, o_c = _ctx(ge, gv, ne, emb_c, cw)
        emb_v = v_new
        ein = e_new
        outs_v.append(o_v.reshape(B, V, 2))
        outs_e.append(o_e.reshape(B, V, D, 2))
        outs_c.append(o_c)

    return (jnp.stack(outs_v), jnp.stack(outs_e), jnp.stack(outs_c))

# --- scband reference (transcript-rebuilt; emitter-appended) ---
"""Pipeline reference for scband-encoder-core-decoder-23587960390348 (READ-ONLY COPY).

The authoritative reference and input builder live on the scoring server;
editing this copy changes nothing except your own understanding.
"""

import jax, jax.numpy as jnp
import numpy as np

B, V, D = 4, 10000, 16
NUM_IN_V, NUM_IN_E, NUM_IN_C = 8, 4, 4
VE, EE, CE = 16, 16, 16
NH = 64
OUT_V, OUT_E, OUT_C = 2, 2, 2
T = 2
NUM_VERTICES = 10000


def _mlp_init(key, din, dh, dout):
    k1, k2, k3 = jax.random.split(key, 3)
    return {
        'W1': jax.random.normal(k1, (din, dh), jnp.float32) / np.sqrt(din),
        'b1': jnp.zeros((dh,), jnp.float32),
        'W2': jax.random.normal(k2, (dh, dh), jnp.float32) / np.sqrt(dh),
        'b2': jnp.zeros((dh,), jnp.float32),
        'W3': jax.random.normal(k3, (dh, dout), jnp.float32) / np.sqrt(dh),
        'b3': jnp.zeros((dout,), jnp.float32),
    }


def _mlp(p, x):
    h = jax.nn.relu(x @ p['W1'] + p['b1'])
    h = jax.nn.relu(h @ p['W2'] + p['b2'])
    return h @ p['W3'] + p['b3']


def setup_inputs(seed: int = 0):
    key = jax.random.key(seed)
    ks = jax.random.split(key, 16)
    vertex = jax.random.normal(ks[0], (B, V, NUM_IN_V), jnp.float32)
    edge = jax.random.normal(ks[1], (B, V, D, NUM_IN_E), jnp.float32)
    context = jax.random.normal(ks[2], (B, NUM_IN_C), jnp.float32)
    # values in [0, V]; 0 means 'no incoming edge' (indexes the zero-pad row)
    incoming = jax.random.randint(ks[3], (B, V, D), 0, V + 1, dtype=jnp.int32)
    v_dim = EE + VE + CE
    e_dim = 2 * VE + EE + CE
    c_dim = EE + VE + CE
    params = {
        'enc_v': _mlp_init(ks[4], NUM_IN_V, NH, VE),
        'enc_e': _mlp_init(ks[5], NUM_IN_E, NH, EE),
        'enc_c': _mlp_init(ks[6], NUM_IN_C, NH, CE),
        'v_net': _mlp_init(ks[7], v_dim, NH, VE),
        'e_net': _mlp_init(ks[8], e_dim, NH, EE),
        'c_net': _mlp_init(ks[9], c_dim, NH, CE),
        'dec_v': _mlp_init(ks[10], VE, NH, OUT_V),
        'dec_e': _mlp_init(ks[11], EE, NH, OUT_E),
        'dec_c': _mlp_init(ks[12], CE, NH, OUT_C),
    }
    return {'vertex': vertex, 'edge': edge, 'context': context,
            'incoming': incoming, 'params': params}


def _forward(vertex, edge, context, incoming, params):
    emb_V = _mlp(params['enc_v'], vertex)        # [B,V,VE]
    emb_E = _mlp(params['enc_e'], edge)          # [B,V,D,EE]
    emb_C = _mlp(params['enc_c'], context)       # [B,CE]
    I = incoming                                  # [B,V,D]
    mask = I > 0
    bidx = jnp.arange(B)[:, None, None]
    outV, outE, outC = [], [], []
    for _ in range(T):
        pad_V = jnp.pad(emb_V, ((0, 0), (1, 0), (0, 0)))  # [B,V+1,VE]
        # sendV[b,v,d,:] = pad_V[b, I[b,v,d], :]  (torch gather on padded rV, then [:,1:])
        sendV = pad_V[bidx, I, :]                          # [B,V,D,VE]
        recV = jnp.broadcast_to(emb_V[:, :, None, :], (B, V, D, VE))
        recV = jnp.where(mask[..., None], recV, 0.0)
        rC = jnp.broadcast_to(emb_C[:, None, None, :], (B, V, D, CE))
        e_input = jnp.concatenate([emb_E, recV, sendV, rC], axis=-1)
        emb_E = _mlp(params['e_net'], e_input)             # [B,V,D,EE]
        masked_E = jnp.where(mask[..., None], emb_E, 0.0)
        edge_sum = masked_E.sum(2)                         # [B,V,EE]
        num_send = mask.sum(2).astype(jnp.float32)[..., None]  # [B,V,1]
        # torch: avgE = edge_sum/num_send with NaN (0/0) replaced by 0
        avgE = jnp.where(num_send > 0, edge_sum / jnp.maximum(num_send, 1.0), 0.0)
        expC = jnp.broadcast_to(emb_C[:, None, :], (B, V, CE))
        v_input = jnp.concatenate([avgE, emb_V, expC], axis=-1)
        emb_V = _mlp(params['v_net'], v_input)             # [B,V,VE]
        num_edges = num_send.sum(1)                        # [B,1]
        global_e = masked_E.sum((1, 2)) / num_edges        # [B,EE]
        global_v = emb_V.sum(1) / NUM_VERTICES             # [B,VE]
        c_input = jnp.concatenate([global_e, global_v, emb_C], axis=-1)
        emb_C = _mlp(params['c_net'], c_input)             # [B,CE]
        oV = _mlp(params['dec_v'], emb_V)
        oE = jax.nn.log_softmax(_mlp(params['dec_e'], emb_E), axis=-1)
        oE = jnp.where(mask[..., None], oE, 0.0)
        oC = _mlp(params['dec_c'], emb_C)
        outV.append(oV)
        outE.append(oE)
        outC.append(oC)
    return (jnp.stack(outV), jnp.stack(outE), jnp.stack(outC))


def reference(vertex, edge, context, incoming, params):
    return _forward(vertex, edge, context, incoming, params)

if __name__ == "__main__":
    import jax
    _d = setup_inputs()
    print(jax.jit(kernel)(*tuple(_d.values())))

</pallas_src>

<mosaic_0001>
#map = affine_map<(d0, d1) -> (0, 0)>
#map1 = affine_map<(d0, d1) -> (0)>
module attributes {stable_mosaic.version = 14 : i64} {
  func.func @gk(%arg0: i32, %arg1: i32, %arg2: memref<40000x16xf32, #tpu.memory_space<hbm>>, %arg3: memref<40000x16xf32, #tpu.memory_space<hbm>>, %arg4: memref<640000xi32, #tpu.memory_space<hbm>>, %arg5: memref<640000xi32, #tpu.memory_space<hbm>>, %arg6: memref<640000x16xf32, #tpu.memory_space<hbm>>, %arg7: memref<640000x16xf32, #tpu.memory_space<hbm>>, %arg8: memref<20000xi32, #tpu.memory_space<vmem>>, %arg9: memref<20000xi32, #tpu.memory_space<vmem>>, %arg10: memref<1000x16xf32, #tpu.memory_space<vmem>>, %arg11: memref<1000x16xf32, #tpu.memory_space<vmem>>, %arg12: memref<1000x16xf32, #tpu.memory_space<vmem>>, %arg13: memref<1000x16xf32, #tpu.memory_space<vmem>>, %arg14: memref<!tpu.dma_semaphore, #tpu.memory_space<semaphore_mem>>, %arg15: memref<!tpu.dma_semaphore, #tpu.memory_space<semaphore_mem>>, %arg16: memref<!tpu.dma_semaphore, #tpu.memory_space<semaphore_mem>>, %arg17: memref<!tpu.dma_semaphore, #tpu.memory_space<semaphore_mem>>) attributes {dimension_semantics = [#tpu.dimension_semantics<core_parallel>, #tpu.dimension_semantics<subcore_parallel>], iteration_bounds = array<i64: 2, 16>, scalar_prefetch = 0 : i64, scratch_operands = 10 : i64, tpu.core_type = #tpu.core_type<sc_vector_subcore>, window_params = [{transform_indices = #map}, {transform_indices = #map}, {transform_indices = #map1}, {transform_indices = #map1}, {transform_indices = #map}, {transform_indices = #map}]} {
    %mul3A = arith.constant 2 : i32
    %mul3A_0 = arith.muli %arg1, %mul3A : i32
    %add3A = arith.addi %mul3A_0, %arg0 : i32
    %mul3A_1 = arith.constant 20000 : i32
    %mul3A_2 = arith.muli %add3A, %mul3A_1 : i32
    "tpu.region"() ({
      %run_scoped3A = tpu.sem_alloc : memref<!tpu.dma_semaphore, #tpu.memory_space<semaphore_mem>>
      %dma_start3A_27 = tpu.memref_slice %arg4[%mul3A_2] : memref<640000xi32, #tpu.memory_space<hbm>> -> memref<20000xi32, #tpu.memory_space<hbm>>
      %dma_start3A_28 = tpu.memref_slice %arg4[%mul3A_2] : memref<640000xi32, #tpu.memory_space<hbm>> -> memref<20000xi32, #tpu.memory_space<hbm>>
      tpu.enqueue_dma source(%dma_start3A_28 : memref<20000xi32, #tpu.memory_space<hbm>>) target(%arg8 : memref<20000xi32, #tpu.memory_space<vmem>>) target_semaphore(%run_scoped3A : memref<!tpu.dma_semaphore, #tpu.memory_space<semaphore_mem>>)
      %dma_wait3A = tpu.memref_slice %arg4[%mul3A_2] : memref<640000xi32, #tpu.memory_space<hbm>> -> memref<20000xi32, #tpu.memory_space<hbm>>
      %dma_wait3A_29 = tpu.memref_slice %arg4[%mul3A_2] : memref<640000xi32, #tpu.memory_space<hbm>> -> memref<20000xi32, #tpu.memory_space<hbm>>
      tpu.wait_dma2 semaphore(%run_scoped3A : memref<!tpu.dma_semaphore, #tpu.memory_space<semaphore_mem>>) src(%dma_wait3A_29 : memref<20000xi32, #tpu.memory_space<hbm>>) dst(%arg8 : memref<20000xi32, #tpu.memory_space<vmem>>)
      tpu.yield
    }) : () -> ()
    "tpu.region"() ({
      %run_scoped3A = tpu.sem_alloc : memref<!tpu.dma_semaphore, #tpu.memory_space<semaphore_mem>>
      %dma_start3A_27 = tpu.memref_slice %arg5[%mul3A_2] : memref<640000xi32, #tpu.memory_space<hbm>> -> memref<20000xi32, #tpu.memory_space<hbm>>
      %dma_start3A_28 = tpu.memref_slice %arg5[%mul3A_2] : memref<640000xi32, #tpu.memory_space<hbm>> -> memref<20000xi32, #tpu.memory_space<hbm>>
      tpu.enqueue_dma source(%dma_start3A_28 : memref<20000xi32, #tpu.memory_space<hbm>>) target(%arg9 : memref<20000xi32, #tpu.memory_space<vmem>>) target_semaphore(%run_scoped3A : memref<!tpu.dma_semaphore, #tpu.memory_space<semaphore_mem>>)
      %dma_wait3A = tpu.memref_slice %arg5[%mul3A_2] : memref<640000xi32, #tpu.memory_space<hbm>> -> memref<20000xi32, #tpu.memory_space<hbm>>
      %dma_wait3A_29 = tpu.memref_slice %arg5[%mul3A_2] : memref<640000xi32, #tpu.memory_space<hbm>> -> memref<20000xi32, #tpu.memory_space<hbm>>
      tpu.wait_dma2 semaphore(%run_scoped3A : memref<!tpu.dma_semaphore, #tpu.memory_space<semaphore_mem>>) src(%dma_wait3A_29 : memref<20000xi32, #tpu.memory_space<hbm>>) dst(%arg9 : memref<20000xi32, #tpu.memory_space<vmem>>)
      tpu.yield
    }) : () -> ()
    %dma_start3A = arith.constant 0 : i32
    %dma_start3A_3 = tpu.memref_slice %arg8[%dma_start3A] : memref<20000xi32, #tpu.memory_space<vmem>> -> memref<1000xi32, #tpu.memory_space<vmem>>
    %dma_start3A_4 = arith.constant 0 : i32
    %dma_start3A_5 = arith.constant 0 : i32
    %dma_start3A_6 = tpu.memref_slice %arg2[%dma_start3A_4, %dma_start3A_5] : memref<40000x16xf32, #tpu.memory_space<hbm>> -> memref<40000x16xf32, #tpu.memory_space<hbm>>
    tpu.enqueue_indirect_dma source(%dma_start3A_6 : memref<40000x16xf32, #tpu.memory_space<hbm>>) target(%arg10 : memref<1000x16xf32, #tpu.memory_space<vmem>>) offsets(%dma_start3A_3 : memref<1000xi32, #tpu.memory_space<vmem>>) semaphore(%arg14 : memref<!tpu.dma_semaphore, #tpu.memory_space<semaphore_mem>>)
    %dma_start3A_7 = arith.constant 0 : i32
    %dma_start3A_8 = tpu.memref_slice %arg9[%dma_start3A_7] : memref<20000xi32, #tpu.memory_space<vmem>> -> memref<1000xi32, #tpu.memory_space<vmem>>
    %dma_start3A_9 = arith.constant 0 : i32
    %dma_start3A_10 = arith.constant 0 : i32
    %dma_start3A_11 = tpu.memref_slice %arg3[%dma_start3A_9, %dma_start3A_10] : memref<40000x16xf32, #tpu.memory_space<hbm>> -> memref<40000x16xf32, #tpu.memory_space<hbm>>
    tpu.enqueue_indirect_dma source(%dma_start3A_11 : memref<40000x16xf32, #tpu.memory_space<hbm>>) target(%arg12 : memref<1000x16xf32, #tpu.memory_space<vmem>>) offsets(%dma_start3A_8 : memref<1000xi32, #tpu.memory_space<vmem>>) semaphore(%arg16 : memref<!tpu.dma_semaphore, #tpu.memory_space<semaphore_mem>>)
    %dma_start3A_12 = arith.constant 1000 : i32
    %dma_start3A_13 = tpu.memref_slice %arg8[%dma_start3A_12] : memref<20000xi32, #tpu.memory_space<vmem>> -> memref<1000xi32, #tpu.memory_space<vmem>>
    %dma_start3A_14 = arith.constant 0 : i32
    %dma_start3A_15 = arith.constant 0 : i32
    %dma_start3A_16 = tpu.memref_slice %arg2[%dma_start3A_14, %dma_start3A_15] : memref<40000x16xf32, #tpu.memory_space<hbm>> -> memref<40000x16xf32, #tpu.memory_space<hbm>>
    tpu.enqueue_indirect_dma source(%dma_start3A_16 : memref<40000x16xf32, #tpu.memory_space<hbm>>) target(%arg11 : memref<1000x16xf32, #tpu.memory_space<vmem>>) offsets(%dma_start3A_13 : memref<1000xi32, #tpu.memory_space<vmem>>) semaphore(%arg15 : memref<!tpu.dma_semaphore, #tpu.memory_space<semaphore_mem>>)
    %dma_start3A_17 = arith.constant 1000 : i32
    %dma_start3A_18 = tpu.memref_slice %arg9[%dma_start3A_17] : memref<20000xi32, #tpu.memory_space<vmem>> -> memref<1000xi32, #tpu.memory_space<vmem>>
    %dma_start3A_19 = arith.constant 0 : i32
    %dma_start3A_20 = arith.constant 0 : i32
    %dma_start3A_21 = tpu.memref_slice %arg3[%dma_start3A_19, %dma_start3A_20] : memref<40000x16xf32, #tpu.memory_space<hbm>> -> memref<40000x16xf32, #tpu.memory_space<hbm>>
    tpu.enqueue_indirect_dma source(%dma_start3A_21 : memref<40000x16xf32, #tpu.memory_space<hbm>>) target(%arg13 : memref<1000x16xf32, #tpu.memory_space<vmem>>) offsets(%dma_start3A_18 : memref<1000xi32, #tpu.memory_space<vmem>>) semaphore(%arg17 : memref<!tpu.dma_semaphore, #tpu.memory_space<semaphore_mem>>)
    %scan3A = arith.constant 0 : i32
    %scan3A_22 = arith.constant 0 : i32
    %scan3A_23 = arith.constant 10 : i32
    %scan3A_24 = arith.addi %scan3A_22, %scan3A_23 : i32
    %scan3A_25 = arith.constant 1 : i32
    scf.for %scan3A_27 = %scan3A_22 to %scan3A_24 step %scan3A_25  : i32 {
      %mul3A_28 = arith.constant 2 : i32
      %mul3A_29 = arith.muli %mul3A_28, %scan3A_27 : i32
      %add3A_30 = arith.constant 0 : i32
      %add3A_31 = arith.addi %mul3A_29, %add3A_30 : i32
      %mul3A_32 = arith.constant 1000 : i32
      %mul3A_33 = arith.muli %add3A_31, %mul3A_32 : i32
      %dma_wait3A = tpu.memref_slice %arg8[%mul3A_33] : memref<20000xi32, #tpu.memory_space<vmem>> -> memref<1000xi32, #tpu.memory_space<vmem>>
      %dma_wait3A_34 = arith.constant 0 : i32
      %dma_wait3A_35 = arith.constant 0 : i32
      %dma_wait3A_36 = tpu.memref_slice %arg2[%dma_wait3A_34, %dma_wait3A_35] : memref<40000x16xf32, #tpu.memory_space<hbm>> -> memref<40000x16xf32, #tpu.memory_space<hbm>>
      tpu.wait_indirect_dma semaphore(%arg14 : memref<!tpu.dma_semaphore, #tpu.memory_space<semaphore_mem>>) src(%dma_wait3A_36 : memref<40000x16xf32, #tpu.memory_space<hbm>>) dst(%arg10 : memref<1000x16xf32, #tpu.memory_space<vmem>>)
      %mul3A_37 = arith.constant 1000 : i32
      %mul3A_38 = arith.muli %add3A_31, %mul3A_37 : i32
      %dma_wait3A_39 = tpu.memref_slice %arg9[%mul3A_38] : memref<20000xi32, #tpu.memory_space<vmem>> -> memref<1000xi32, #tpu.memory_space<vmem>>
      %dma_wait3A_40 = arith.constant 0 : i32
      %dma_wait3A_41 = arith.constant 0 : i32
      %dma_wait3A_42 = tpu.memref_slice %arg3[%dma_wait3A_40, %dma_wait3A_41] : memref<40000x16xf32, #tpu.memory_space<hbm>> -> memref<40000x16xf32, #tpu.memory_space<hbm>>
      tpu.wait_indirect_dma semaphore(%arg16 : memref<!tpu.dma_semaphore, #tpu.memory_space<semaphore_mem>>) src(%dma_wait3A_42 : memref<40000x16xf32, #tpu.memory_space<hbm>>) dst(%arg12 : memref<1000x16xf32, #tpu.memory_space<vmem>>)
      %mul3A_43 = arith.constant 1000 : i32
      %mul3A_44 = arith.muli %add3A_31, %mul3A_43 : i32
      %add3A_45 = arith.addi %mul3A_2, %mul3A_44 : i32
      "tpu.region"() ({
        %run_scoped3A = tpu.sem_alloc : memref<!tpu.dma_semaphore, #tpu.memory_space<semaphore_mem>>
        %dma_start3A_82 = arith.constant 0 : i32
        %dma_start3A_83 = tpu.memref_slice %arg6[%add3A_45, %dma_start3A_82] : memref<640000x16xf32, #tpu.memory_space<hbm>> -> memref<1000x16xf32, #tpu.memory_space<hbm>>
        %dma_start3A_84 = arith.constant 0 : i32
        %dma_start3A_85 = tpu.memref_slice %arg6[%add3A_45, %dma_start3A_84] : memref<640000x16xf32, #tpu.memory_space<hbm>> -> memref<1000x16xf32, #tpu.memory_space<hbm>>
        tpu.enqueue_dma source(%arg10 : memref<1000x16xf32, #tpu.memory_space<vmem>>) target(%dma_start3A_85 : memref<1000x16xf32, #tpu.memory_space<hbm>>) target_semaphore(%run_scoped3A : memref<!tpu.dma_semaphore, #tpu.memory_space<semaphore_mem>>)
        %dma_wait3A_86 = arith.constant 0 : i32
        %dma_wait3A_87 = tpu.memref_slice %arg6[%add3A_45, %dma_wait3A_86] : memref<640000x16xf32, #tpu.memory_space<hbm>> -> memref<1000x16xf32, #tpu.memory_space<hbm>>
        %dma_wait3A_88 = arith.constant 0 : i32
        %dma_wait3A_89 = tpu.memref_slice %arg6[%add3A_45, %dma_wait3A_88] : memref<640000x16xf32, #tpu.memory_space<hbm>> -> memref<1000x16xf32, #tpu.memory_space<hbm>>
        tpu.wait_dma2 semaphore(%run_scoped3A : memref<!tpu.dma_semaphore, #tpu.memory_space<semaphore_mem>>) src(%arg10 : memref<1000x16xf32, #tpu.memory_space<vmem>>) dst(%dma_wait3A_89 : memref<1000x16xf32, #tpu.memory_space<hbm>>)
        tpu.yield
      }) : () -> ()
      %mul3A_46 = arith.constant 1000 : i32
      %mul3A_47 = arith.muli %add3A_31, %mul3A_46 : i32
      %add3A_48 = arith.addi %mul3A_2, %mul3A_47 : i32
      "tpu.region"() ({
        %run_scoped3A = tpu.sem_alloc : memref<!tpu.dma_semaphore, #tpu.memory_space<semaphore_mem>>
        %dma_start3A_82 = arith.constant 0 : i32
        %dma_start3A_83 = tpu.memref_slice %arg7[%add3A_48, %dma_start3A_82] : memref<640000x16xf32, #tpu.memory_space<hbm>> -> memref<1000x16xf32, #tpu.memory_space<hbm>>
        %dma_start3A_84 = arith.constant 0 : i32
        %dma_start3A_85 = tpu.memref_slice %arg7[%add3A_48, %dma_start3A_84] : memref<640000x16xf32, #tpu.memory_space<hbm>> -> memref<1000x16xf32, #tpu.memory_space<hbm>>
        tpu.enqueue_dma source(%arg12 : memref<1000x16xf32, #tpu.memory_space<vmem>>) target(%dma_start3A_85 : memref<1000x16xf32, #tpu.memory_space<hbm>>) target_semaphore(%run_scoped3A : memref<!tpu.dma_semaphore, #tpu.memory_space<semaphore_mem>>)
        %dma_wait3A_86 = arith.constant 0 : i32
        %dma_wait3A_87 = tpu.memref_slice %arg7[%add3A_48, %dma_wait3A_86] : memref<640000x16xf32, #tpu.memory_space<hbm>> -> memref<1000x16xf32, #tpu.memory_space<hbm>>
        %dma_wait3A_88 = arith.constant 0 : i32
        %dma_wait3A_89 = tpu.memref_slice %arg7[%add3A_48, %dma_wait3A_88] : memref<640000x16xf32, #tpu.memory_space<hbm>> -> memref<1000x16xf32, #tpu.memory_space<hbm>>
        tpu.wait_dma2 semaphore(%run_scoped3A : memref<!tpu.dma_semaphore, #tpu.memory_space<semaphore_mem>>) src(%arg12 : memref<1000x16xf32, #tpu.memory_space<vmem>>) dst(%dma_wait3A_89 : memref<1000x16xf32, #tpu.memory_space<hbm>>)
        tpu.yield
      }) : () -> ()
      %add3A_49 = arith.constant 2 : i32
      %add3A_50 = arith.addi %add3A_31, %add3A_49 : i32
      %lt3A = arith.constant 20 : i32
      %lt3A_51 = arith.cmpi slt, %add3A_50, %lt3A : i32
      %convert_element_type3A = arith.extui %lt3A_51 : i1 to i32
      %cond3A = arith.constant 0 : i32
      %cond3A_52 = arith.cmpi ne, %convert_element_type3A, %cond3A : i32
      scf.if %cond3A_52 {
        %add3A_82 = arith.constant 2 : i32
        %add3A_83 = arith.addi %add3A_31, %add3A_82 : i32
        %mul3A_84 = arith.constant 1000 : i32
        %mul3A_85 = arith.muli %add3A_83, %mul3A_84 : i32
        %dma_start3A_86 = tpu.memref_slice %arg8[%mul3A_85] : memref<20000xi32, #tpu.memory_space<vmem>> -> memref<1000xi32, #tpu.memory_space<vmem>>
        %dma_start3A_87 = arith.constant 0 : i32
        %dma_start3A_88 = arith.constant 0 : i32
        %dma_start3A_89 = tpu.memref_slice %arg2[%dma_start3A_87, %dma_start3A_88] : memref<40000x16xf32, #tpu.memory_space<hbm>> -> memref<40000x16xf32, #tpu.memory_space<hbm>>
        tpu.enqueue_indirect_dma source(%dma_start3A_89 : memref<40000x16xf32, #tpu.memory_space<hbm>>) target(%arg10 : memref<1000x16xf32, #tpu.memory_space<vmem>>) offsets(%dma_start3A_86 : memref<1000xi32, #tpu.memory_space<vmem>>) semaphore(%arg14 : memref<!tpu.dma_semaphore, #tpu.memory_space<semaphore_mem>>)
        %mul3A_90 = arith.constant 1000 : i32
        %mul3A_91 = arith.muli %add3A_83, %mul3A_90 : i32
        %dma_start3A_92 = tpu.memref_slice %arg9[%mul3A_91] : memref<20000xi32, #tpu.memory_space<vmem>> -> memref<1000xi32, #tpu.memory_space<vmem>>
        %dma_start3A_93 = arith.constant 0 : i32
        %dma_start3A_94 = arith.constant 0 : i32
        %dma_start3A_95 = tpu.memref_slice %arg3[%dma_start3A_93, %dma_start3A_94] : memref<40000x16xf32, #tpu.memory_space<hbm>> -> memref<40000x16xf32, #tpu.memory_space<hbm>>
        tpu.enqueue_indirect_dma source(%dma_start3A_95 : memref<40000x16xf32, #tpu.memory_space<hbm>>) target(%arg12 : memref<1000x16xf32, #tpu.memory_space<vmem>>) offsets(%dma_start3A_92 : memref<1000xi32, #tpu.memory_space<vmem>>) semaphore(%arg16 : memref<!tpu.dma_semaphore, #tpu.memory_space<semaphore_mem>>)
      } else {
      }
      %mul3A_53 = arith.constant 2 : i32
      %mul3A_54 = arith.muli %mul3A_53, %scan3A_27 : i32
      %add3A_55 = arith.constant 1 : i32
      %add3A_56 = arith.addi %mul3A_54, %add3A_55 : i32
      %mul3A_57 = arith.constant 1000 : i32
      %mul3A_58 = arith.muli %add3A_56, %mul3A_57 : i32
      %dma_wait3A_59 = tpu.memref_slice %arg8[%mul3A_58] : memref<20000xi32, #tpu.memory_space<vmem>> -> memref<1000xi32, #tpu.memory_space<vmem>>
      %dma_wait3A_60 = arith.constant 0 : i32
      %dma_wait3A_61 = arith.constant 0 : i32
      %dma_wait3A_62 = tpu.memref_slice %arg2[%dma_wait3A_60, %dma_wait3A_61] : memref<40000x16xf32, #tpu.memory_space<hbm>> -> memref<40000x16xf32, #tpu.memory_space<hbm>>
      tpu.wait_indirect_dma semaphore(%arg15 : memref<!tpu.dma_semaphore, #tpu.memory_space<semaphore_mem>>) src(%dma_wait3A_62 : memref<40000x16xf32, #tpu.memory_space<hbm>>) dst(%arg11 : memref<1000x16xf32, #tpu.memory_space<vmem>>)
      %mul3A_63 = arith.constant 1000 : i32
      %mul3A_64 = arith.muli %add3A_56, %mul3A_63 : i32
      %dma_wait3A_65 = tpu.memref_slice %arg9[%mul3A_64] : memref<20000xi32, #tpu.memory_space<vmem>> -> memref<1000xi32, #tpu.memory_space<vmem>>
      %dma_wait3A_66 = arith.constant 0 : i32
      %dma_wait3A_67 = arith.constant 0 : i32
      %dma_wait3A_68 = tpu.memref_slice %arg3[%dma_wait3A_66, %dma_wait3A_67] : memref<40000x16xf32, #tpu.memory_space<hbm>> -> memref<40000x16xf32, #tpu.memory_space<hbm>>
      tpu.wait_indirect_dma semaphore(%arg17 : memref<!tpu.dma_semaphore, #tpu.memory_space<semaphore_mem>>) src(%dma_wait3A_68 : memref<40000x16xf32, #tpu.memory_space<hbm>>) dst(%arg13 : memref<1000x16xf32, #tpu.memory_space<vmem>>)
      %mul3A_69 = arith.constant 1000 : i32
      %mul3A_70 = arith.muli %add3A_56, %mul3A_69 : i32
      %add3A_71 = arith.addi %mul3A_2, %mul3A_70 : i32
      "tpu.region"() ({
        %run_scoped3A = tpu.sem_alloc : memref<!tpu.dma_semaphore, #tpu.memory_space<semaphore_mem>>
        %dma_start3A_82 = arith.constant 0 : i32
        %dma_start3A_83 = tpu.memref_slice %arg6[%add3A_71, %dma_start3A_82] : memref<640000x16xf32, #tpu.memory_space<hbm>> -> memref<1000x16xf32, #tpu.memory_space<hbm>>
        %dma_start3A_84 = arith.constant 0 : i32
        %dma_start3A_85 = tpu.memref_slice %arg6[%add3A_71, %dma_start3A_84] : memref<640000x16xf32, #tpu.memory_space<hbm>> -> memref<1000x16xf32, #tpu.memory_space<hbm>>
        tpu.enqueue_dma source(%arg11 : memref<1000x16xf32, #tpu.memory_space<vmem>>) target(%dma_start3A_85 : memref<1000x16xf32, #tpu.memory_space<hbm>>) target_semaphore(%run_scoped3A : memref<!tpu.dma_semaphore, #tpu.memory_space<semaphore_mem>>)
        %dma_wait3A_86 = arith.constant 0 : i32
        %dma_wait3A_87 = tpu.memref_slice %arg6[%add3A_71, %dma_wait3A_86] : memref<640000x16xf32, #tpu.memory_space<hbm>> -> memref<1000x16xf32, #tpu.memory_space<hbm>>
        %dma_wait3A_88 = arith.constant 0 : i32
        %dma_wait3A_89 = tpu.memref_slice %arg6[%add3A_71, %dma_wait3A_88] : memref<640000x16xf32, #tpu.memory_space<hbm>> -> memref<1000x16xf32, #tpu.memory_space<hbm>>
        tpu.wait_dma2 semaphore(%run_scoped3A : memref<!tpu.dma_semaphore, #tpu.memory_space<semaphore_mem>>) src(%arg11 : memref<1000x16xf32, #tpu.memory_space<vmem>>) dst(%dma_wait3A_89 : memref<1000x16xf32, #tpu.memory_space<hbm>>)
        tpu.yield
      }) : () -> ()
      %mul3A_72 = arith.constant 1000 : i32
      %mul3A_73 = arith.muli %add3A_56, %mul3A_72 : i32
      %add3A_74 = arith.addi %mul3A_2, %mul3A_73 : i32
      "tpu.region"() ({
        %run_scoped3A = tpu.sem_alloc : memref<!tpu.dma_semaphore, #tpu.memory_space<semaphore_mem>>
        %dma_start3A_82 = arith.constant 0 : i32
        %dma_start3A_83 = tpu.memref_slice %arg7[%add3A_74, %dma_start3A_82] : memref<640000x16xf32, #tpu.memory_space<hbm>> -> memref<1000x16xf32, #tpu.memory_space<hbm>>
        %dma_start3A_84 = arith.constant 0 : i32
        %dma_start3A_85 = tpu.memref_slice %arg7[%add3A_74, %dma_start3A_84] : memref<640000x16xf32, #tpu.memory_space<hbm>> -> memref<1000x16xf32, #tpu.memory_space<hbm>>
        tpu.enqueue_dma source(%arg13 : memref<1000x16xf32, #tpu.memory_space<vmem>>) target(%dma_start3A_85 : memref<1000x16xf32, #tpu.memory_space<hbm>>) target_semaphore(%run_scoped3A : memref<!tpu.dma_semaphore, #tpu.memory_space<semaphore_mem>>)
        %dma_wait3A_86 = arith.constant 0 : i32
        %dma_wait3A_87 = tpu.memref_slice %arg7[%add3A_74, %dma_wait3A_86] : memref<640000x16xf32, #tpu.memory_space<hbm>> -> memref<1000x16xf32, #tpu.memory_space<hbm>>
        %dma_wait3A_88 = arith.constant 0 : i32
        %dma_wait3A_89 = tpu.memref_slice %arg7[%add3A_74, %dma_wait3A_88] : memref<640000x16xf32, #tpu.memory_space<hbm>> -> memref<1000x16xf32, #tpu.memory_space<hbm>>
        tpu.wait_dma2 semaphore(%run_scoped3A : memref<!tpu.dma_semaphore, #tpu.memory_space<semaphore_mem>>) src(%arg13 : memref<1000x16xf32, #tpu.memory_space<vmem>>) dst(%dma_wait3A_89 : memref<1000x16xf32, #tpu.memory_space<hbm>>)
        tpu.yield
      }) : () -> ()
      %add3A_75 = arith.constant 2 : i32
      %add3A_76 = arith.addi %add3A_56, %add3A_75 : i32
      %lt3A_77 = arith.constant 20 : i32
      %lt3A_78 = arith.cmpi slt, %add3A_76, %lt3A_77 : i32
      %convert_element_type3A_79 = arith.extui %lt3A_78 : i1 to i32
      %cond3A_80 = arith.constant 0 : i32
      %cond3A_81 = arith.cmpi ne, %convert_element_type3A_79, %cond3A_80 : i32
      scf.if %cond3A_81 {
        %add3A_82 = arith.constant 2 : i32
        %add3A_83 = arith.addi %add3A_56, %add3A_82 : i32
        %mul3A_84 = arith.constant 1000 : i32
        %mul3A_85 = arith.muli %add3A_83, %mul3A_84 : i32
        %dma_start3A_86 = tpu.memref_slice %arg8[%mul3A_85] : memref<20000xi32, #tpu.memory_space<vmem>> -> memref<1000xi32, #tpu.memory_space<vmem>>
        %dma_start3A_87 = arith.constant 0 : i32
        %dma_start3A_88 = arith.constant 0 : i32
        %dma_start3A_89 = tpu.memref_slice %arg2[%dma_start3A_87, %dma_start3A_88] : memref<40000x16xf32, #tpu.memory_space<hbm>> -> memref<40000x16xf32, #tpu.memory_space<hbm>>
        tpu.enqueue_indirect_dma source(%dma_start3A_89 : memref<40000x16xf32, #tpu.memory_space<hbm>>) target(%arg11 : memref<1000x16xf32, #tpu.memory_space<vmem>>) offsets(%dma_start3A_86 : memref<1000xi32, #tpu.memory_space<vmem>>) semaphore(%arg15 : memref<!tpu.dma_semaphore, #tpu.memory_space<semaphore_mem>>)
        %mul3A_90 = arith.constant 1000 : i32
        %mul3A_91 = arith.muli %add3A_83, %mul3A_90 : i32
        %dma_start3A_92 = tpu.memref_slice %arg9[%mul3A_91] : memref<20000xi32, #tpu.memory_space<vmem>> -> memref<1000xi32, #tpu.memory_space<vmem>>
        %dma_start3A_93 = arith.constant 0 : i32
        %dma_start3A_94 = arith.constant 0 : i32
        %dma_start3A_95 = tpu.memref_slice %arg3[%dma_start3A_93, %dma_start3A_94] : memref<40000x16xf32, #tpu.memory_space<hbm>> -> memref<40000x16xf32, #tpu.memory_space<hbm>>
        tpu.enqueue_indirect_dma source(%dma_start3A_95 : memref<40000x16xf32, #tpu.memory_space<hbm>>) target(%arg13 : memref<1000x16xf32, #tpu.memory_space<vmem>>) offsets(%dma_start3A_92 : memref<1000xi32, #tpu.memory_space<vmem>>) semaphore(%arg17 : memref<!tpu.dma_semaphore, #tpu.memory_space<semaphore_mem>>)
      } else {
      }
    }
    %scan3A_26 = arith.constant 10 : i32
    return
  }
}

#map = affine_map<(d0, d1) -> (0, 0)>
#map1 = affine_map<(d0, d1) -> (0)>
module attributes {stable_mosaic.version = 14 : i64} {
  func.func @gk(%arg0: i32, %arg1: i32, %arg2: memref<40000x16xf32, #tpu.memory_space<hbm>>, %arg3: memref<40000x16xf32, #tpu.memory_space<hbm>>, %arg4: memref<640000xi32, #tpu.memory_space<hbm>>, %arg5: memref<640000xi32, #tpu.memory_space<hbm>>, %arg6: memref<640000x16xf32, #tpu.memory_space<hbm>>, %arg7: memref<640000x16xf32, #tpu.memory_space<hbm>>, %arg8: memref<20000xi32, #tpu.memory_space<vmem>>, %arg9: memref<20000xi32, #tpu.memory_space<vmem>>, %arg10: memref<1000x16xf32, #tpu.memory_space<vmem>>, %arg11: memref<1000x16xf32, #tpu.memory_space<vmem>>, %arg12: memref<1000x16xf32, #tpu.memory_space<vmem>>, %arg13: memref<1000x16xf32, #tpu.memory_space<vmem>>, %arg14: memref<!tpu.dma_semaphore, #tpu.memory_space<semaphore_mem>>, %arg15: memref<!tpu.dma_semaphore, #tpu.memory_space<semaphore_mem>>, %arg16: memref<!tpu.dma_semaphore, #tpu.memory_space<semaphore_mem>>, %arg17: memref<!tpu.dma_semaphore, #tpu.memory_space<semaphore_mem>>) attributes {dimension_semantics = [#tpu.dimension_semantics<core_parallel>, #tpu.dimension_semantics<subcore_parallel>], iteration_bounds = array<i64: 2, 16>, scalar_prefetch = 0 : i64, scratch_operands = 10 : i64, tpu.core_type = #tpu.core_type<sc_vector_subcore>, window_params = [{transform_indices = #map}, {transform_indices = #map}, {transform_indices = #map1}, {transform_indices = #map1}, {transform_indices = #map}, {transform_indices = #map}]} {
    %mul3A = arith.constant 2 : i32
    %mul3A_0 = arith.muli %arg1, %mul3A : i32
    %add3A = arith.addi %mul3A_0, %arg0 : i32
    %mul3A_1 = arith.constant 20000 : i32
    %mul3A_2 = arith.muli %add3A, %mul3A_1 : i32
    "tpu.region"() ({
      %run_scoped3A = tpu.sem_alloc : memref<!tpu.dma_semaphore, #tpu.memory_space<semaphore_mem>>
      %dma_start3A_27 = tpu.memref_slice %arg4[%mul3A_2] : memref<640000xi32, #tpu.memory_space<hbm>> -> memref<20000xi32, #tpu.memory_space<hbm>>
      %dma_start3A_28 = tpu.memref_slice %arg4[%mul3A_2] : memref<640000xi32, #tpu.memory_space<hbm>> -> memref<20000xi32, #tpu.memory_space<hbm>>
      tpu.enqueue_dma source(%dma_start3A_28 : memref<20000xi32, #tpu.memory_space<hbm>>) target(%arg8 : memref<20000xi32, #tpu.memory_space<vmem>>) target_semaphore(%run_scoped3A : memref<!tpu.dma_semaphore, #tpu.memory_space<semaphore_mem>>)
      %dma_wait3A = tpu.memref_slice %arg4[%mul3A_2] : memref<640000xi32, #tpu.memory_space<hbm>> -> memref<20000xi32, #tpu.memory_space<hbm>>
      %dma_wait3A_29 = tpu.memref_slice %arg4[%mul3A_2] : memref<640000xi32, #tpu.memory_space<hbm>> -> memref<20000xi32, #tpu.memory_space<hbm>>
      tpu.wait_dma2 semaphore(%run_scoped3A : memref<!tpu.dma_semaphore, #tpu.memory_space<semaphore_mem>>) src(%dma_wait3A_29 : memref<20000xi32, #tpu.memory_space<hbm>>) dst(%arg8 : memref<20000xi32, #tpu.memory_space<vmem>>)
      tpu.yield
    }) : () -> ()
    "tpu.region"() ({
      %run_scoped3A = tpu.sem_alloc : memref<!tpu.dma_semaphore, #tpu.memory_space<semaphore_mem>>
      %dma_start3A_27 = tpu.memref_slice %arg5[%mul3A_2] : memref<640000xi32, #tpu.memory_space<hbm>> -> memref<20000xi32, #tpu.memory_space<hbm>>
      %dma_start3A_28 = tpu.memref_slice %arg5[%mul3A_2] : memref<640000xi32, #tpu.memory_space<hbm>> -> memref<20000xi32, #tpu.memory_space<hbm>>
      tpu.enqueue_dma source(%dma_start3A_28 : memref<20000xi32, #tpu.memory_space<hbm>>) target(%arg9 : memref<20000xi32, #tpu.memory_space<vmem>>) target_semaphore(%run_scoped3A : memref<!tpu.dma_semaphore, #tpu.memory_space<semaphore_mem>>)
      %dma_wait3A = tpu.memref_slice %arg5[%mul3A_2] : memref<640000xi32, #tpu.memory_space<hbm>> -> memref<20000xi32, #tpu.memory_space<hbm>>
      %dma_wait3A_29 = tpu.memref_slice %arg5[%mul3A_2] : memref<640000xi32, #tpu.memory_space<hbm>> -> memref<20000xi32, #tpu.memory_space<hbm>>
      tpu.wait_dma2 semaphore(%run_scoped3A : memref<!tpu.dma_semaphore, #tpu.memory_space<semaphore_mem>>) src(%dma_wait3A_29 : memref<20000xi32, #tpu.memory_space<hbm>>) dst(%arg9 : memref<20000xi32, #tpu.memory_space<vmem>>)
      tpu.yield
    }) : () -> ()
    %dma_start3A = arith.constant 0 : i32
    %dma_start3A_3 = tpu.memref_slice %arg8[%dma_start3A] : memref<20000xi32, #tpu.memory_space<vmem>> -> memref<1000xi32, #tpu.memory_space<vmem>>
    %dma_start3A_4 = arith.constant 0 : i32
    %dma_start3A_5 = arith.constant 0 : i32
    %dma_start3A_6 = tpu.memref_slice %arg2[%dma_start3A_4, %dma_start3A_5] : memref<40000x16xf32, #tpu.memory_space<hbm>> -> memref<40000x16xf32, #tpu.memory_space<hbm>>
    tpu.enqueue_indirect_dma source(%dma_start3A_6 : memref<40000x16xf32, #tpu.memory_space<hbm>>) target(%arg10 : memref<1000x16xf32, #tpu.memory_space<vmem>>) offsets(%dma_start3A_3 : memref<1000xi32, #tpu.memory_space<vmem>>) semaphore(%arg14 : memref<!tpu.dma_semaphore, #tpu.memory_space<semaphore_mem>>)
    %dma_start3A_7 = arith.constant 0 : i32
    %dma_start3A_8 = tpu.memref_slice %arg9[%dma_start3A_7] : memref<20000xi32, #tpu.memory_space<vmem>> -> memref<1000xi32, #tpu.memory_space<vmem>>
    %dma_start3A_9 = arith.constant 0 : i32
    %dma_start3A_10 = arith.constant 0 : i32
    %dma_start3A_11 = tpu.memref_slice %arg3[%dma_start3A_9, %dma_start3A_10] : memref<40000x16xf32, #tpu.memory_space<hbm>> -> memref<40000x16xf32, #tpu.memory_space<hbm>>
    tpu.enqueue_indirect_dma source(%dma_start3A_11 : memref<40000x16xf32, #tpu.memory_space<hbm>>) target(%arg12 : memref<1000x16xf32, #tpu.memory_space<vmem>>) offsets(%dma_start3A_8 : memref<1000xi32, #tpu.memory_space<vmem>>) semaphore(%arg16 : memref<!tpu.dma_semaphore, #tpu.memory_space<semaphore_mem>>)
    %dma_start3A_12 = arith.constant 1000 : i32
    %dma_start3A_13 = tpu.memref_slice %arg8[%dma_start3A_12] : memref<20000xi32, #tpu.memory_space<vmem>> -> memref<1000xi32, #tpu.memory_space<vmem>>
    %dma_start3A_14 = arith.constant 0 : i32
    %dma_start3A_15 = arith.constant 0 : i32
    %dma_start3A_16 = tpu.memref_slice %arg2[%dma_start3A_14, %dma_start3A_15] : memref<40000x16xf32, #tpu.memory_space<hbm>> -> memref<40000x16xf32, #tpu.memory_space<hbm>>
    tpu.enqueue_indirect_dma source(%dma_start3A_16 : memref<40000x16xf32, #tpu.memory_space<hbm>>) target(%arg11 : memref<1000x16xf32, #tpu.memory_space<vmem>>) offsets(%dma_start3A_13 : memref<1000xi32, #tpu.memory_space<vmem>>) semaphore(%arg15 : memref<!tpu.dma_semaphore, #tpu.memory_space<semaphore_mem>>)
    %dma_start3A_17 = arith.constant 1000 : i32
    %dma_start3A_18 = tpu.memref_slice %arg9[%dma_start3A_17] : memref<20000xi32, #tpu.memory_space<vmem>> -> memref<1000xi32, #tpu.memory_space<vmem>>
    %dma_start3A_19 = arith.constant 0 : i32
    %dma_start3A_20 = arith.constant 0 : i32
    %dma_start3A_21 = tpu.memref_slice %arg3[%dma_start3A_19, %dma_start3A_20] : memref<40000x16xf32, #tpu.memory_space<hbm>> -> memref<40000x16xf32, #tpu.memory_space<hbm>>
    tpu.enqueue_indirect_dma source(%dma_start3A_21 : memref<40000x16xf32, #tpu.memory_space<hbm>>) target(%arg13 : memref<1000x16xf32, #tpu.memory_space<vmem>>) offsets(%dma_start3A_18 : memref<1000xi32, #tpu.memory_space<vmem>>) semaphore(%arg17 : memref<!tpu.dma_semaphore, #tpu.memory_space<semaphore_mem>>)
    %scan3A = arith.constant 0 : i32
    %scan3A_22 = arith.constant 0 : i32
    %scan3A_23 = arith.constant 10 : i32
    %scan3A_24 = arith.addi %scan3A_22, %scan3A_23 : i32
    %scan3A_25 = arith.constant 1 : i32
    scf.for %scan3A_27 = %scan3A_22 to %scan3A_24 step %scan3A_25  : i32 {
      %mul3A_28 = arith.constant 2 : i32
      %mul3A_29 = arith.muli %mul3A_28, %scan3A_27 : i32
      %add3A_30 = arith.constant 0 : i32
      %add3A_31 = arith.addi %mul3A_29, %add3A_30 : i32
      %mul3A_32 = arith.constant 1000 : i32
      %mul3A_33 = arith.muli %add3A_31, %mul3A_32 : i32
      %dma_wait3A = tpu.memref_slice %arg8[%mul3A_33] : memref<20000xi32, #tpu.memory_space<vmem>> -> memref<1000xi32, #tpu.memory_space<vmem>>
      %dma_wait3A_34 = arith.constant 0 : i32
      %dma_wait3A_35 = arith.constant 0 : i32
      %dma_wait3A_36 = tpu.memref_slice %arg2[%dma_wait3A_34, %dma_wait3A_35] : memref<40000x16xf32, #tpu.memory_space<hbm>> -> memref<40000x16xf32, #tpu.memory_space<hbm>>
      tpu.wait_indirect_dma semaphore(%arg14 : memref<!tpu.dma_semaphore, #tpu.memory_space<semaphore_mem>>) src(%dma_wait3A_36 : memref<40000x16xf32, #tpu.memory_space<hbm>>) dst(%arg10 : memref<1000x16xf32, #tpu.memory_space<vmem>>)
      %mul3A_37 = arith.constant 1000 : i32
      %mul3A_38 = arith.muli %add3A_31, %mul3A_37 : i32
      %dma_wait3A_39 = tpu.memref_slice %arg9[%mul3A_38] : memref<20000xi32, #tpu.memory_space<vmem>> -> memref<1000xi32, #tpu.memory_space<vmem>>
      %dma_wait3A_40 = arith.constant 0 : i32
      %dma_wait3A_41 = arith.constant 0 : i32
      %dma_wait3A_42 = tpu.memref_slice %arg3[%dma_wait3A_40, %dma_wait3A_41] : memref<40000x16xf32, #tpu.memory_space<hbm>> -> memref<40000x16xf32, #tpu.memory_space<hbm>>
      tpu.wait_indirect_dma semaphore(%arg16 : memref<!tpu.dma_semaphore, #tpu.memory_space<semaphore_mem>>) src(%dma_wait3A_42 : memref<40000x16xf32, #tpu.memory_space<hbm>>) dst(%arg12 : memref<1000x16xf32, #tpu.memory_space<vmem>>)
      %mul3A_43 = arith.constant 1000 : i32
      %mul3A_44 = arith.muli %add3A_31, %mul3A_43 : i32
      %add3A_45 = arith.addi %mul3A_2, %mul3A_44 : i32
      "tpu.region"() ({
        %run_scoped3A = tpu.sem_alloc : memref<!tpu.dma_semaphore, #tpu.memory_space<semaphore_mem>>
        %dma_start3A_82 = arith.constant 0 : i32
        %dma_start3A_83 = tpu.memref_slice %arg6[%add3A_45, %dma_start3A_82] : memref<640000x16xf32, #tpu.memory_space<hbm>> -> memref<1000x16xf32, #tpu.memory_space<hbm>>
        %dma_start3A_84 = arith.constant 0 : i32
        %dma_start3A_85 = tpu.memref_slice %arg6[%add3A_45, %dma_start3A_84] : memref<640000x16xf32, #tpu.memory_space<hbm>> -> memref<1000x16xf32, #tpu.memory_space<hbm>>
        tpu.enqueue_dma source(%arg10 : memref<1000x16xf32, #tpu.memory_space<vmem>>) target(%dma_start3A_85 : memref<1000x16xf32, #tpu.memory_space<hbm>>) target_semaphore(%run_scoped3A : memref<!tpu.dma_semaphore, #tpu.memory_space<semaphore_mem>>)
        %dma_wait3A_86 = arith.constant 0 : i32
        %dma_wait3A_87 = tpu.memref_slice %arg6[%add3A_45, %dma_wait3A_86] : memref<640000x16xf32, #tpu.memory_space<hbm>> -> memref<1000x16xf32, #tpu.memory_space<hbm>>
        %dma_wait3A_88 = arith.constant 0 : i32
        %dma_wait3A_89 = tpu.memref_slice %arg6[%add3A_45, %dma_wait3A_88] : memref<640000x16xf32, #tpu.memory_space<hbm>> -> memref<1000x16xf32, #tpu.memory_space<hbm>>
        tpu.wait_dma2 semaphore(%run_scoped3A : memref<!tpu.dma_semaphore, #tpu.memory_space<semaphore_mem>>) src(%arg10 : memref<1000x16xf32, #tpu.memory_space<vmem>>) dst(%dma_wait3A_89 : memref<1000x16xf32, #tpu.memory_space<hbm>>)
        tpu.yield
      }) : () -> ()
      %mul3A_46 = arith.constant 1000 : i32
      %mul3A_47 = arith.muli %add3A_31, %mul3A_46 : i32
      %add3A_48 = arith.addi %mul3A_2, %mul3A_47 : i32
      "tpu.region"() ({
        %run_scoped3A = tpu.sem_alloc : memref<!tpu.dma_semaphore, #tpu.memory_space<semaphore_mem>>
        %dma_start3A_82 = arith.constant 0 : i32
        %dma_start3A_83 = tpu.memref_slice %arg7[%add3A_48, %dma_start3A_82] : memref<640000x16xf32, #tpu.memory_space<hbm>> -> memref<1000x16xf32, #tpu.memory_space<hbm>>
        %dma_start3A_84 = arith.constant 0 : i32
        %dma_start3A_85 = tpu.memref_slice %arg7[%add3A_48, %dma_start3A_84] : memref<640000x16xf32, #tpu.memory_space<hbm>> -> memref<1000x16xf32, #tpu.memory_space<hbm>>
        tpu.enqueue_dma source(%arg12 : memref<1000x16xf32, #tpu.memory_space<vmem>>) target(%dma_start3A_85 : memref<1000x16xf32, #tpu.memory_space<hbm>>) target_semaphore(%run_scoped3A : memref<!tpu.dma_semaphore, #tpu.memory_space<semaphore_mem>>)
        %dma_wait3A_86 = arith.constant 0 : i32
        %dma_wait3A_87 = tpu.memref_slice %arg7[%add3A_48, %dma_wait3A_86] : memref<640000x16xf32, #tpu.memory_space<hbm>> -> memref<1000x16xf32, #tpu.memory_space<hbm>>
        %dma_wait3A_88 = arith.constant 0 : i32
        %dma_wait3A_89 = tpu.memref_slice %arg7[%add3A_48, %dma_wait3A_88] : memref<640000x16xf32, #tpu.memory_space<hbm>> -> memref<1000x16xf32, #tpu.memory_space<hbm>>
        tpu.wait_dma2 semaphore(%run_scoped3A : memref<!tpu.dma_semaphore, #tpu.memory_space<semaphore_mem>>) src(%arg12 : memref<1000x16xf32, #tpu.memory_space<vmem>>) dst(%dma_wait3A_89 : memref<1000x16xf32, #tpu.memory_space<hbm>>)
        tpu.yield
      }) : () -> ()
      %add3A_49 = arith.constant 2 : i32
      %add3A_50 = arith.addi %add3A_31, %add3A_49 : i32
      %lt3A = arith.constant 20 : i32
      %lt3A_51 = arith.cmpi slt, %add3A_50, %lt3A : i32
      %convert_element_type3A = arith.extui %lt3A_51 : i1 to i32
      %cond3A = arith.constant 0 : i32
      %cond3A_52 = arith.cmpi ne, %convert_element_type3A, %cond3A : i32
      scf.if %cond3A_52 {
        %add3A_82 = arith.constant 2 : i32
        %add3A_83 = arith.addi %add3A_31, %add3A_82 : i32
        %mul3A_84 = arith.constant 1000 : i32
        %mul3A_85 = arith.muli %add3A_83, %mul3A_84 : i32
        %dma_start3A_86 = tpu.memref_slice %arg8[%mul3A_85] : memref<20000xi32, #tpu.memory_space<vmem>> -> memref<1000xi32, #tpu.memory_space<vmem>>
        %dma_start3A_87 = arith.constant 0 : i32
        %dma_start3A_88 = arith.constant 0 : i32
        %dma_start3A_89 = tpu.memref_slice %arg2[%dma_start3A_87, %dma_start3A_88] : memref<40000x16xf32, #tpu.memory_space<hbm>> -> memref<40000x16xf32, #tpu.memory_space<hbm>>
        tpu.enqueue_indirect_dma source(%dma_start3A_89 : memref<40000x16xf32, #tpu.memory_space<hbm>>) target(%arg10 : memref<1000x16xf32, #tpu.memory_space<vmem>>) offsets(%dma_start3A_86 : memref<1000xi32, #tpu.memory_space<vmem>>) semaphore(%arg14 : memref<!tpu.dma_semaphore, #tpu.memory_space<semaphore_mem>>)
        %mul3A_90 = arith.constant 1000 : i32
        %mul3A_91 = arith.muli %add3A_83, %mul3A_90 : i32
        %dma_start3A_92 = tpu.memref_slice %arg9[%mul3A_91] : memref<20000xi32, #tpu.memory_space<vmem>> -> memref<1000xi32, #tpu.memory_space<vmem>>
        %dma_start3A_93 = arith.constant 0 : i32
        %dma_start3A_94 = arith.constant 0 : i32
        %dma_start3A_95 = tpu.memref_slice %arg3[%dma_start3A_93, %dma_start3A_94] : memref<40000x16xf32, #tpu.memory_space<hbm>> -> memref<40000x16xf32, #tpu.memory_space<hbm>>
        tpu.enqueue_indirect_dma source(%dma_start3A_95 : memref<40000x16xf32, #tpu.memory_space<hbm>>) target(%arg12 : memref<1000x16xf32, #tpu.memory_space<vmem>>) offsets(%dma_start3A_92 : memref<1000xi32, #tpu.memory_space<vmem>>) semaphore(%arg16 : memref<!tpu.dma_semaphore, #tpu.memory_space<semaphore_mem>>)
      } else {
      }
      %mul3A_53 = arith.constant 2 : i32
      %mul3A_54 = arith.muli %mul3A_53, %scan3A_27 : i32
      %add3A_55 = arith.constant 1 : i32
      %add3A_56 = arith.addi %mul3A_54, %add3A_55 : i32
      %mul3A_57 = arith.constant 1000 : i32
      %mul3A_58 = arith.muli %add3A_56, %mul3A_57 : i32
      %dma_wait3A_59 = tpu.memref_slice %arg8[%mul3A_58] : memref<20000xi32, #tpu.memory_space<vmem>> -> memref<1000xi32, #tpu.memory_space<vmem>>
      %dma_wait3A_60 = arith.constant 0 : i32
      %dma_wait3A_61 = arith.constant 0 : i32
      %dma_wait3A_62 = tpu.memref_slice %arg2[%dma_wait3A_60, %dma_wait3A_61] : memref<40000x16xf32, #tpu.memory_space<hbm>> -> memref<40000x16xf32, #tpu.memory_space<hbm>>
      tpu.wait_indirect_dma semaphore(%arg15 : memref<!tpu.dma_semaphore, #tpu.memory_space<semaphore_mem>>) src(%dma_wait3A_62 : memref<40000x16xf32, #tpu.memory_space<hbm>>) dst(%arg11 : memref<1000x16xf32, #tpu.memory_space<vmem>>)
      %mul3A_63 = arith.constant 1000 : i32
      %mul3A_64 = arith.muli %add3A_56, %mul3A_63 : i32
      %dma_wait3A_65 = tpu.memref_slice %arg9[%mul3A_64] : memref<20000xi32, #tpu.memory_space<vmem>> -> memref<1000xi32, #tpu.memory_space<vmem>>
      %dma_wait3A_66 = arith.constant 0 : i32
      %dma_wait3A_67 = arith.constant 0 : i32
      %dma_wait3A_68 = tpu.memref_slice %arg3[%dma_wait3A_66, %dma_wait3A_67] : memref<40000x16xf32, #tpu.memory_space<hbm>> -> memref<40000x16xf32, #tpu.memory_space<hbm>>
      tpu.wait_indirect_dma semaphore(%arg17 : memref<!tpu.dma_semaphore, #tpu.memory_space<semaphore_mem>>) src(%dma_wait3A_68 : memref<40000x16xf32, #tpu.memory_space<hbm>>) dst(%arg13 : memref<1000x16xf32, #tpu.memory_space<vmem>>)
      %mul3A_69 = arith.constant 1000 : i32
      %mul3A_70 = arith.muli %add3A_56, %mul3A_69 : i32
      %add3A_71 = arith.addi %mul3A_2, %mul3A_70 : i32
      "tpu.region"() ({
        %run_scoped3A = tpu.sem_alloc : memref<!tpu.dma_semaphore, #tpu.memory_space<semaphore_mem>>
        %dma_start3A_82 = arith.constant 0 : i32
        %dma_start3A_83 = tpu.memref_slice %arg6[%add3A_71, %dma_start3A_82] : memref<640000x16xf32, #tpu.memory_space<hbm>> -> memref<1000x16xf32, #tpu.memory_space<hbm>>
        %dma_start3A_84 = arith.constant 0 : i32
        %dma_start3A_85 = tpu.memref_slice %arg6[%add3A_71, %dma_start3A_84] : memref<640000x16xf32, #tpu.memory_space<hbm>> -> memref<1000x16xf32, #tpu.memory_space<hbm>>
        tpu.enqueue_dma source(%arg11 : memref<1000x16xf32, #tpu.memory_space<vmem>>) target(%dma_start3A_85 : memref<1000x16xf32, #tpu.memory_space<hbm>>) target_semaphore(%run_scoped3A : memref<!tpu.dma_semaphore, #tpu.memory_space<semaphore_mem>>)
        %dma_wait3A_86 = arith.constant 0 : i32
        %dma_wait3A_87 = tpu.memref_slice %arg6[%add3A_71, %dma_wait3A_86] : memref<640000x16xf32, #tpu.memory_space<hbm>> -> memref<1000x16xf32, #tpu.memory_space<hbm>>
        %dma_wait3A_88 = arith.constant 0 : i32
        %dma_wait3A_89 = tpu.memref_slice %arg6[%add3A_71, %dma_wait3A_88] : memref<640000x16xf32, #tpu.memory_space<hbm>> -> memref<1000x16xf32, #tpu.memory_space<hbm>>
        tpu.wait_dma2 semaphore(%run_scoped3A : memref<!tpu.dma_semaphore, #tpu.memory_space<semaphore_mem>>) src(%arg11 : memref<1000x16xf32, #tpu.memory_space<vmem>>) dst(%dma_wait3A_89 : memref<1000x16xf32, #tpu.memory_space<hbm>>)
        tpu.yield
      }) : () -> ()
      %mul3A_72 = arith.constant 1000 : i32
      %mul3A_73 = arith.muli %add3A_56, %mul3A_72 : i32
      %add3A_74 = arith.addi %mul3A_2, %mul3A_73 : i32
      "tpu.region"() ({
        %run_scoped3A = tpu.sem_alloc : memref<!tpu.dma_semaphore, #tpu.memory_space<semaphore_mem>>
        %dma_start3A_82 = arith.constant 0 : i32
        %dma_start3A_83 = tpu.memref_slice %arg7[%add3A_74, %dma_start3A_82] : memref<640000x16xf32, #tpu.memory_space<hbm>> -> memref<1000x16xf32, #tpu.memory_space<hbm>>
        %dma_start3A_84 = arith.constant 0 : i32
        %dma_start3A_85 = tpu.memref_slice %arg7[%add3A_74, %dma_start3A_84] : memref<640000x16xf32, #tpu.memory_space<hbm>> -> memref<1000x16xf32, #tpu.memory_space<hbm>>
        tpu.enqueue_dma source(%arg13 : memref<1000x16xf32, #tpu.memory_space<vmem>>) target(%dma_start3A_85 : memref<1000x16xf32, #tpu.memory_space<hbm>>) target_semaphore(%run_scoped3A : memref<!tpu.dma_semaphore, #tpu.memory_space<semaphore_mem>>)
        %dma_wait3A_86 = arith.constant 0 : i32
        %dma_wait3A_87 = tpu.memref_slice %arg7[%add3A_74, %dma_wait3A_86] : memref<640000x16xf32, #tpu.memory_space<hbm>> -> memref<1000x16xf32, #tpu.memory_space<hbm>>
        %dma_wait3A_88 = arith.constant 0 : i32
        %dma_wait3A_89 = tpu.memref_slice %arg7[%add3A_74, %dma_wait3A_88] : memref<640000x16xf32, #tpu.memory_space<hbm>> -> memref<1000x16xf32, #tpu.memory_space<hbm>>
        tpu.wait_dma2 semaphore(%run_scoped3A : memref<!tpu.dma_semaphore, #tpu.memory_space<semaphore_mem>>) src(%arg13 : memref<1000x16xf32, #tpu.memory_space<vmem>>) dst(%dma_wait3A_89 : memref<1000x16xf32, #tpu.memory_space<hbm>>)
        tpu.yield
      }) : () -> ()
      %add3A_75 = arith.constant 2 : i32
      %add3A_76 = arith.addi %add3A_56, %add3A_75 : i32
      %lt3A_77 = arith.constant 20 : i32
      %lt3A_78 = arith.cmpi slt, %add3A_76, %lt3A_77 : i32
      %convert_element_type3A_79 = arith.extui %lt3A_78 : i1 to i32
      %cond3A_80 = arith.constant 0 : i32
      %cond3A_81 = arith.cmpi ne, %convert_element_type3A_79, %cond3A_80 : i32
      scf.if %cond3A_81 {
        %add3A_82 = arith.constant 2 : i32
        %add3A_83 = arith.addi %add3A_56, %add3A_82 : i32
        %mul3A_84 = arith.constant 1000 : i32
        %mul3A_85 = arith.muli %add3A_83, %mul3A_84 : i32
        %dma_start3A_86 = tpu.memref_slice %arg8[%mul3A_85] : memref<20000xi32, #tpu.memory_space<vmem>> -> memref<1000xi32, #tpu.memory_space<vmem>>
        %dma_start3A_87 = arith.constant 0 : i32
        %dma_start3A_88 = arith.constant 0 : i32
        %dma_start3A_89 = tpu.memref_slice %arg2[%dma_start3A_87, %dma_start3A_88] : memref<40000x16xf32, #tpu.memory_space<hbm>> -> memref<40000x16xf32, #tpu.memory_space<hbm>>
        tpu.enqueue_indirect_dma source(%dma_start3A_89 : memref<40000x16xf32, #tpu.memory_space<hbm>>) target(%arg11 : memref<1000x16xf32, #tpu.memory_space<vmem>>) offsets(%dma_start3A_86 : memref<1000xi32, #tpu.memory_space<vmem>>) semaphore(%arg15 : memref<!tpu.dma_semaphore, #tpu.memory_space<semaphore_mem>>)
        %mul3A_90 = arith.constant 1000 : i32
        %mul3A_91 = arith.muli %add3A_83, %mul3A_90 : i32
        %dma_start3A_92 = tpu.memref_slice %arg9[%mul3A_91] : memref<20000xi32, #tpu.memory_space<vmem>> -> memref<1000xi32, #tpu.memory_space<vmem>>
        %dma_start3A_93 = arith.constant 0 : i32
        %dma_start3A_94 = arith.constant 0 : i32
        %dma_start3A_95 = tpu.memref_slice %arg3[%dma_start3A_93, %dma_start3A_94] : memref<40000x16xf32, #tpu.memory_space<hbm>> -> memref<40000x16xf32, #tpu.memory_space<hbm>>
        tpu.enqueue_indirect_dma source(%dma_start3A_95 : memref<40000x16xf32, #tpu.memory_space<hbm>>) target(%arg13 : memref<1000x16xf32, #tpu.memory_space<vmem>>) offsets(%dma_start3A_92 : memref<1000xi32, #tpu.memory_space<vmem>>) semaphore(%arg17 : memref<!tpu.dma_semaphore, #tpu.memory_space<semaphore_mem>>)
      } else {
      }
    }
    %scan3A_26 = arith.constant 10 : i32
    return
  }
}

#map = affine_map<(d0, d1) -> (0, 0)>
#map1 = affine_map<(d0, d1) -> (0)>
module attributes {stable_mosaic.version = 14 : i64} {
  func.func @gk(%arg0: i32, %arg1: i32, %arg2: memref<10001x16xf32, #tpu.memory_space<hbm>>, %arg3: memref<640000xi32, #tpu.memory_space<hbm>>, %arg4: memref<640000x16xf32, #tpu.memory_space<hbm>>, %arg5: memref<20000xi32, #tpu.memory_space<vmem>>, %arg6: memref<1000x16xf32, #tpu.memory_space<vmem>>, %arg7: memref<1000x16xf32, #tpu.memory_space<vmem>>, %arg8: memref<!tpu.dma_semaphore, #tpu.memory_space<semaphore_mem>>, %arg9: memref<!tpu.dma_semaphore, #tpu.memory_space<semaphore_mem>>) attributes {dimension_semantics = [#tpu.dimension_semantics<core_parallel>, #tpu.dimension_semantics<subcore_parallel>], iteration_bounds = array<i64: 2, 16>, scalar_prefetch = 0 : i64, scratch_operands = 5 : i64, tpu.core_type = #tpu.core_type<sc_vector_subcore>, window_params = [{transform_indices = #map}, {transform_indices = #map1}, {transform_indices = #map}]} {
    %mul3A = arith.constant 2 : i32
    %mul3A_0 = arith.muli %arg1, %mul3A : i32
    %add3A = arith.addi %mul3A_0, %arg0 : i32
    %mul3A_1 = arith.constant 20000 : i32
    %mul3A_2 = arith.muli %add3A, %mul3A_1 : i32
    "tpu.region"() ({
      %run_scoped3A = tpu.sem_alloc : memref<!tpu.dma_semaphore, #tpu.memory_space<semaphore_mem>>
      %dma_start3A_17 = tpu.memref_slice %arg3[%mul3A_2] : memref<640000xi32, #tpu.memory_space<hbm>> -> memref<20000xi32, #tpu.memory_space<hbm>>
      %dma_start3A_18 = tpu.memref_slice %arg3[%mul3A_2] : memref<640000xi32, #tpu.memory_space<hbm>> -> memref<20000xi32, #tpu.memory_space<hbm>>
      tpu.enqueue_dma source(%dma_start3A_18 : memref<20000xi32, #tpu.memory_space<hbm>>) target(%arg5 : memref<20000xi32, #tpu.memory_space<vmem>>) target_semaphore(%run_scoped3A : memref<!tpu.dma_semaphore, #tpu.memory_space<semaphore_mem>>)
      %dma_wait3A = tpu.memref_slice %arg3[%mul3A_2] : memref<640000xi32, #tpu.memory_space<hbm>> -> memref<20000xi32, #tpu.memory_space<hbm>>
      %dma_wait3A_19 = tpu.memref_slice %arg3[%mul3A_2] : memref<640000xi32, #tpu.memory_space<hbm>> -> memref<20000xi32, #tpu.memory_space<hbm>>
      tpu.wait_dma2 semaphore(%run_scoped3A : memref<!tpu.dma_semaphore, #tpu.memory_space<semaphore_mem>>) src(%dma_wait3A_19 : memref<20000xi32, #tpu.memory_space<hbm>>) dst(%arg5 : memref<20000xi32, #tpu.memory_space<vmem>>)
      tpu.yield
    }) : () -> ()
    %dma_start3A = arith.constant 0 : i32
    %dma_start3A_3 = tpu.memref_slice %arg5[%dma_start3A] : memref<20000xi32, #tpu.memory_space<vmem>> -> memref<1000xi32, #tpu.memory_space<vmem>>
    %dma_start3A_4 = arith.constant 0 : i32
    %dma_start3A_5 = arith.constant 0 : i32
    %dma_start3A_6 = tpu.memref_slice %arg2[%dma_start3A_4, %dma_start3A_5] : memref<10001x16xf32, #tpu.memory_space<hbm>> -> memref<10001x16xf32, #tpu.memory_space<hbm>>
    tpu.enqueue_indirect_dma source(%dma_start3A_6 : memref<10001x16xf32, #tpu.memory_space<hbm>>) target(%arg6 : memref<1000x16xf32, #tpu.memory_space<vmem>>) offsets(%dma_start3A_3 : memref<1000xi32, #tpu.memory_space<vmem>>) semaphore(%arg8 : memref<!tpu.dma_semaphore, #tpu.memory_space<semaphore_mem>>)
    %dma_start3A_7 = arith.constant 1000 : i32
    %dma_start3A_8 = tpu.memref_slice %arg5[%dma_start3A_7] : memref<20000xi32, #tpu.memory_space<vmem>> -> memref<1000xi32, #tpu.memory_space<vmem>>
    %dma_start3A_9 = arith.constant 0 : i32
    %dma_start3A_10 = arith.constant 0 : i32
    %dma_start3A_11 = tpu.memref_slice %arg2[%dma_start3A_9, %dma_start3A_10] : memref<10001x16xf32, #tpu.memory_space<hbm>> -> memref<10001x16xf32, #tpu.memory_space<hbm>>
    tpu.enqueue_indirect_dma source(%dma_start3A_11 : memref<10001x16xf32, #tpu.memory_space<hbm>>) target(%arg7 : memref<1000x16xf32, #tpu.memory_space<vmem>>) offsets(%dma_start3A_8 : memref<1000xi32, #tpu.memory_space<vmem>>) semaphore(%arg9 : memref<!tpu.dma_semaphore, #tpu.memory_space<semaphore_mem>>)
    %scan3A = arith.constant 0 : i32
    %scan3A_12 = arith.constant 0 : i32
    %scan3A_13 = arith.constant 10 : i32
    %scan3A_14 = arith.addi %scan3A_12, %scan3A_13 : i32
    %scan3A_15 = arith.constant 1 : i32
    scf.for %scan3A_17 = %scan3A_12 to %scan3A_14 step %scan3A_15  : i32 {
      %mul3A_18 = arith.constant 2 : i32
      %mul3A_19 = arith.muli %mul3A_18, %scan3A_17 : i32
      %add3A_20 = arith.constant 0 : i32
      %add3A_21 = arith.addi %mul3A_19, %add3A_20 : i32
      %mul3A_22 = arith.constant 1000 : i32
      %mul3A_23 = arith.muli %add3A_21, %mul3A_22 : i32
      %dma_wait3A = tpu.memref_slice %arg5[%mul3A_23] : memref<20000xi32, #tpu.memory_space<vmem>> -> memref<1000xi32, #tpu.memory_space<vmem>>
      %dma_wait3A_24 = arith.constant 0 : i32
      %dma_wait3A_25 = arith.constant 0 : i32
      %dma_wait3A_26 = tpu.memref_slice %arg2[%dma_wait3A_24, %dma_wait3A_25] : memref<10001x16xf32, #tpu.memory_space<hbm>> -> memref<10001x16xf32, #tpu.memory_space<hbm>>
      tpu.wait_indirect_dma semaphore(%arg8 : memref<!tpu.dma_semaphore, #tpu.memory_space<semaphore_mem>>) src(%dma_wait3A_26 : memref<10001x16xf32, #tpu.memory_space<hbm>>) dst(%arg6 : memref<1000x16xf32, #tpu.memory_space<vmem>>)
      %mul3A_27 = arith.constant 1000 : i32
      %mul3A_28 = arith.muli %add3A_21, %mul3A_27 : i32
      %add3A_29 = arith.addi %mul3A_2, %mul3A_28 : i32
      "tpu.region"() ({
        %run_scoped3A = tpu.sem_alloc : memref<!tpu.dma_semaphore, #tpu.memory_space<semaphore_mem>>
        %dma_start3A_54 = arith.constant 0 : i32
        %dma_start3A_55 = tpu.memref_slice %arg4[%add3A_29, %dma_start3A_54] : memref<640000x16xf32, #tpu.memory_space<hbm>> -> memref<1000x16xf32, #tpu.memory_space<hbm>>
        %dma_start3A_56 = arith.constant 0 : i32
        %dma_start3A_57 = tpu.memref_slice %arg4[%add3A_29, %dma_start3A_56] : memref<640000x16xf32, #tpu.memory_space<hbm>> -> memref<1000x16xf32, #tpu.memory_space<hbm>>
        tpu.enqueue_dma source(%arg6 : memref<1000x16xf32, #tpu.memory_space<vmem>>) target(%dma_start3A_57 : memref<1000x16xf32, #tpu.memory_space<hbm>>) target_semaphore(%run_scoped3A : memref<!tpu.dma_semaphore, #tpu.memory_space<semaphore_mem>>)
        %dma_wait3A_58 = arith.constant 0 : i32
        %dma_wait3A_59 = tpu.memref_slice %arg4[%add3A_29, %dma_wait3A_58] : memref<640000x16xf32, #tpu.memory_space<hbm>> -> memref<1000x16xf32, #tpu.memory_space<hbm>>
        %dma_wait3A_60 = arith.constant 0 : i32
        %dma_wait3A_61 = tpu.memref_slice %arg4[%add3A_29, %dma_wait3A_60] : memref<640000x16xf32, #tpu.memory_space<hbm>> -> memref<1000x16xf32, #tpu.memory_space<hbm>>
        tpu.wait_dma2 semaphore(%run_scoped3A : memref<!tpu.dma_semaphore, #tpu.memory_space<semaphore_mem>>) src(%arg6 : memref<1000x16xf32, #tpu.memory_space<vmem>>) dst(%dma_wait3A_61 : memref<1000x16xf32, #tpu.memory_space<hbm>>)
        tpu.yield
      }) : () -> ()
      %add3A_30 = arith.constant 2 : i32
      %add3A_31 = arith.addi %add3A_21, %add3A_30 : i32
      %lt3A = arith.constant 20 : i32
      %lt3A_32 = arith.cmpi slt, %add3A_31, %lt3A : i32
      %convert_element_type3A = arith.extui %lt3A_32 : i1 to i32
      %cond3A = arith.constant 0 : i32
      %cond3A_33 = arith.cmpi ne, %convert_element_type3A, %cond3A : i32
      scf.if %cond3A_33 {
        %add3A_54 = arith.constant 2 : i32
        %add3A_55 = arith.addi %add3A_21, %add3A_54 : i32
        %mul3A_56 = arith.constant 1000 : i32
        %mul3A_57 = arith.muli %add3A_55, %mul3A_56 : i32
        %dma_start3A_58 = tpu.memref_slice %arg5[%mul3A_57] : memref<20000xi32, #tpu.memory_space<vmem>> -> memref<1000xi32, #tpu.memory_space<vmem>>
        %dma_start3A_59 = arith.constant 0 : i32
        %dma_start3A_60 = arith.constant 0 : i32
        %dma_start3A_61 = tpu.memref_slice %arg2[%dma_start3A_59, %dma_start3A_60] : memref<10001x16xf32, #tpu.memory_space<hbm>> -> memref<10001x16xf32, #tpu.memory_space<hbm>>
        tpu.enqueue_indirect_dma source(%dma_start3A_61 : memref<10001x16xf32, #tpu.memory_space<hbm>>) target(%arg6 : memref<1000x16xf32, #tpu.memory_space<vmem>>) offsets(%dma_start3A_58 : memref<1000xi32, #tpu.memory_space<vmem>>) semaphore(%arg8 : memref<!tpu.dma_semaphore, #tpu.memory_space<semaphore_mem>>)
      } else {
      }
      %mul3A_34 = arith.constant 2 : i32
      %mul3A_35 = arith.muli %mul3A_34, %scan3A_17 : i32
      %add3A_36 = arith.constant 1 : i32
      %add3A_37 = arith.addi %mul3A_35, %add3A_36 : i32
      %mul3A_38 = arith.constant 1000 : i32
      %mul3A_39 = arith.muli %add3A_37, %mul3A_38 : i32
      %dma_wait3A_40 = tpu.memref_slice %arg5[%mul3A_39] : memref<20000xi32, #tpu.memory_space<vmem>> -> memref<1000xi32, #tpu.memory_space<vmem>>
      %dma_wait3A_41 = arith.constant 0 : i32
      %dma_wait3A_42 = arith.constant 0 : i32
      %dma_wait3A_43 = tpu.memref_slice %arg2[%dma_wait3A_41, %dma_wait3A_42] : memref<10001x16xf32, #tpu.memory_space<hbm>> -> memref<10001x16xf32, #tpu.memory_space<hbm>>
      tpu.wait_indirect_dma semaphore(%arg9 : memref<!tpu.dma_semaphore, #tpu.memory_space<semaphore_mem>>) src(%dma_wait3A_43 : memref<10001x16xf32, #tpu.memory_space<hbm>>) dst(%arg7 : memref<1000x16xf32, #tpu.memory_space<vmem>>)
      %mul3A_44 = arith.constant 1000 : i32
      %mul3A_45 = arith.muli %add3A_37, %mul3A_44 : i32
      %add3A_46 = arith.addi %mul3A_2, %mul3A_45 : i32
      "tpu.region"() ({
        %run_scoped3A = tpu.sem_alloc : memref<!tpu.dma_semaphore, #tpu.memory_space<semaphore_mem>>
        %dma_start3A_54 = arith.constant 0 : i32
        %dma_start3A_55 = tpu.memref_slice %arg4[%add3A_46, %dma_start3A_54] : memref<640000x16xf32, #tpu.memory_space<hbm>> -> memref<1000x16xf32, #tpu.memory_space<hbm>>
        %dma_start3A_56 = arith.constant 0 : i32
        %dma_start3A_57 = tpu.memref_slice %arg4[%add3A_46, %dma_start3A_56] : memref<640000x16xf32, #tpu.memory_space<hbm>> -> memref<1000x16xf32, #tpu.memory_space<hbm>>
        tpu.enqueue_dma source(%arg7 : memref<1000x16xf32, #tpu.memory_space<vmem>>) target(%dma_start3A_57 : memref<1000x16xf32, #tpu.memory_space<hbm>>) target_semaphore(%run_scoped3A : memref<!tpu.dma_semaphore, #tpu.memory_space<semaphore_mem>>)
        %dma_wait3A_58 = arith.constant 0 : i32
        %dma_wait3A_59 = tpu.memref_slice %arg4[%add3A_46, %dma_wait3A_58] : memref<640000x16xf32, #tpu.memory_space<hbm>> -> memref<1000x16xf32, #tpu.memory_space<hbm>>
        %dma_wait3A_60 = arith.constant 0 : i32
        %dma_wait3A_61 = tpu.memref_slice %arg4[%add3A_46, %dma_wait3A_60] : memref<640000x16xf32, #tpu.memory_space<hbm>> -> memref<1000x16xf32, #tpu.memory_space<hbm>>
        tpu.wait_dma2 semaphore(%run_scoped3A : memref<!tpu.dma_semaphore, #tpu.memory_space<semaphore_mem>>) src(%arg7 : memref<1000x16xf32, #tpu.memory_space<vmem>>) dst(%dma_wait3A_61 : memref<1000x16xf32, #tpu.memory_space<hbm>>)
        tpu.yield
      }) : () -> ()
      %add3A_47 = arith.constant 2 : i32
      %add3A_48 = arith.addi %add3A_37, %add3A_47 : i32
      %lt3A_49 = arith.constant 20 : i32
      %lt3A_50 = arith.cmpi slt, %add3A_48, %lt3A_49 : i32
      %convert_element_type3A_51 = arith.extui %lt3A_50 : i1 to i32
      %cond3A_52 = arith.constant 0 : i32
      %cond3A_53 = arith.cmpi ne, %convert_element_type3A_51, %cond3A_52 : i32
      scf.if %cond3A_53 {
        %add3A_54 = arith.constant 2 : i32
        %add3A_55 = arith.addi %add3A_37, %add3A_54 : i32
        %mul3A_56 = arith.constant 1000 : i32
        %mul3A_57 = arith.muli %add3A_55, %mul3A_56 : i32
        %dma_start3A_58 = tpu.memref_slice %arg5[%mul3A_57] : memref<20000xi32, #tpu.memory_space<vmem>> -> memref<1000xi32, #tpu.memory_space<vmem>>
        %dma_start3A_59 = arith.constant 0 : i32
        %dma_start3A_60 = arith.constant 0 : i32
        %dma_start3A_61 = tpu.memref_slice %arg2[%dma_start3A_59, %dma_start3A_60] : memref<10001x16xf32, #tpu.memory_space<hbm>> -> memref<10001x16xf32, #tpu.memory_space<hbm>>
        tpu.enqueue_indirect_dma source(%dma_start3A_61 : memref<10001x16xf32, #tpu.memory_space<hbm>>) target(%arg7 : memref<1000x16xf32, #tpu.memory_space<vmem>>) offsets(%dma_start3A_58 : memref<1000xi32, #tpu.memory_space<vmem>>) semaphore(%arg9 : memref<!tpu.dma_semaphore, #tpu.memory_space<semaphore_mem>>)
      } else {
      }
    }
    %scan3A_16 = arith.constant 10 : i32
    return
  }
}

module attributes {stable_mosaic.version = 14 : i64} {
  func.func @_enc_v_body(%arg0: i32, %arg1: memref<2000x8xf32, #tpu.memory_space<vmem>>, %arg2: memref<4x4xf32, #tpu.memory_space<vmem>>, %arg3: memref<2000x16xi32, #tpu.memory_space<vmem>>, %arg4: memref<8x64xf32, #tpu.memory_space<vmem>>, %arg5: memref<64xf32, #tpu.memory_space<vmem>>, %arg6: memref<64x64xf32, #tpu.memory_space<vmem>>, %arg7: memref<64xf32, #tpu.memory_space<vmem>>, %arg8: memref<64x16xf32, #tpu.memory_space<vmem>>, %arg9: memref<16xf32, #tpu.memory_space<vmem>>, %arg10: memref<4x64xf32, #tpu.memory_space<vmem>>, %arg11: memref<64xf32, #tpu.memory_space<vmem>>, %arg12: memref<64x64xf32, #tpu.memory_space<vmem>>, %arg13: memref<64xf32, #tpu.memory_space<vmem>>, %arg14: memref<64x16xf32, #tpu.memory_space<vmem>>, %arg15: memref<16xf32, #tpu.memory_space<vmem>>, %arg16: memref<2000x16xf32, #tpu.memory_space<vmem>>, %arg17: memref<4x16xf32, #tpu.memory_space<vmem>>, %arg18: memref<2000x16xi32, #tpu.memory_space<vmem>>, %arg19: memref<2000x16xi32, #tpu.memory_space<vmem>>) attributes {dimension_semantics = [#tpu.dimension_semantics<arbitrary>], iteration_bounds = array<i64: 20>, scalar_prefetch = 0 : i64, scratch_operands = 0 : i64, tpu.core_type = #tpu.core_type<tc>, window_params = [{transform_indices = @transform_0, window_bounds = array<i64: 2000, 8>}, {pipeline_mode = #tpu.pipeline_mode<synchronous>, transform_indices = @transform_1, window_bounds = array<i64: 4, 4>}, {transform_indices = @transform_2, window_bounds = array<i64: 2000, 16>}, {pipeline_mode = #tpu.pipeline_mode<synchronous>, transform_indices = @transform_3, window_bounds = array<i64: 8, 64>}, {pipeline_mode = #tpu.pipeline_mode<synchronous>, transform_indices = @transform_4, window_bounds = array<i64: 64>}, {pipeline_mode = #tpu.pipeline_mode<synchronous>, transform_indices = @transform_5, window_bounds = array<i64: 64, 64>}, {pipeline_mode = #tpu.pipeline_mode<synchronous>, transform_indices = @transform_6, window_bounds = array<i64: 64>}, {pipeline_mode = #tpu.pipeline_mode<synchronous>, transform_indices = @transform_7, window_bounds = array<i64: 64, 16>}, {pipeline_mode = #tpu.pipeline_mode<synchronous>, transform_indices = @transform_8, window_bounds = array<i64: 16>}, {pipeline_mode = #tpu.pipeline_mode<synchronous>, transform_indices = @transform_9, window_bounds = array<i64: 4, 64>}, {pipeline_mode = #tpu.pipeline_mode<synchronous>, transform_indices = @transform_10, window_bounds = array<i64: 64>}, {pipeline_mode = #tpu.pipeline_mode<synchronous>, transform_indices = @transform_11, window_bounds = array<i64: 64, 64>}, {pipeline_mode = #tpu.pipeline_mode<synchronous>, transform_indices = @transform_12, window_bounds = array<i64: 64>}, {pipeline_mode = #tpu.pipeline_mode<synchronous>, transform_indices = @transform_13, window_bounds = array<i64: 64, 16>}, {pipeline_mode = #tpu.pipeline_mode<synchronous>, transform_indices = @transform_14, window_bounds = array<i64: 16>}, {transform_indices = @transform_15, window_bounds = array<i64: 2000, 16>}, {pipeline_mode = #tpu.pipeline_mode<synchronous>, transform_indices = @transform_16, window_bounds = array<i64: 4, 16>}, {transform_indices = @transform_17, window_bounds = array<i64: 2000, 16>}, {transform_indices = @transform_18, window_bounds = array<i64: 2000, 16>}]} {
    %get3A = arith.constant 0 : index
    %get3A_0 = arith.constant 0 : index
    %get3A_1 = vector.load %arg1[%get3A, %get3A_0] : memref<2000x8xf32, #tpu.memory_space<vmem>>, vector<2000x8xf32>
    %get3A_2 = arith.constant 0 : index
    %get3A_3 = arith.constant 0 : index
    %get3A_4 = vector.load %arg4[%get3A_2, %get3A_3] : memref<8x64xf32, #tpu.memory_space<vmem>>, vector<8x64xf32>
    %dot_general3A = arith.constant dense<0.000000e+00> : vector<2000x64xf32>
    %dot_general3A_5 = tpu.matmul %get3A_1, %get3A_4, %dot_general3A {dimension_numbers = #tpu.dot_dimension_numbers<[1], [0], [0], [1], [0, 0, 1, 1], [], []>, transpose_lhs_hint = false} : vector<2000x8xf32>, vector<8x64xf32>, vector<2000x64xf32> -> vector<2000x64xf32>
    %get3A_6 = arith.constant 0 : index
    %get3A_7 = vector.load %arg5[%get3A_6] : memref<64xf32, #tpu.memory_space<vmem>>, vector<64xf32>
    %broadcast_in_dim3A = vector.shape_cast %get3A_7 : vector<64xf32> to vector<1x64xf32>
    %add3A = vector.broadcast %broadcast_in_dim3A : vector<1x64xf32> to vector<2000x64xf32>
    %add3A_8 = arith.addf %dot_general3A_5, %add3A : vector<2000x64xf32>
    %max3A = arith.constant 0.000000e+00 : f32
    %max3A_9 = vector.broadcast %max3A : f32 to vector<2000x64xf32>
    %max3A_10 = arith.maximumf %add3A_8, %max3A_9 : vector<2000x64xf32>
    %get3A_11 = arith.constant 0 : index
    %get3A_12 = arith.constant 0 : index
    %get3A_13 = vector.load %arg6[%get3A_11, %get3A_12] : memref<64x64xf32, #tpu.memory_space<vmem>>, vector<64x64xf32>
    %dot_general3A_14 = arith.constant dense<0.000000e+00> : vector<2000x64xf32>
    %dot_general3A_15 = tpu.matmul %max3A_10, %get3A_13, %dot_general3A_14 {dimension_numbers = #tpu.dot_dimension_numbers<[1], [0], [0], [1], [0, 0, 1, 1], [], []>, transpose_lhs_hint = false} : vector<2000x64xf32>, vector<64x64xf32>, vector<2000x64xf32> -> vector<2000x64xf32>
    %get3A_16 = arith.constant 0 : index
    %get3A_17 = vector.load %arg7[%get3A_16] : memref<64xf32, #tpu.memory_space<vmem>>, vector<64xf32>
    %broadcast_in_dim3A_18 = vector.shape_cast %get3A_17 : vector<64xf32> to vector<1x64xf32>
    %add3A_19 = vector.broadcast %broadcast_in_dim3A_18 : vector<1x64xf32> to vector<2000x64xf32>
    %add3A_20 = arith.addf %dot_general3A_15, %add3A_19 : vector<2000x64xf32>
    %max3A_21 = arith.constant 0.000000e+00 : f32
    %max3A_22 = vector.broadcast %max3A_21 : f32 to vector<2000x64xf32>
    %max3A_23 = arith.maximumf %add3A_20, %max3A_22 : vector<2000x64xf32>
    %get3A_24 = arith.constant 0 : index
    %get3A_25 = arith.constant 0 : index
    %get3A_26 = vector.load %arg8[%get3A_24, %get3A_25] : memref<64x16xf32, #tpu.memory_space<vmem>>, vector<64x16xf32>
    %dot_general3A_27 = arith.constant dense<0.000000e+00> : vector<2000x16xf32>
    %dot_general3A_28 = tpu.matmul %max3A_23, %get3A_26, %dot_general3A_27 {dimension_numbers = #tpu.dot_dimension_numbers<[1], [0], [0], [1], [0, 0, 1, 1], [], []>, transpose_lhs_hint = false} : vector<2000x64xf32>, vector<64x16xf32>, vector<2000x16xf32> -> vector<2000x16xf32>
    %get3A_29 = arith.constant 0 : index
    %get3A_30 = vector.load %arg9[%get3A_29] : memref<16xf32, #tpu.memory_space<vmem>>, vector<16xf32>
    %broadcast_in_dim3A_31 = vector.shape_cast %get3A_30 : vector<16xf32> to vector<1x16xf32>
    %add3A_32 = vector.broadcast %broadcast_in_dim3A_31 : vector<1x16xf32> to vector<2000x16xf32>
    %add3A_33 = arith.addf %dot_general3A_28, %add3A_32 : vector<2000x16xf32>
    %swap3A = arith.constant 0 : index
    %swap3A_34 = arith.constant 0 : index
    %swap3A_35 = vector.load %arg16[%swap3A, %swap3A_34] : memref<2000x16xf32, #tpu.memory_space<vmem>>, vector<2000x16xf32>
    tpu.vector_store %arg16[%swap3A, %swap3A_34], %add3A_33 {strides = array<i32>} : memref<2000x16xf32, #tpu.memory_space<vmem>>, vector<2000x16xf32>,
    %jit3A = arith.constant 5 : i32
    %div3A = arith.divsi %arg0, %jit3A : i32
    %sign3A = arith.constant 0 : i32
    %sign3A_36 = arith.cmpi sgt, %arg0, %sign3A : i32
    %sign3A_37 = arith.extui %sign3A_36 : i1 to i32
    %sign3A_38 = arith.constant 0 : i32
    %sign3A_39 = arith.cmpi slt, %arg0, %sign3A_38 : i32
    %sign3A_40 = arith.extui %sign3A_39 : i1 to i32
    %sign3A_41 = arith.subi %sign3A_37, %sign3A_40 : i32
    %sign3A_42 = arith.constant 0 : i32
    %sign3A_43 = arith.cmpi sgt, %jit3A, %sign3A_42 : i32
    %sign3A_44 = arith.extui %sign3A_43 : i1 to i32
    %sign3A_45 = arith.constant 0 : i32
    %sign3A_46 = arith.cmpi slt, %jit3A, %sign3A_45 : i32
    %sign3A_47 = arith.extui %sign3A_46 : i1 to i32
    %sign3A_48 = arith.subi %sign3A_44, %sign3A_47 : i32
    %ne3A = arith.cmpi ne, %sign3A_41, %sign3A_48 : i32
    %rem3A = arith.remsi %arg0, %jit3A : i32
    %ne3A_49 = arith.constant 0 : i32
    %ne3A_50 = arith.cmpi ne, %rem3A, %ne3A_49 : i32
    %and3A = arith.andi %ne3A, %ne3A_50 : i1
    %sub3A = arith.constant 1 : i32
    %sub3A_51 = arith.subi %div3A, %sub3A : i32
    %select_n3A = arith.select %and3A, %sub3A_51, %div3A : i32
    %mul3A = arith.constant 10000 : i32
    %mul3A_52 = arith.muli %select_n3A, %mul3A : i32
    %get3A_53 = arith.constant 0 : index
    %get3A_54 = arith.constant 0 : index
    %get3A_55 = vector.load %arg3[%get3A_53, %get3A_54] : memref<2000x16xi32, #tpu.memory_space<vmem>>, vector<2000x16xi32>
    %sub3A_56 = arith.constant 1 : i32
    %sub3A_57 = vector.broadcast %sub3A_56 : i32 to vector<2000x16xi32>
    %sub3A_58 = arith.subi %get3A_55, %sub3A_57 : vector<2000x16xi32>
    %max3A_59 = arith.constant 0 : i32
    %max3A_60 = vector.broadcast %max3A_59 : i32 to vector<2000x16xi32>
    %max3A_61 = arith.maxsi %sub3A_58, %max3A_60 : vector<2000x16xi32>
    %add3A_62 = vector.broadcast %mul3A_52 : i32 to vector<2000x16xi32>
    %add3A_63 = arith.addi %max3A_61, %add3A_62 : vector<2000x16xi32>
    %swap3A_64 = arith.constant 0 : index
    %swap3A_65 = arith.constant 0 : index
    %swap3A_66 = vector.load %arg18[%swap3A_64, %swap3A_65] : memref<2000x16xi32, #tpu.memory_space<vmem>>, vector<2000x16xi32>
    tpu.vector_store %arg18[%swap3A_64, %swap3A_65], %add3A_63 {strides = array<i32>} : memref<2000x16xi32, #tpu.memory_space<vmem>>, vector<2000x16xi32>,
    %iota3A = tpu.iota {dimensions = array<i32: 0>} : vector<2000x16xi32>
    %mul3A_67 = arith.constant 2000 : i32
    %mul3A_68 = arith.muli %arg0, %mul3A_67 : i32
    %add3A_69 = vector.broadcast %mul3A_68 : i32 to vector<2000x16xi32>
    %add3A_70 = arith.addi %iota3A, %add3A_69 : vector<2000x16xi32>
    %swap3A_71 = arith.constant 0 : index
    %swap3A_72 = arith.constant 0 : index
    %swap3A_73 = vector.load %arg19[%swap3A_71, %swap3A_72] : memref<2000x16xi32, #tpu.memory_space<vmem>>, vector<2000x16xi32>
    tpu.vector_store %arg19[%swap3A_71, %swap3A_72], %add3A_70 {strides = array<i32>} : memref<2000x16xi32, #tpu.memory_space<vmem>>, vector<2000x16xi32>,
    %eq3A = arith.constant 0 : i32
    %eq3A_74 = arith.cmpi eq, %arg0, %eq3A : i32
    %convert_element_type3A = arith.extui %eq3A_74 : i1 to i32
    %cond3A = arith.constant 0 : i32
    %cond3A_75 = arith.cmpi ne, %convert_element_type3A, %cond3A : i32
    scf.if %cond3A_75 {
      %get3A_76 = arith.constant 0 : index
      %get3A_77 = arith.constant 0 : index
      %get3A_78 = vector.load %arg2[%get3A_76, %get3A_77] : memref<4x4xf32, #tpu.memory_space<vmem>>, vector<4x4xf32>
      %get3A_79 = arith.constant 0 : index
      %get3A_80 = arith.constant 0 : index
      %get3A_81 = vector.load %arg10[%get3A_79, %get3A_80] : memref<4x64xf32, #tpu.memory_space<vmem>>, vector<4x64xf32>
      %dot_general3A_82 = arith.constant dense<0.000000e+00> : vector<4x64xf32>
      %dot_general3A_83 = tpu.matmul %get3A_78, %get3A_81, %dot_general3A_82 {dimension_numbers = #tpu.dot_dimension_numbers<[1], [0], [0], [1], [0, 0, 1, 1], [], []>, transpose_lhs_hint = false} : vector<4x4xf32>, vector<4x64xf32>, vector<4x64xf32> -> vector<4x64xf32>
      %get3A_84 = arith.constant 0 : index
      %get3A_85 = vector.load %arg11[%get3A_84] : memref<64xf32, #tpu.memory_space<vmem>>, vector<64xf32>
      %broadcast_in_dim3A_86 = vector.shape_cast %get3A_85 : vector<64xf32> to vector<1x64xf32>
      %add3A_87 = vector.broadcast %broadcast_in_dim3A_86 : vector<1x64xf32> to vector<4x64xf32>
      %add3A_88 = arith.addf %dot_general3A_83, %add3A_87 : vector<4x64xf32>
      %max3A_89 = arith.constant 0.000000e+00 : f32
      %max3A_90 = vector.broadcast %max3A_89 : f32 to vector<4x64xf32>
      %max3A_91 = arith.maximumf %add3A_88, %max3A_90 : vector<4x64xf32>
      %get3A_92 = arith.constant 0 : index
      %get3A_93 = arith.constant 0 : index
      %get3A_94 = vector.load %arg12[%get3A_92, %get3A_93] : memref<64x64xf32, #tpu.memory_space<vmem>>, vector<64x64xf32>
      %dot_general3A_95 = arith.constant dense<0.000000e+00> : vector<4x64xf32>
      %dot_general3A_96 = tpu.matmul %max3A_91, %get3A_94, %dot_general3A_95 {dimension_numbers = #tpu.dot_dimension_numbers<[1], [0], [0], [1], [0, 0, 1, 1], [], []>, transpose_lhs_hint = false} : vector<4x64xf32>, vector<64x64xf32>, vector<4x64xf32> -> vector<4x64xf32>
      %get3A_97 = arith.constant 0 : index
      %get3A_98 = vector.load %arg13[%get3A_97] : memref<64xf32, #tpu.memory_space<vmem>>, vector<64xf32>
      %broadcast_in_dim3A_99 = vector.shape_cast %get3A_98 : vector<64xf32> to vector<1x64xf32>
      %add3A_100 = vector.broadcast %broadcast_in_dim3A_99 : vector<1x64xf32> to vector<4x64xf32>
      %add3A_101 = arith.addf %dot_general3A_96, %add3A_100 : vector<4x64xf32>
      %max3A_102 = arith.constant 0.000000e+00 : f32
      %max3A_103 = vector.broadcast %max3A_102 : f32 to vector<4x64xf32>
      %max3A_104 = arith.maximumf %add3A_101, %max3A_103 : vector<4x64xf32>
      %get3A_105 = arith.constant 0 : index
      %get3A_106 = arith.constant 0 : index
      %get3A_107 = vector.load %arg14[%get3A_105, %get3A_106] : memref<64x16xf32, #tpu.memory_space<vmem>>, vector<64x16xf32>
      %dot_general3A_108 = arith.constant dense<0.000000e+00> : vector<4x16xf32>
      %dot_general3A_109 = tpu.matmul %max3A_104, %get3A_107, %dot_general3A_108 {dimension_numbers = #tpu.dot_dimension_numbers<[1], [0], [0], [1], [0, 0, 1, 1], [], []>, transpose_lhs_hint = false} : vector<4x64xf32>, vector<64x16xf32>, vector<4x16xf32> -> vector<4x16xf32>
      %get3A_110 = arith.constant 0 : index
      %get3A_111 = vector.load %arg15[%get3A_110] : memref<16xf32, #tpu.memory_space<vmem>>, vector<16xf32>
      %broadcast_in_dim3A_112 = vector.shape_cast %get3A_111 : vector<16xf32> to vector<1x16xf32>
      %add3A_113 = vector.broadcast %broadcast_in_dim3A_112 : vector<1x16xf32> to vector<4x16xf32>
      %add3A_114 = arith.addf %dot_general3A_109, %add3A_113 : vector<4x16xf32>
      %swap3A_115 = arith.constant 0 : index
      %swap3A_116 = arith.constant 0 : index
      %swap3A_117 = vector.load %arg17[%swap3A_115, %swap3A_116] : memref<4x16xf32, #tpu.memory_space<vmem>>, vector<4x16xf32>
      tpu.vector_store %arg17[%swap3A_115, %swap3A_116], %add3A_114 {strides = array<i32>} : memref<4x16xf32, #tpu.memory_space<vmem>>, vector<4x16xf32>,
    } else {
    }
    return
  }
  func.func @transform_0(%arg0: i32) -> (i32, i32) {
    %c0_i32 = arith.constant 0 : i32
    %c0_i32_0 = arith.constant 0 : i32
    return %arg0, %c0_i32 : i32, i32
  }
  func.func @transform_1(%arg0: i32) -> (i32, i32) {
    %c0_i32 = arith.constant 0 : i32
    %c0_i32_0 = arith.constant 0 : i32
    %c0_i32_1 = arith.constant 0 : i32
    return %c0_i32, %c0_i32_0 : i32, i32
  }
  func.func @transform_2(%arg0: i32) -> (i32, i32) {
    %c0_i32 = arith.constant 0 : i32
    %c0_i32_0 = arith.constant 0 : i32
    return %arg0, %c0_i32 : i32, i32
  }
  func.func @transform_3(%arg0: i32) -> (i32, i32) {
    %c0_i32 = arith.constant 0 : i32
    %c0_i32_0 = arith.constant 0 : i32
    %c0_i32_1 = arith.constant 0 : i32
    return %c0_i32, %c0_i32_0 : i32, i32
  }
  func.func @transform_4(%arg0: i32) -> i32 {
    %c0_i32 = arith.constant 0 : i32
    %c0_i32_0 = arith.constant 0 : i32
    return %c0_i32 : i32
  }
  func.func @transform_5(%arg0: i32) -> (i32, i32) {
    %c0_i32 = arith.constant 0 : i32
    %c0_i32_0 = arith.constant 0 : i32
    %c0_i32_1 = arith.constant 0 : i32
    return %c0_i32, %c0_i32_0 : i32, i32
  }
  func.func @transform_6(%arg0: i32) -> i32 {
    %c0_i32 = arith.constant 0 : i32
    %c0_i32_0 = arith.constant 0 : i32
    return %c0_i32 : i32
  }
  func.func @transform_7(%arg0: i32) -> (i32, i32) {
    %c0_i32 = arith.constant 0 : i32
    %c0_i32_0 = arith.constant 0 : i32
    %c0_i32_1 = arith.constant 0 : i32
    return %c0_i32, %c0_i32_0 : i32, i32
  }
  func.func @transform_8(%arg0: i32) -> i32 {
    %c0_i32 = arith.constant 0 : i32
    %c0_i32_0 = arith.constant 0 : i32
    return %c0_i32 : i32
  }
  func.func @transform_9(%arg0: i32) -> (i32, i32) {
    %c0_i32 = arith.constant 0 : i32
    %c0_i32_0 = arith.constant 0 : i32
    %c0_i32_1 = arith.constant 0 : i32
    return %c0_i32, %c0_i32_0 : i32, i32
  }
  func.func @transform_10(%arg0: i32) -> i32 {
    %c0_i32 = arith.constant 0 : i32
    %c0_i32_0 = arith.constant 0 : i32
    return %c0_i32 : i32
  }
  func.func @transform_11(%arg0: i32) -> (i32, i32) {
    %c0_i32 = arith.constant 0 : i32
    %c0_i32_0 = arith.constant 0 : i32
    %c0_i32_1 = arith.constant 0 : i32
    return %c0_i32, %c0_i32_0 : i32, i32
  }
  func.func @transform_12(%arg0: i32) -> i32 {
    %c0_i32 = arith.constant 0 : i32
    %c0_i32_0 = arith.constant 0 : i32
    return %c0_i32 : i32
  }
  func.func @transform_13(%arg0: i32) -> (i32, i32) {
    %c0_i32 = arith.constant 0 : i32
    %c0_i32_0 = arith.constant 0 : i32
    %c0_i32_1 = arith.constant 0 : i32
    return %c0_i32, %c0_i32_0 : i32, i32
  }
  func.func @transform_14(%arg0: i32) -> i32 {
    %c0_i32 = arith.constant 0 : i32
    %c0_i32_0 = arith.constant 0 : i32
    return %c0_i32 : i32
  }
  func.func @transform_15(%arg0: i32) -> (i32, i32) {
    %c0_i32 = arith.constant 0 : i32
    %c0_i32_0 = arith.constant 0 : i32
    return %arg0, %c0_i32 : i32, i32
  }
  func.func @transform_16(%arg0: i32) -> (i32, i32) {
    %c0_i32 = arith.constant 0 : i32
    %c0_i32_0 = arith.constant 0 : i32
    %c0_i32_1 = arith.constant 0 : i32
    return %c0_i32, %c0_i32_0 : i32, i32
  }
  func.func @transform_17(%arg0: i32) -> (i32, i32) {
    %c0_i32 = arith.constant 0 : i32
    %c0_i32_0 = arith.constant 0 : i32
    return %arg0, %c0_i32 : i32, i32
  }
  func.func @transform_18(%arg0: i32) -> (i32, i32) {
    %c0_i32 = arith.constant 0 : i32
    %c0_i32_0 = arith.constant 0 : i32
    return %arg0, %c0_i32 : i32, i32
  }
}

module attributes {stable_mosaic.version = 14 : i64} {
  func.func @_mega_body_t0(%arg0: i32, %arg1: memref<1600x16xf32, #tpu.memory_space<vmem>>, %arg2: memref<1600x64xf32, #tpu.memory_space<vmem>>, %arg3: memref<1600x64xf32, #tpu.memory_space<vmem>>, %arg4: memref<1600x64xf32, #tpu.memory_space<vmem>>, %arg5: memref<400x16xi32, #tpu.memory_space<vmem>>, %arg6: memref<400x16xf32, #tpu.memory_space<vmem>>, %arg7: memref<4x16xf32, #tpu.memory_space<vmem>>, %arg8: memref<16x256xf32, #tpu.memory_space<vmem>>, %arg9: memref<1x256xf32, #tpu.memory_space<vmem>>, %arg10: memref<256x256xf32, #tpu.memory_space<vmem>>, %arg11: memref<1x256xf32, #tpu.memory_space<vmem>>, %arg12: memref<256x256xf32, #tpu.memory_space<vmem>>, %arg13: memref<64x256xf32, #tpu.memory_space<vmem>>, %arg14: memref<64x256xf32, #tpu.memory_space<vmem>>, %arg15: memref<16x256xf32, #tpu.memory_space<vmem>>, %arg16: memref<1x256xf32, #tpu.memory_space<vmem>>, %arg17: memref<256x256xf32, #tpu.memory_space<vmem>>, %arg18: memref<1x256xf32, #tpu.memory_space<vmem>>, %arg19: memref<256x64xf32, #tpu.memory_space<vmem>>, %arg20: memref<1x64xf32, #tpu.memory_space<vmem>>, %arg21: memref<256x256xf32, #tpu.memory_space<vmem>>, %arg22: memref<1x256xf32, #tpu.memory_space<vmem>>, %arg23: memref<256x256xf32, #tpu.memory_space<vmem>>, %arg24: memref<1x256xf32, #tpu.memory_space<vmem>>, %arg25: memref<256x8xf32, #tpu.memory_space<vmem>>, %arg26: memref<1x8xf32, #tpu.memory_space<vmem>>, %arg27: memref<32x64xf32, #tpu.memory_space<vmem>>, %arg28: memref<16x64xf32, #tpu.memory_space<vmem>>, %arg29: memref<1x64xf32, #tpu.memory_space<vmem>>, %arg30: memref<64x64xf32, #tpu.memory_space<vmem>>, %arg31: memref<1x64xf32, #tpu.memory_space<vmem>>, %arg32: memref<64x80xf32, #tpu.memory_space<vmem>>, %arg33: memref<1x80xf32, #tpu.memory_space<vmem>>, %arg34: memref<64x64xf32, #tpu.memory_space<vmem>>, %arg35: memref<1x64xf32, #tpu.memory_space<vmem>>, %arg36: memref<64x2xf32, #tpu.memory_space<vmem>>, %arg37: memref<1x2xf32, #tpu.memory_space<vmem>>, %arg38: memref<1600x64xf32, #tpu.memory_space<vmem>>, %arg39: memref<1600x8xf32, #tpu.memory_space<vmem>>, %arg40: memref<400x16xf32, #tpu.memory_space<vmem>>, %arg41: memref<400x2xf32, #tpu.memory_space<vmem>>, %arg42: memref<4x16xf32, #tpu.memory_space<vmem>>, %arg43: memref<4x16xf32, #tpu.memory_space<vmem>>, %arg44: memref<4x16xf32, #tpu.memory_space<vmem>>) attributes {dimension_semantics = [#tpu.dimension_semantics<arbitrary>], iteration_bounds = array<i64: 100>, scalar_prefetch = 0 : i64, scratch_operands = 0 : i64, tpu.core_type = #tpu.core_type<tc>, window_params = [{transform_indices = @transform_0, window_bounds = array<i64: 1600, 16>}, {transform_indices = @transform_1, window_bounds = array<i64: 1600, 64>}, {transform_indices = @transform_2, window_bounds = array<i64: 1600, 64>}, {transform_indices = @transform_3, window_bounds = array<i64: 1600, 64>}, {transform_indices = @transform_4, window_bounds = array<i64: 400, 16>}, {transform_indices = @transform_5, window_bounds = array<i64: 400, 16>}, {pipeline_mode = #tpu.pipeline_mode<synchronous>, transform_indices = @transform_6, window_bounds = array<i64: 4, 16>}, {pipeline_mode = #tpu.pipeline_mode<synchronous>, transform_indices = @transform_7, window_bounds = array<i64: 16, 256>}, {pipeline_mode = #tpu.pipeline_mode<synchronous>, transform_indices = @transform_8, window_bounds = array<i64: 1, 256>}, {pipeline_mode = #tpu.pipeline_mode<synchronous>, transform_indices = @transform_9, window_bounds = array<i64: 256, 256>}, {pipeline_mode = #tpu.pipeline_mode<synchronous>, transform_indices = @transform_10, window_bounds = array<i64: 1, 256>}, {pipeline_mode = #tpu.pipeline_mode<synchronous>, transform_indices = @transform_11, window_bounds = array<i64: 256, 256>}, {pipeline_mode = #tpu.pipeline_mode<synchronous>, transform_indices = @transform_12, window_bounds = array<i64: 64, 256>}, {pipeline_mode = #tpu.pipeline_mode<synchronous>, transform_indices = @transform_13, window_bounds = array<i64: 64, 256>}, {pipeline_mode = #tpu.pipeline_mode<synchronous>, transform_indices = @transform_14, window_bounds = array<i64: 16, 256>}, {pipeline_mode = #tpu.pipeline_mode<synchronous>, transform_indices = @transform_15, window_bounds = array<i64: 1, 256>}, {pipeline_mode = #tpu.pipeline_mode<synchronous>, transform_indices = @transform_16, window_bounds = array<i64: 256, 256>}, {pipeline_mode = #tpu.pipeline_mode<synchronous>, transform_indices = @transform_17, window_bounds = array<i64: 1, 256>}, {pipeline_mode = #tpu.pipeline_mode<synchronous>, transform_indices = @transform_18, window_bounds = array<i64: 256, 64>}, {pipeline_mode = #tpu.pipeline_mode<synchronous>, transform_indices = @transform_19, window_bounds = array<i64: 1, 64>}, {pipeline_mode = #tpu.pipeline_mode<synchronous>, transform_indices = @transform_20, window_bounds = array<i64: 256, 256>}, {pipeline_mode = #tpu.pipeline_mode<synchronous>, transform_indices = @transform_21, window_bounds = array<i64: 1, 256>}, {pipeline_mode = #tpu.pipeline_mode<synchronous>, transform_indices = @transform_22, window_bounds = array<i64: 256, 256>}, {pipeline_mode = #tpu.pipeline_mode<synchronous>, transform_indices = @transform_23, window_bounds = array<i64: 1, 256>}, {pipeline_mode = #tpu.pipeline_mode<synchronous>, transform_indices = @transform_24, window_bounds = array<i64: 256, 8>}, {pipeline_mode = #tpu.pipeline_mode<synchronous>, transform_indices = @transform_25, window_bounds = array<i64: 1, 8>}, {pipeline_mode = #tpu.pipeline_mode<synchronous>, transform_indices = @transform_26, window_bounds = array<i64: 32, 64>}, {pipeline_mode = #tpu.pipeline_mode<synchronous>, transform_indices = @transform_27, window_bounds = array<i64: 16, 64>}, {pipeline_mode = #tpu.pipeline_mode<synchronous>, transform_indices = @transform_28, window_bounds = array<i64: 1, 64>}, {pipeline_mode = #tpu.pipeline_mode<synchronous>, transform_indices = @transform_29, window_bounds = array<i64: 64, 64>}, {pipeline_mode = #tpu.pipeline_mode<synchronous>, transform_indices = @transform_30, window_bounds = array<i64: 1, 64>}, {pipeline_mode = #tpu.pipeline_mode<synchronous>, transform_indices = @transform_31, window_bounds = array<i64: 64, 80>}, {pipeline_mode = #tpu.pipeline_mode<synchronous>, transform_indices = @transform_32, window_bounds = array<i64: 1, 80>}, {pipeline_mode = #tpu.pipeline_mode<synchronous>, transform_indices = @transform_33, window_bounds = array<i64: 64, 64>}, {pipeline_mode = #tpu.pipeline_mode<synchronous>, transform_indices = @transform_34, window_bounds = array<i64: 1, 64>}, {pipeline_mode = #tpu.pipeline_mode<synchronous>, transform_indices = @transform_35, window_bounds = array<i64: 64, 2>}, {pipeline_mode = #tpu.pipeline_mode<synchronous>, transform_indices = @transform_36, window_bounds = array<i64: 1, 2>}, {transform_indices = @transform_37, window_bounds = array<i64: 1600, 64>}, {transform_indices = @transform_38, window_bounds = array<i64: 1600, 8>}, {transform_indices = @transform_39, window_bounds = array<i64: 400, 16>}, {transform_indices = @transform_40, window_bounds = array<i64: 400, 2>}, {pipeline_mode = #tpu.pipeline_mode<synchronous>, transform_indices = @transform_41, window_bounds = array<i64: 4, 16>}, {pipeline_mode = #tpu.pipeline_mode<synchronous>, transform_indices = @transform_42, window_bounds = array<i64: 4, 16>}, {pipeline_mode = #tpu.pipeline_mode<synchronous>, transform_indices = @transform_43, window_bounds = array<i64: 4, 16>}]} {
    %get3A = arith.constant 0 : index
    %get3A_0 = arith.constant 0 : index
    %get3A_1 = vector.load %arg4[%get3A, %get3A_0] : memref<1600x64xf32, #tpu.memory_space<vmem>>, vector<1600x64xf32>
    %get3A_2 = arith.constant 0 : index
    %get3A_3 = arith.constant 0 : index
    %get3A_4 = vector.load %arg1[%get3A_2, %get3A_3] : memref<1600x16xf32, #tpu.memory_space<vmem>>, vector<1600x16xf32>
    %get3A_5 = arith.constant 0 : index
    %get3A_6 = arith.constant 0 : index
    %get3A_7 = vector.load %arg8[%get3A_5, %get3A_6] : memref<16x256xf32, #tpu.memory_space<vmem>>, vector<16x256xf32>
    %dot_general3A = arith.constant dense<0.000000e+00> : vector<1600x256xf32>
    %dot_general3A_8 = tpu.matmul %get3A_4, %get3A_7, %dot_general3A {dimension_numbers = #tpu.dot_dimension_numbers<[1], [0], [0], [1], [0, 0, 1, 1], [], []>, transpose_lhs_hint = false} : vector<1600x16xf32>, vector<16x256xf32>, vector<1600x256xf32> -> vector<1600x256xf32>
    %get3A_9 = arith.constant 0 : index
    %get3A_10 = arith.constant 0 : index
    %get3A_11 = vector.load %arg9[%get3A_9, %get3A_10] : memref<1x256xf32, #tpu.memory_space<vmem>>, vector<1x256xf32>
    %add3A = vector.broadcast %get3A_11 : vector<1x256xf32> to vector<1600x256xf32>
    %add3A_12 = arith.addf %dot_general3A_8, %add3A : vector<1600x256xf32>
    %max3A = arith.constant 0.000000e+00 : f32
    %max3A_13 = vector.broadcast %max3A : f32 to vector<1600x256xf32>
    %max3A_14 = arith.maximumf %add3A_12, %max3A_13 : vector<1600x256xf32>
    %get3A_15 = arith.constant 0 : index
    %get3A_16 = arith.constant 0 : index
    %get3A_17 = vector.load %arg10[%get3A_15, %get3A_16] : memref<256x256xf32, #tpu.memory_space<vmem>>, vector<256x256xf32>
    %dot_general3A_18 = arith.constant dense<0.000000e+00> : vector<1600x256xf32>
    %dot_general3A_19 = tpu.matmul %max3A_14, %get3A_17, %dot_general3A_18 {dimension_numbers = #tpu.dot_dimension_numbers<[1], [0], [0], [1], [0, 0, 1, 1], [], []>, transpose_lhs_hint = false} : vector<1600x256xf32>, vector<256x256xf32>, vector<1600x256xf32> -> vector<1600x256xf32>
    %get3A_20 = arith.constant 0 : index
    %get3A_21 = arith.constant 0 : index
    %get3A_22 = vector.load %arg11[%get3A_20, %get3A_21] : memref<1x256xf32, #tpu.memory_space<vmem>>, vector<1x256xf32>
    %add3A_23 = vector.broadcast %get3A_22 : vector<1x256xf32> to vector<1600x256xf32>
    %add3A_24 = arith.addf %dot_general3A_19, %add3A_23 : vector<1600x256xf32>
    %max3A_25 = arith.constant 0.000000e+00 : f32
    %max3A_26 = vector.broadcast %max3A_25 : f32 to vector<1600x256xf32>
    %max3A_27 = arith.maximumf %add3A_24, %max3A_26 : vector<1600x256xf32>
    %jit3A = arith.constant 25 : i32
    %div3A = arith.divsi %arg0, %jit3A : i32
    %sign3A = arith.constant 0 : i32
    %sign3A_28 = arith.cmpi sgt, %arg0, %sign3A : i32
    %sign3A_29 = arith.extui %sign3A_28 : i1 to i32
    %sign3A_30 = arith.constant 0 : i32
    %sign3A_31 = arith.cmpi slt, %arg0, %sign3A_30 : i32
    %sign3A_32 = arith.extui %sign3A_31 : i1 to i32
    %sign3A_33 = arith.subi %sign3A_29, %sign3A_32 : i32
    %sign3A_34 = arith.constant 0 : i32
    %sign3A_35 = arith.cmpi sgt, %jit3A, %sign3A_34 : i32
    %sign3A_36 = arith.extui %sign3A_35 : i1 to i32
    %sign3A_37 = arith.constant 0 : i32
    %sign3A_38 = arith.cmpi slt, %jit3A, %sign3A_37 : i32
    %sign3A_39 = arith.extui %sign3A_38 : i1 to i32
    %sign3A_40 = arith.subi %sign3A_36, %sign3A_39 : i32
    %ne3A = arith.cmpi ne, %sign3A_33, %sign3A_40 : i32
    %rem3A = arith.remsi %arg0, %jit3A : i32
    %ne3A_41 = arith.constant 0 : i32
    %ne3A_42 = arith.cmpi ne, %rem3A, %ne3A_41 : i32
    %and3A = arith.andi %ne3A, %ne3A_42 : i1
    %sub3A = arith.constant 1 : i32
    %sub3A_43 = arith.subi %div3A, %sub3A : i32
    %select_n3A = arith.select %and3A, %sub3A_43, %div3A : i32
    %get3A_44 = arith.index_cast %select_n3A : i32 to index
    %get3A_45 = arith.constant 0 : index
    %get3A_46 = vector.load %arg7[%get3A_44, %get3A_45] : memref<4x16xf32, #tpu.memory_space<vmem>>, vector<1x16xf32>
    %get3A_47 = arith.constant 0 : index
    %get3A_48 = arith.constant 0 : index
    %get3A_49 = vector.load %arg15[%get3A_47, %get3A_48] : memref<16x256xf32, #tpu.memory_space<vmem>>, vector<16x256xf32>
    %dot_general3A_50 = arith.constant dense<0.000000e+00> : vector<1x256xf32>
    %dot_general3A_51 = tpu.matmul %get3A_46, %get3A_49, %dot_general3A_50 {dimension_numbers = #tpu.dot_dimension_numbers<[1], [0], [0], [1], [0, 0, 1, 1], [], []>, transpose_lhs_hint = false} : vector<1x16xf32>, vector<16x256xf32>, vector<1x256xf32> -> vector<1x256xf32>
    %get3A_52 = arith.constant 0 : index
    %get3A_53 = arith.constant 0 : index
    %get3A_54 = vector.load %arg12[%get3A_52, %get3A_53] : memref<256x256xf32, #tpu.memory_space<vmem>>, vector<256x256xf32>
    %dot_general3A_55 = arith.constant dense<0.000000e+00> : vector<1600x256xf32>
    %dot_general3A_56 = tpu.matmul %max3A_27, %get3A_54, %dot_general3A_55 {dimension_numbers = #tpu.dot_dimension_numbers<[1], [0], [0], [1], [0, 0, 1, 1], [], []>, transpose_lhs_hint = false} : vector<1600x256xf32>, vector<256x256xf32>, vector<1600x256xf32> -> vector<1600x256xf32>
    %get3A_57 = arith.constant 0 : index
    %get3A_58 = arith.constant 0 : index
    %get3A_59 = vector.load %arg3[%get3A_57, %get3A_58] : memref<1600x64xf32, #tpu.memory_space<vmem>>, vector<1600x64xf32>
    %mul3A = arith.mulf %get3A_1, %get3A_59 : vector<1600x64xf32>
    %get3A_60 = arith.constant 0 : index
    %get3A_61 = arith.constant 0 : index
    %get3A_62 = vector.load %arg13[%get3A_60, %get3A_61] : memref<64x256xf32, #tpu.memory_space<vmem>>, vector<64x256xf32>
    %dot_general3A_63 = arith.constant dense<0.000000e+00> : vector<1600x256xf32>
    %dot_general3A_64 = tpu.matmul %mul3A, %get3A_62, %dot_general3A_63 {dimension_numbers = #tpu.dot_dimension_numbers<[1], [0], [0], [1], [0, 0, 1, 1], [], []>, transpose_lhs_hint = false} : vector<1600x64xf32>, vector<64x256xf32>, vector<1600x256xf32> -> vector<1600x256xf32>
    %add3A_65 = arith.addf %dot_general3A_56, %dot_general3A_64 : vector<1600x256xf32>
    %get3A_66 = arith.constant 0 : index
    %get3A_67 = arith.constant 0 : index
    %get3A_68 = vector.load %arg2[%get3A_66, %get3A_67] : memref<1600x64xf32, #tpu.memory_space<vmem>>, vector<1600x64xf32>
    %mul3A_69 = arith.mulf %get3A_1, %get3A_68 : vector<1600x64xf32>
    %get3A_70 = arith.constant 0 : index
    %get3A_71 = arith.constant 0 : index
    %get3A_72 = vector.load %arg14[%get3A_70, %get3A_71] : memref<64x256xf32, #tpu.memory_space<vmem>>, vector<64x256xf32>
    %dot_general3A_73 = arith.constant dense<0.000000e+00> : vector<1600x256xf32>
    %dot_general3A_74 = tpu.matmul %mul3A_69, %get3A_72, %dot_general3A_73 {dimension_numbers = #tpu.dot_dimension_numbers<[1], [0], [0], [1], [0, 0, 1, 1], [], []>, transpose_lhs_hint = false} : vector<1600x64xf32>, vector<64x256xf32>, vector<1600x256xf32> -> vector<1600x256xf32>
    %add3A_75 = arith.addf %add3A_65, %dot_general3A_74 : vector<1600x256xf32>
    %add3A_76 = vector.broadcast %dot_general3A_51 : vector<1x256xf32> to vector<1600x256xf32>
    %add3A_77 = arith.addf %add3A_75, %add3A_76 : vector<1600x256xf32>
    %get3A_78 = arith.constant 0 : index
    %get3A_79 = arith.constant 0 : index
    %get3A_80 = vector.load %arg16[%get3A_78, %get3A_79] : memref<1x256xf32, #tpu.memory_space<vmem>>, vector<1x256xf32>
    %add3A_81 = vector.broadcast %get3A_80 : vector<1x256xf32> to vector<1600x256xf32>
    %add3A_82 = arith.addf %add3A_77, %add3A_81 : vector<1600x256xf32>
    %max3A_83 = arith.constant 0.000000e+00 : f32
    %max3A_84 = vector.broadcast %max3A_83 : f32 to vector<1600x256xf32>
    %max3A_85 = arith.maximumf %add3A_82, %max3A_84 : vector<1600x256xf32>
    %jit3A_86 = arith.constant 25 : i32
    %div3A_87 = arith.divsi %arg0, %jit3A_86 : i32
    %sign3A_88 = arith.constant 0 : i32
    %sign3A_89 = arith.cmpi sgt, %arg0, %sign3A_88 : i32
    %sign3A_90 = arith.extui %sign3A_89 : i1 to i32
    %sign3A_91 = arith.constant 0 : i32
    %sign3A_92 = arith.cmpi slt, %arg0, %sign3A_91 : i32
    %sign3A_93 = arith.extui %sign3A_92 : i1 to i32
    %sign3A_94 = arith.subi %sign3A_90, %sign3A_93 : i32
    %sign3A_95 = arith.constant 0 : i32
    %sign3A_96 = arith.cmpi sgt, %jit3A_86, %sign3A_95 : i32
    %sign3A_97 = arith.extui %sign3A_96 : i1 to i32
    %sign3A_98 = arith.constant 0 : i32
    %sign3A_99 = arith.cmpi slt, %jit3A_86, %sign3A_98 : i32
    %sign3A_100 = arith.extui %sign3A_99 : i1 to i32
    %sign3A_101 = arith.subi %sign3A_97, %sign3A_100 : i32
    %ne3A_102 = arith.cmpi ne, %sign3A_94, %sign3A_101 : i32
    %rem3A_103 = arith.remsi %arg0, %jit3A_86 : i32
    %ne3A_104 = arith.constant 0 : i32
    %ne3A_105 = arith.cmpi ne, %rem3A_103, %ne3A_104 : i32
    %and3A_106 = arith.andi %ne3A_102, %ne3A_105 : i1
    %sub3A_107 = arith.constant 1 : i32
    %sub3A_108 = arith.subi %div3A_87, %sub3A_107 : i32
    %select_n3A_109 = arith.select %and3A_106, %sub3A_108, %div3A_87 : i32
    %get3A_110 = arith.constant 0 : index
    %get3A_111 = arith.constant 0 : index
    %get3A_112 = vector.load %arg17[%get3A_110, %get3A_111] : memref<256x256xf32, #tpu.memory_space<vmem>>, vector<256x256xf32>
    %dot_general3A_113 = arith.constant dense<0.000000e+00> : vector<1600x256xf32>
    %dot_general3A_114 = tpu.matmul %max3A_85, %get3A_112, %dot_general3A_113 {dimension_numbers = #tpu.dot_dimension_numbers<[1], [0], [0], [1], [0, 0, 1, 1], [], []>, transpose_lhs_hint = false} : vector<1600x256xf32>, vector<256x256xf32>, vector<1600x256xf32> -> vector<1600x256xf32>
    %get3A_115 = arith.constant 0 : index
    %get3A_116 = arith.constant 0 : index
    %get3A_117 = vector.load %arg18[%get3A_115, %get3A_116] : memref<1x256xf32, #tpu.memory_space<vmem>>, vector<1x256xf32>
    %add3A_118 = vector.broadcast %get3A_117 : vector<1x256xf32> to vector<1600x256xf32>
    %add3A_119 = arith.addf %dot_general3A_114, %add3A_118 : vector<1600x256xf32>
    %max3A_120 = arith.constant 0.000000e+00 : f32
    %max3A_121 = vector.broadcast %max3A_120 : f32 to vector<1600x256xf32>
    %max3A_122 = arith.maximumf %add3A_119, %max3A_121 : vector<1600x256xf32>
    %get3A_123 = arith.constant 0 : index
    %get3A_124 = arith.constant 0 : index
    %get3A_125 = vector.load %arg19[%get3A_123, %get3A_124] : memref<256x64xf32, #tpu.memory_space<vmem>>, vector<256x64xf32>
    %dot_general3A_126 = arith.constant dense<0.000000e+00> : vector<1600x64xf32>
    %dot_general3A_127 = tpu.matmul %max3A_122, %get3A_125, %dot_general3A_126 {dimension_numbers = #tpu.dot_dimension_numbers<[1], [0], [0], [1], [0, 0, 1, 1], [], []>, transpose_lhs_hint = false} : vector<1600x256xf32>, vector<256x64xf32>, vector<1600x64xf32> -> vector<1600x64xf32>
    %get3A_128 = arith.constant 0 : index
    %get3A_129 = arith.constant 0 : index
    %get3A_130 = vector.load %arg20[%get3A_128, %get3A_129] : memref<1x64xf32, #tpu.memory_space<vmem>>, vector<1x64xf32>
    %add3A_131 = vector.broadcast %get3A_130 : vector<1x64xf32> to vector<1600x64xf32>
    %add3A_132 = arith.addf %dot_general3A_127, %add3A_131 : vector<1600x64xf32>
    %swap3A = arith.constant 0 : index
    %swap3A_133 = arith.constant 0 : index
    %swap3A_134 = vector.load %arg38[%swap3A, %swap3A_133] : memref<1600x64xf32, #tpu.memory_space<vmem>>, vector<1600x64xf32>
    tpu.vector_store %arg38[%swap3A, %swap3A_133], %add3A_132 {strides = array<i32>} : memref<1600x64xf32, #tpu.memory_space<vmem>>, vector<1600x64xf32>,
    %get3A_135 = arith.constant 0 : index
    %get3A_136 = arith.constant 0 : index
    %get3A_137 = vector.load %arg21[%get3A_135, %get3A_136] : memref<256x256xf32, #tpu.memory_space<vmem>>, vector<256x256xf32>
    %dot_general3A_138 = arith.constant dense<0.000000e+00> : vector<1600x256xf32>
    %dot_general3A_139 = tpu.matmul %max3A_122, %get3A_137, %dot_general3A_138 {dimension_numbers = #tpu.dot_dimension_numbers<[1], [0], [0], [1], [0, 0, 1, 1], [], []>, transpose_lhs_hint = false} : vector<1600x256xf32>, vector<256x256xf32>, vector<1600x256xf32> -> vector<1600x256xf32>
    %get3A_140 = arith.constant 0 : index
    %get3A_141 = arith.constant 0 : index
    %get3A_142 = vector.load %arg22[%get3A_140, %get3A_141] : memref<1x256xf32, #tpu.memory_space<vmem>>, vector<1x256xf32>
    %add3A_143 = vector.broadcast %get3A_142 : vector<1x256xf32> to vector<1600x256xf32>
    %add3A_144 = arith.addf %dot_general3A_139, %add3A_143 : vector<1600x256xf32>
    %max3A_145 = arith.constant 0.000000e+00 : f32
    %max3A_146 = vector.broadcast %max3A_145 : f32 to vector<1600x256xf32>
    %max3A_147 = arith.maximumf %add3A_144, %max3A_146 : vector<1600x256xf32>
    %get3A_148 = arith.constant 0 : index
    %get3A_149 = arith.constant 0 : index
    %get3A_150 = vector.load %arg23[%get3A_148, %get3A_149] : memref<256x256xf32, #tpu.memory_space<vmem>>, vector<256x256xf32>
    %dot_general3A_151 = arith.constant dense<0.000000e+00> : vector<1600x256xf32>
    %dot_general3A_152 = tpu.matmul %max3A_147, %get3A_150, %dot_general3A_151 {dimension_numbers = #tpu.dot_dimension_numbers<[1], [0], [0], [1], [0, 0, 1, 1], [], []>, transpose_lhs_hint = false} : vector<1600x256xf32>, vector<256x256xf32>, vector<1600x256xf32> -> vector<1600x256xf32>
    %get3A_153 = arith.constant 0 : index
    %get3A_154 = arith.constant 0 : index
    %get3A_155 = vector.load %arg24[%get3A_153, %get3A_154] : memref<1x256xf32, #tpu.memory_space<vmem>>, vector<1x256xf32>
    %add3A_156 = vector.broadcast %get3A_155 : vector<1x256xf32> to vector<1600x256xf32>
    %add3A_157 = arith.addf %dot_general3A_152, %add3A_156 : vector<1600x256xf32>
    %max3A_158 = arith.constant 0.000000e+00 : f32
    %max3A_159 = vector.broadcast %max3A_158 : f32 to vector<1600x256xf32>
    %max3A_160 = arith.maximumf %add3A_157, %max3A_159 : vector<1600x256xf32>
    %get3A_161 = arith.constant 0 : index
    %get3A_162 = arith.constant 0 : index
    %get3A_163 = vector.load %arg25[%get3A_161, %get3A_162] : memref<256x8xf32, #tpu.memory_space<vmem>>, vector<256x8xf32>
    %dot_general3A_164 = arith.constant dense<0.000000e+00> : vector<1600x8xf32>
    %dot_general3A_165 = tpu.matmul %max3A_160, %get3A_163, %dot_general3A_164 {dimension_numbers = #tpu.dot_dimension_numbers<[1], [0], [0], [1], [0, 0, 1, 1], [], []>, transpose_lhs_hint = false} : vector<1600x256xf32>, vector<256x8xf32>, vector<1600x8xf32> -> vector<1600x8xf32>
    %get3A_166 = arith.constant 0 : index
    %get3A_167 = arith.constant 0 : index
    %get3A_168 = vector.load %arg26[%get3A_166, %get3A_167] : memref<1x8xf32, #tpu.memory_space<vmem>>, vector<1x8xf32>
    %add3A_169 = vector.broadcast %get3A_168 : vector<1x8xf32> to vector<1600x8xf32>
    %add3A_170 = arith.addf %dot_general3A_165, %add3A_169 : vector<1600x8xf32>
    %max3A_171 = arith.constant 0.000000e+00 : f32
    %max3A_172 = vector.broadcast %max3A_171 : f32 to vector<1600x8xf32>
    %max3A_173 = arith.maximumf %add3A_170, %max3A_172 : vector<1600x8xf32>
    %abs3A = math.absf %add3A_170 : vector<1600x8xf32>
    %neg3A = arith.constant 0.000000e+00 : f32
    %neg3A_174 = vector.broadcast %neg3A : f32 to vector<1600x8xf32>
    %neg3A_175 = arith.subf %neg3A_174, %abs3A : vector<1600x8xf32>
    %exp3A = math.exp %neg3A_175 : vector<1600x8xf32>
    %add3A_176 = arith.constant 1.000000e+00 : f32
    %add3A_177 = vector.broadcast %add3A_176 : f32 to vector<1600x8xf32>
    %add3A_178 = arith.addf %add3A_177, %exp3A : vector<1600x8xf32>
    %log3A = math.log %add3A_178 : vector<1600x8xf32>
    %add3A_179 = arith.addf %max3A_173, %log3A : vector<1600x8xf32>
    %slice3A = vector.extract_strided_slice %get3A_1 {offsets = [0, 0], sizes = [1600, 2], strides = [1, 1]} : vector<1600x64xf32> to vector<1600x2xf32>
    %slice3A_180 = vector.extract_strided_slice %get3A_1 {offsets = [0, 16], sizes = [1600, 2], strides = [1, 1]} : vector<1600x64xf32> to vector<1600x2xf32>
    %slice3A_181 = vector.extract_strided_slice %get3A_1 {offsets = [0, 32], sizes = [1600, 2], strides = [1, 1]} : vector<1600x64xf32> to vector<1600x2xf32>
    %slice3A_182 = vector.extract_strided_slice %get3A_1 {offsets = [0, 48], sizes = [1600, 2], strides = [1, 1]} : vector<1600x64xf32> to vector<1600x2xf32>
    %concatenate3A = tpu.concatenate %slice3A, %slice3A_180, %slice3A_181, %slice3A_182 in 1 : vector<1600x2xf32>, vector<1600x2xf32>, vector<1600x2xf32>, vector<1600x2xf32> -> vector<1600x8xf32>
    %neg3A_183 = arith.constant 0.000000e+00 : f32
    %neg3A_184 = vector.broadcast %neg3A_183 : f32 to vector<1600x8xf32>
    %neg3A_185 = arith.subf %neg3A_184, %add3A_179 : vector<1600x8xf32>
    %mul3A_186 = arith.mulf %concatenate3A, %neg3A_185 : vector<1600x8xf32>
    %swap3A_187 = arith.constant 0 : index
    %swap3A_188 = arith.constant 0 : index
    %swap3A_189 = vector.load %arg39[%swap3A_187, %swap3A_188] : memref<1600x8xf32, #tpu.memory_space<vmem>>, vector<1600x8xf32>
    tpu.vector_store %arg39[%swap3A_187, %swap3A_188], %mul3A_186 {strides = array<i32>} : memref<1600x8xf32, #tpu.memory_space<vmem>>, vector<1600x8xf32>,
    %mul3A_190 = arith.mulf %get3A_1, %add3A_132 : vector<1600x64xf32>
    %reshape3A = vector.shape_cast %mul3A_190 : vector<1600x64xf32> to vector<400x4x64xf32>
    %reduce_sum3A = arith.constant dense<0.000000e+00> : vector<400x64xf32>
    %reduce_sum3A_191 = vector.multi_reduction <add>, %reshape3A, %reduce_sum3A [1] : vector<400x4x64xf32> to vector<400x64xf32>
    %slice3A_192 = vector.extract_strided_slice %reduce_sum3A_191 {offsets = [0, 0], sizes = [400, 16], strides = [1, 1]} : vector<400x64xf32> to vector<400x16xf32>
    %slice3A_193 = vector.extract_strided_slice %reduce_sum3A_191 {offsets = [0, 16], sizes = [400, 16], strides = [1, 1]} : vector<400x64xf32> to vector<400x16xf32>
    %add3A_194 = arith.addf %slice3A_192, %slice3A_193 : vector<400x16xf32>
    %slice3A_195 = vector.extract_strided_slice %reduce_sum3A_191 {offsets = [0, 32], sizes = [400, 16], strides = [1, 1]} : vector<400x64xf32> to vector<400x16xf32>
    %add3A_196 = arith.addf %add3A_194, %slice3A_195 : vector<400x16xf32>
    %slice3A_197 = vector.extract_strided_slice %reduce_sum3A_191 {offsets = [0, 48], sizes = [400, 16], strides = [1, 1]} : vector<400x64xf32> to vector<400x16xf32>
    %add3A_198 = arith.addf %add3A_196, %slice3A_197 : vector<400x16xf32>
    %get3A_199 = arith.constant 0 : index
    %get3A_200 = arith.constant 0 : index
    %get3A_201 = vector.load %arg5[%get3A_199, %get3A_200] : memref<400x16xi32, #tpu.memory_space<vmem>>, vector<400x16xi32>
    %gt3A = arith.constant 0 : i32
    %gt3A_202 = vector.broadcast %gt3A : i32 to vector<400x16xi32>
    %gt3A_203 = arith.cmpi sgt, %get3A_201, %gt3A_202 : vector<400x16xi32>
    %convert_element_type3A = arith.extui %gt3A_203 : vector<400x16xi1> to vector<400x16xi32>
    %convert_element_type3A_204 = arith.sitofp %convert_element_type3A : vector<400x16xi32> to vector<400x16xf32>
    %reduce_sum3A_205 = arith.constant dense<0.000000e+00> : vector<400xf32>
    %reduce_sum3A_206 = vector.multi_reduction <add>, %convert_element_type3A_204, %reduce_sum3A_205 [1] : vector<400x16xf32> to vector<400xf32>
    %broadcast_in_dim3A = vector.shape_cast %reduce_sum3A_206 : vector<400xf32> to vector<400x1xf32>
    %max3A_207 = arith.constant 1.000000e+00 : f32
    %max3A_208 = vector.broadcast %max3A_207 : f32 to vector<400x1xf32>
    %max3A_209 = arith.maximumf %broadcast_in_dim3A, %max3A_208 : vector<400x1xf32>
    %div3A_210 = vector.broadcast %max3A_209 : vector<400x1xf32> to vector<400x16xf32>
    %div3A_211 = arith.divf %add3A_198, %div3A_210 : vector<400x16xf32>
    %get3A_212 = arith.constant 0 : index
    %get3A_213 = arith.constant 0 : index
    %get3A_214 = vector.load %arg6[%get3A_212, %get3A_213] : memref<400x16xf32, #tpu.memory_space<vmem>>, vector<400x16xf32>
    %concatenate3A_215 = tpu.concatenate %div3A_211, %get3A_214 in 1 : vector<400x16xf32>, vector<400x16xf32> -> vector<400x32xf32>
    %get3A_216 = arith.index_cast %select_n3A_109 : i32 to index
    %get3A_217 = arith.constant 0 : index
    %get3A_218 = vector.load %arg7[%get3A_216, %get3A_217] : memref<4x16xf32, #tpu.memory_space<vmem>>, vector<1x16xf32>
    %get3A_219 = arith.constant 0 : index
    %get3A_220 = arith.constant 0 : index
    %get3A_221 = vector.load %arg28[%get3A_219, %get3A_220] : memref<16x64xf32, #tpu.memory_space<vmem>>, vector<16x64xf32>
    %dot_general3A_222 = arith.constant dense<0.000000e+00> : vector<1x64xf32>
    %dot_general3A_223 = tpu.matmul %get3A_218, %get3A_221, %dot_general3A_222 {dimension_numbers = #tpu.dot_dimension_numbers<[1], [0], [0], [1], [0, 0, 1, 1], [], []>, transpose_lhs_hint = false} : vector<1x16xf32>, vector<16x64xf32>, vector<1x64xf32> -> vector<1x64xf32>
    %get3A_224 = arith.constant 0 : index
    %get3A_225 = arith.constant 0 : index
    %get3A_226 = vector.load %arg27[%get3A_224, %get3A_225] : memref<32x64xf32, #tpu.memory_space<vmem>>, vector<32x64xf32>
    %dot_general3A_227 = arith.constant dense<0.000000e+00> : vector<400x64xf32>
    %dot_general3A_228 = tpu.matmul %concatenate3A_215, %get3A_226, %dot_general3A_227 {dimension_numbers = #tpu.dot_dimension_numbers<[1], [0], [0], [1], [0, 0, 1, 1], [], []>, transpose_lhs_hint = false} : vector<400x32xf32>, vector<32x64xf32>, vector<400x64xf32> -> vector<400x64xf32>
    %add3A_229 = vector.broadcast %dot_general3A_223 : vector<1x64xf32> to vector<400x64xf32>
    %add3A_230 = arith.addf %dot_general3A_228, %add3A_229 : vector<400x64xf32>
    %get3A_231 = arith.constant 0 : index
    %get3A_232 = arith.constant 0 : index
    %get3A_233 = vector.load %arg29[%get3A_231, %get3A_232] : memref<1x64xf32, #tpu.memory_space<vmem>>, vector<1x64xf32>
    %add3A_234 = vector.broadcast %get3A_233 : vector<1x64xf32> to vector<400x64xf32>
    %add3A_235 = arith.addf %add3A_230, %add3A_234 : vector<400x64xf32>
    %max3A_236 = arith.constant 0.000000e+00 : f32
    %max3A_237 = vector.broadcast %max3A_236 : f32 to vector<400x64xf32>
    %max3A_238 = arith.maximumf %add3A_235, %max3A_237 : vector<400x64xf32>
    %get3A_239 = arith.constant 0 : index
    %get3A_240 = arith.constant 0 : index
    %get3A_241 = vector.load %arg30[%get3A_239, %get3A_240] : memref<64x64xf32, #tpu.memory_space<vmem>>, vector<64x64xf32>
    %dot_general3A_242 = arith.constant dense<0.000000e+00> : vector<400x64xf32>
    %dot_general3A_243 = tpu.matmul %max3A_238, %get3A_241, %dot_general3A_242 {dimension_numbers = #tpu.dot_dimension_numbers<[1], [0], [0], [1], [0, 0, 1, 1], [], []>, transpose_lhs_hint = false} : vector<400x64xf32>, vector<64x64xf32>, vector<400x64xf32> -> vector<400x64xf32>
    %get3A_244 = arith.constant 0 : index
    %get3A_245 = arith.constant 0 : index
    %get3A_246 = vector.load %arg31[%get3A_244, %get3A_245] : memref<1x64xf32, #tpu.memory_space<vmem>>, vector<1x64xf32>
    %add3A_247 = vector.broadcast %get3A_246 : vector<1x64xf32> to vector<400x64xf32>
    %add3A_248 = arith.addf %dot_general3A_243, %add3A_247 : vector<400x64xf32>
    %max3A_249 = arith.constant 0.000000e+00 : f32
    %max3A_250 = vector.broadcast %max3A_249 : f32 to vector<400x64xf32>
    %max3A_251 = arith.maximumf %add3A_248, %max3A_250 : vector<400x64xf32>
    %get3A_252 = arith.constant 0 : index
    %get3A_253 = arith.constant 0 : index
    %get3A_254 = vector.load %arg32[%get3A_252, %get3A_253] : memref<64x80xf32, #tpu.memory_space<vmem>>, vector<64x80xf32>
    %dot_general3A_255 = arith.constant dense<0.000000e+00> : vector<400x80xf32>
    %dot_general3A_256 = tpu.matmul %max3A_251, %get3A_254, %dot_general3A_255 {dimension_numbers = #tpu.dot_dimension_numbers<[1], [0], [0], [1], [0, 0, 1, 1], [], []>, transpose_lhs_hint = false} : vector<400x64xf32>, vector<64x80xf32>, vector<400x80xf32> -> vector<400x80xf32>
    %get3A_257 = arith.constant 0 : index
    %get3A_258 = arith.constant 0 : index
    %get3A_259 = vector.load %arg33[%get3A_257, %get3A_258] : memref<1x80xf32, #tpu.memory_space<vmem>>, vector<1x80xf32>
    %add3A_260 = vector.broadcast %get3A_259 : vector<1x80xf32> to vector<400x80xf32>
    %add3A_261 = arith.addf %dot_general3A_256, %add3A_260 : vector<400x80xf32>
    %slice3A_262 = vector.extract_strided_slice %add3A_261 {offsets = [0, 0], sizes = [400, 16], strides = [1, 1]} : vector<400x80xf32> to vector<400x16xf32>
    %swap3A_263 = arith.constant 0 : index
    %swap3A_264 = arith.constant 0 : index
    %swap3A_265 = vector.load %arg40[%swap3A_263, %swap3A_264] : memref<400x16xf32, #tpu.memory_space<vmem>>, vector<400x16xf32>
    tpu.vector_store %arg40[%swap3A_263, %swap3A_264], %slice3A_262 {strides = array<i32>} : memref<400x16xf32, #tpu.memory_space<vmem>>, vector<400x16xf32>,
    %slice3A_266 = vector.extract_strided_slice %add3A_261 {offsets = [0, 16], sizes = [400, 64], strides = [1, 1]} : vector<400x80xf32> to vector<400x64xf32>
    %max3A_267 = arith.constant 0.000000e+00 : f32
    %max3A_268 = vector.broadcast %max3A_267 : f32 to vector<400x64xf32>
    %max3A_269 = arith.maximumf %slice3A_266, %max3A_268 : vector<400x64xf32>
    %get3A_270 = arith.constant 0 : index
    %get3A_271 = arith.constant 0 : index
    %get3A_272 = vector.load %arg34[%get3A_270, %get3A_271] : memref<64x64xf32, #tpu.memory_space<vmem>>, vector<64x64xf32>
    %dot_general3A_273 = arith.constant dense<0.000000e+00> : vector<400x64xf32>
    %dot_general3A_274 = tpu.matmul %max3A_269, %get3A_272, %dot_general3A_273 {dimension_numbers = #tpu.dot_dimension_numbers<[1], [0], [0], [1], [0, 0, 1, 1], [], []>, transpose_lhs_hint = false} : vector<400x64xf32>, vector<64x64xf32>, vector<400x64xf32> -> vector<400x64xf32>
    %get3A_275 = arith.constant 0 : index
    %get3A_276 = arith.constant 0 : index
    %get3A_277 = vector.load %arg35[%get3A_275, %get3A_276] : memref<1x64xf32, #tpu.memory_space<vmem>>, vector<1x64xf32>
    %add3A_278 = vector.broadcast %get3A_277 : vector<1x64xf32> to vector<400x64xf32>
    %add3A_279 = arith.addf %dot_general3A_274, %add3A_278 : vector<400x64xf32>
    %max3A_280 = arith.constant 0.000000e+00 : f32
    %max3A_281 = vector.broadcast %max3A_280 : f32 to vector<400x64xf32>
    %max3A_282 = arith.maximumf %add3A_279, %max3A_281 : vector<400x64xf32>
    %get3A_283 = arith.constant 0 : index
    %get3A_284 = arith.constant 0 : index
    %get3A_285 = vector.load %arg36[%get3A_283, %get3A_284] : memref<64x2xf32, #tpu.memory_space<vmem>>, vector<64x2xf32>
    %dot_general3A_286 = arith.constant dense<0.000000e+00> : vector<400x2xf32>
    %dot_general3A_287 = tpu.matmul %max3A_282, %get3A_285, %dot_general3A_286 {dimension_numbers = #tpu.dot_dimension_numbers<[1], [0], [0], [1], [0, 0, 1, 1], [], []>, transpose_lhs_hint = false} : vector<400x64xf32>, vector<64x2xf32>, vector<400x2xf32> -> vector<400x2xf32>
    %get3A_288 = arith.constant 0 : index
    %get3A_289 = arith.constant 0 : index
    %get3A_290 = vector.load %arg37[%get3A_288, %get3A_289] : memref<1x2xf32, #tpu.memory_space<vmem>>, vector<1x2xf32>
    %add3A_291 = vector.broadcast %get3A_290 : vector<1x2xf32> to vector<400x2xf32>
    %add3A_292 = arith.addf %dot_general3A_287, %add3A_291 : vector<400x2xf32>
    %swap3A_293 = arith.constant 0 : index
    %swap3A_294 = arith.constant 0 : index
    %swap3A_295 = vector.load %arg41[%swap3A_293, %swap3A_294] : memref<400x2xf32, #tpu.memory_space<vmem>>, vector<400x2xf32>
    tpu.vector_store %arg41[%swap3A_293, %swap3A_294], %add3A_292 {strides = array<i32>} : memref<400x2xf32, #tpu.memory_space<vmem>>, vector<400x2xf32>,
    %eq3A = arith.constant 0 : i32
    %eq3A_296 = arith.cmpi eq, %arg0, %eq3A : i32
    %convert_element_type3A_297 = arith.extui %eq3A_296 : i1 to i32
    %cond3A = arith.constant 0 : i32
    %cond3A_298 = arith.cmpi ne, %convert_element_type3A_297, %cond3A : i32
    scf.if %cond3A_298 {
      %broadcast_in_dim3A_330 = arith.constant 0.000000e+00 : f32
      %broadcast_in_dim3A_331 = vector.broadcast %broadcast_in_dim3A_330 : f32 to vector<4x16xf32>
      %swap3A_332 = arith.constant 0 : index
      %swap3A_333 = arith.constant 0 : index
      %swap3A_334 = vector.load %arg42[%swap3A_332, %swap3A_333] : memref<4x16xf32, #tpu.memory_space<vmem>>, vector<4x16xf32>
      tpu.vector_store %arg42[%swap3A_332, %swap3A_333], %broadcast_in_dim3A_331 {strides = array<i32>} : memref<4x16xf32, #tpu.memory_space<vmem>>, vector<4x16xf32>,
      %broadcast_in_dim3A_335 = arith.constant 0.000000e+00 : f32
      %broadcast_in_dim3A_336 = vector.broadcast %broadcast_in_dim3A_335 : f32 to vector<4x16xf32>
      %swap3A_337 = arith.constant 0 : index
      %swap3A_338 = arith.constant 0 : index
      %swap3A_339 = vector.load %arg43[%swap3A_337, %swap3A_338] : memref<4x16xf32, #tpu.memory_space<vmem>>, vector<4x16xf32>
      tpu.vector_store %arg43[%swap3A_337, %swap3A_338], %broadcast_in_dim3A_336 {strides = array<i32>} : memref<4x16xf32, #tpu.memory_space<vmem>>, vector<4x16xf32>,
      %broadcast_in_dim3A_340 = arith.constant 0.000000e+00 : f32
      %broadcast_in_dim3A_341 = vector.broadcast %broadcast_in_dim3A_340 : f32 to vector<4x16xf32>
      %swap3A_342 = arith.constant 0 : index
      %swap3A_343 = arith.constant 0 : index
      %swap3A_344 = vector.load %arg44[%swap3A_342, %swap3A_343] : memref<4x16xf32, #tpu.memory_space<vmem>>, vector<4x16xf32>
      tpu.vector_store %arg44[%swap3A_342, %swap3A_343], %broadcast_in_dim3A_341 {strides = array<i32>} : memref<4x16xf32, #tpu.memory_space<vmem>>, vector<4x16xf32>,
    } else {
    }
    %broadcast_in_dim3A_299 = arith.constant 1.000000e+00 : f32
    %broadcast_in_dim3A_300 = vector.broadcast %broadcast_in_dim3A_299 : f32 to vector<1x400xf32>
    %get3A_301 = arith.index_cast %select_n3A_109 : i32 to index
    %get3A_302 = arith.constant 0 : index
    %get3A_303 = vector.load %arg42[%get3A_301, %get3A_302] : memref<4x16xf32, #tpu.memory_space<vmem>>, vector<1x16xf32>
    %dot_general3A_304 = arith.constant dense<0.000000e+00> : vector<1x16xf32>
    %dot_general3A_305 = tpu.matmul %broadcast_in_dim3A_300, %add3A_198, %dot_general3A_304 {dimension_numbers = #tpu.dot_dimension_numbers<[1], [0], [0], [1], [0, 0, 1, 1], [], []>, transpose_lhs_hint = false} : vector<1x400xf32>, vector<400x16xf32>, vector<1x16xf32> -> vector<1x16xf32>
    %add3A_306 = arith.addf %get3A_303, %dot_general3A_305 : vector<1x16xf32>
    %swap3A_307 = arith.index_cast %select_n3A_109 : i32 to index
    %swap3A_308 = arith.constant 0 : index
    %swap3A_309 = vector.load %arg42[%swap3A_307, %swap3A_308] : memref<4x16xf32, #tpu.memory_space<vmem>>, vector<1x16xf32>
    tpu.vector_store %arg42[%swap3A_307, %swap3A_308], %add3A_306 {strides = array<i32>} : memref<4x16xf32, #tpu.memory_space<vmem>>, vector<1x16xf32>,
    %get3A_310 = arith.index_cast %select_n3A_109 : i32 to index
    %get3A_311 = arith.constant 0 : index
    %get3A_312 = vector.load %arg43[%get3A_310, %get3A_311] : memref<4x16xf32, #tpu.memory_space<vmem>>, vector<1x16xf32>
    %dot_general3A_313 = arith.constant dense<0.000000e+00> : vector<1x16xf32>
    %dot_general3A_314 = tpu.matmul %broadcast_in_dim3A_300, %slice3A_262, %dot_general3A_313 {dimension_numbers = #tpu.dot_dimension_numbers<[1], [0], [0], [1], [0, 0, 1, 1], [], []>, transpose_lhs_hint = false} : vector<1x400xf32>, vector<400x16xf32>, vector<1x16xf32> -> vector<1x16xf32>
    %add3A_315 = arith.addf %get3A_312, %dot_general3A_314 : vector<1x16xf32>
    %swap3A_316 = arith.index_cast %select_n3A_109 : i32 to index
    %swap3A_317 = arith.constant 0 : index
    %swap3A_318 = vector.load %arg43[%swap3A_316, %swap3A_317] : memref<4x16xf32, #tpu.memory_space<vmem>>, vector<1x16xf32>
    tpu.vector_store %arg43[%swap3A_316, %swap3A_317], %add3A_315 {strides = array<i32>} : memref<4x16xf32, #tpu.memory_space<vmem>>, vector<1x16xf32>,
    %get3A_319 = arith.index_cast %select_n3A_109 : i32 to index
    %get3A_320 = arith.constant 0 : index
    %get3A_321 = vector.load %arg44[%get3A_319, %get3A_320] : memref<4x16xf32, #tpu.memory_space<vmem>>, vector<1x16xf32>
    %dot_general3A_322 = arith.constant dense<0.000000e+00> : vector<1x1xf32>
    %dot_general3A_323 = tpu.matmul %broadcast_in_dim3A_300, %broadcast_in_dim3A, %dot_general3A_322 {dimension_numbers = #tpu.dot_dimension_numbers<[1], [0], [0], [1], [0, 0, 1, 1], [], []>, transpose_lhs_hint = false} : vector<1x400xf32>, vector<400x1xf32>, vector<1x1xf32> -> vector<1x1xf32>
    %broadcast_in_dim3A_324 = vector.shape_cast %dot_general3A_323 : vector<1x1xf32> to vector<1x1xf32>
    %broadcast_in_dim3A_325 = vector.broadcast %broadcast_in_dim3A_324 : vector<1x1xf32> to vector<1x16xf32>
    %add3A_326 = arith.addf %get3A_321, %broadcast_in_dim3A_325 : vector<1x16xf32>
    %swap3A_327 = arith.index_cast %select_n3A_109 : i32 to index
    %swap3A_328 = arith.constant 0 : index
    %swap3A_329 = vector.load %arg44[%swap3A_327, %swap3A_328] : memref<4x16xf32, #tpu.memory_space<vmem>>, vector<1x16xf32>
    tpu.vector_store %arg44[%swap3A_327, %swap3A_328], %add3A_326 {strides = array<i32>} : memref<4x16xf32, #tpu.memory_space<vmem>>, vector<1x16xf32>,
    return
  }
  func.func @transform_0(%arg0: i32) -> (i32, i32) {
    %c0_i32 = arith.constant 0 : i32
    %c0_i32_0 = arith.constant 0 : i32
    return %arg0, %c0_i32 : i32, i32
  }
  func.func @transform_1(%arg0: i32) -> (i32, i32) {
    %c0_i32 = arith.constant 0 : i32
    %c0_i32_0 = arith.constant 0 : i32
    return %arg0, %c0_i32 : i32, i32
  }
  func.func @transform_2(%arg0: i32) -> (i32, i32) {
    %c0_i32 = arith.constant 0 : i32
    %c0_i32_0 = arith.constant 0 : i32
    return %arg0, %c0_i32 : i32, i32
  }
  func.func @transform_3(%arg0: i32) -> (i32, i32) {
    %c0_i32 = arith.constant 0 : i32
    %c0_i32_0 = arith.constant 0 : i32
    return %arg0, %c0_i32 : i32, i32
  }
  func.func @transform_4(%arg0: i32) -> (i32, i32) {
    %c0_i32 = arith.constant 0 : i32
    %c0_i32_0 = arith.constant 0 : i32
    return %arg0, %c0_i32 : i32, i32
  }
  func.func @transform_5(%arg0: i32) -> (i32, i32) {
    %c0_i32 = arith.constant 0 : i32
    %c0_i32_0 = arith.constant 0 : i32
    return %arg0, %c0_i32 : i32, i32
  }
  func.func @transform_6(%arg0: i32) -> (i32, i32) {
    %c0_i32 = arith.constant 0 : i32
    %c0_i32_0 = arith.constant 0 : i32
    %c0_i32_1 = arith.constant 0 : i32
    return %c0_i32, %c0_i32_0 : i32, i32
  }
  func.func @transform_7(%arg0: i32) -> (i32, i32) {
    %c0_i32 = arith.constant 0 : i32
    %c0_i32_0 = arith.constant 0 : i32
    %c0_i32_1 = arith.constant 0 : i32
    return %c0_i32, %c0_i32_0 : i32, i32
  }
  func.func @transform_8(%arg0: i32) -> (i32, i32) {
    %c0_i32 = arith.constant 0 : i32
    %c0_i32_0 = arith.constant 0 : i32
    %c0_i32_1 = arith.constant 0 : i32
    return %c0_i32, %c0_i32_0 : i32, i32
  }
  func.func @transform_9(%arg0: i32) -> (i32, i32) {
    %c0_i32 = arith.constant 0 : i32
    %c0_i32_0 = arith.constant 0 : i32
    %c0_i32_1 = arith.constant 0 : i32
    return %c0_i32, %c0_i32_0 : i32, i32
  }
  func.func @transform_10(%arg0: i32) -> (i32, i32) {
    %c0_i32 = arith.constant 0 : i32
    %c0_i32_0 = arith.constant 0 : i32
    %c0_i32_1 = arith.constant 0 : i32
    return %c0_i32, %c0_i32_0 : i32, i32
  }
  func.func @transform_11(%arg0: i32) -> (i32, i32) {
    %c0_i32 = arith.constant 0 : i32
    %c0_i32_0 = arith.constant 0 : i32
    %c0_i32_1 = arith.constant 0 : i32
    return %c0_i32, %c0_i32_0 : i32, i32
  }
  func.func @transform_12(%arg0: i32) -> (i32, i32) {
    %c0_i32 = arith.constant 0 : i32
    %c0_i32_0 = arith.constant 0 : i32
    %c0_i32_1 = arith.constant 0 : i32
    return %c0_i32, %c0_i32_0 : i32, i32
  }
  func.func @transform_13(%arg0: i32) -> (i32, i32) {
    %c0_i32 = arith.constant 0 : i32
    %c0_i32_0 = arith.constant 0 : i32
    %c0_i32_1 = arith.constant 0 : i32
    return %c0_i32, %c0_i32_0 : i32, i32
  }
  func.func @transform_14(%arg0: i32) -> (i32, i32) {
    %c0_i32 = arith.constant 0 : i32
    %c0_i32_0 = arith.constant 0 : i32
    %c0_i32_1 = arith.constant 0 : i32
    return %c0_i32, %c0_i32_0 : i32, i32
  }
  func.func @transform_15(%arg0: i32) -> (i32, i32) {
    %c0_i32 = arith.constant 0 : i32
    %c0_i32_0 = arith.constant 0 : i32
    %c0_i32_1 = arith.constant 0 : i32
    return %c0_i32, %c0_i32_0 : i32, i32
  }
  func.func @transform_16(%arg0: i32) -> (i32, i32) {
    %c0_i32 = arith.constant 0 : i32
    %c0_i32_0 = arith.constant 0 : i32
    %c0_i32_1 = arith.constant 0 : i32
    return %c0_i32, %c0_i32_0 : i32, i32
  }
  func.func @transform_17(%arg0: i32) -> (i32, i32) {
    %c0_i32 = arith.constant 0 : i32
    %c0_i32_0 = arith.constant 0 : i32
    %c0_i32_1 = arith.constant 0 : i32
    return %c0_i32, %c0_i32_0 : i32, i32
  }
  func.func @transform_18(%arg0: i32) -> (i32, i32) {
    %c0_i32 = arith.constant 0 : i32
    %c0_i32_0 = arith.constant 0 : i32
    %c0_i32_1 = arith.constant 0 : i32
    return %c0_i32, %c0_i32_0 : i32, i32
  }
  func.func @transform_19(%arg0: i32) -> (i32, i32) {
    %c0_i32 = arith.constant 0 : i32
    %c0_i32_0 = arith.constant 0 : i32
    %c0_i32_1 = arith.constant 0 : i32
    return %c0_i32, %c0_i32_0 : i32, i32
  }
  func.func @transform_20(%arg0: i32) -> (i32, i32) {
    %c0_i32 = arith.constant 0 : i32
    %c0_i32_0 = arith.constant 0 : i32
    %c0_i32_1 = arith.constant 0 : i32
    return %c0_i32, %c0_i32_0 : i32, i32
  }
  func.func @transform_21(%arg0: i32) -> (i32, i32) {
    %c0_i32 = arith.constant 0 : i32
    %c0_i32_0 = arith.constant 0 : i32
    %c0_i32_1 = arith.constant 0 : i32
    return %c0_i32, %c0_i32_0 : i32, i32
  }
  func.func @transform_22(%arg0: i32) -> (i32, i32) {
    %c0_i32 = arith.constant 0 : i32
    %c0_i32_0 = arith.constant 0 : i32
    %c0_i32_1 = arith.constant 0 : i32
    return %c0_i32, %c0_i32_0 : i32, i32
  }
  func.func @transform_23(%arg0: i32) -> (i32, i32) {
    %c0_i32 = arith.constant 0 : i32
    %c0_i32_0 = arith.constant 0 : i32
    %c0_i32_1 = arith.constant 0 : i32
    return %c0_i32, %c0_i32_0 : i32, i32
  }
  func.func @transform_24(%arg0: i32) -> (i32, i32) {
    %c0_i32 = arith.constant 0 : i32
    %c0_i32_0 = arith.constant 0 : i32
    %c0_i32_1 = arith.constant 0 : i32
    return %c0_i32, %c0_i32_0 : i32, i32
  }
  func.func @transform_25(%arg0: i32) -> (i32, i32) {
    %c0_i32 = arith.constant 0 : i32
    %c0_i32_0 = arith.constant 0 : i32
    %c0_i32_1 = arith.constant 0 : i32
    return %c0_i32, %c0_i32_0 : i32, i32
  }
  func.func @transform_26(%arg0: i32) -> (i32, i32) {
    %c0_i32 = arith.constant 0 : i32
    %c0_i32_0 = arith.constant 0 : i32
    %c0_i32_1 = arith.constant 0 : i32
    return %c0_i32, %c0_i32_0 : i32, i32
  }
  func.func @transform_27(%arg0: i32) -> (i32, i32) {
    %c0_i32 = arith.constant 0 : i32
    %c0_i32_0 = arith.constant 0 : i32
    %c0_i32_1 = arith.constant 0 : i32
    return %c0_i32, %c0_i32_0 : i32, i32
  }
  func.func @transform_28(%arg0: i32) -> (i32, i32) {
    %c0_i32 = arith.constant 0 : i32
    %c0_i32_0 = arith.constant 0 : i32
    %c0_i32_1 = arith.constant 0 : i32
    return %c0_i32, %c0_i32_0 : i32, i32
  }
  func.func @transform_29(%arg0: i32) -> (i32, i32) {
    %c0_i32 = arith.constant 0 : i32
    %c0_i32_0 = arith.constant 0 : i32
    %c0_i32_1 = arith.constant 0 : i32
    return %c0_i32, %c0_i32_0 : i32, i32
  }
  func.func @transform_30(%arg0: i32) -> (i32, i32) {
    %c0_i32 = arith.constant 0 : i32
    %c0_i32_0 = arith.constant 0 : i32
    %c0_i32_1 = arith.constant 0 : i32
    return %c0_i32, %c0_i32_0 : i32, i32
  }
  func.func @transform_31(%arg0: i32) -> (i32, i32) {
    %c0_i32 = arith.constant 0 : i32
    %c0_i32_0 = arith.constant 0 : i32
    %c0_i32_1 = arith.constant 0 : i32
    return %c0_i32, %c0_i32_0 : i32, i32
  }
  func.func @transform_32(%arg0: i32) -> (i32, i32) {
    %c0_i32 = arith.constant 0 : i32
    %c0_i32_0 = arith.constant 0 : i32
    %c0_i32_1 = arith.constant 0 : i32
    return %c0_i32, %c0_i32_0 : i32, i32
  }
  func.func @transform_33(%arg0: i32) -> (i32, i32) {
    %c0_i32 = arith.constant 0 : i32
    %c0_i32_0 = arith.constant 0 : i32
    %c0_i32_1 = arith.constant 0 : i32
    return %c0_i32, %c0_i32_0 : i32, i32
  }
  func.func @transform_34(%arg0: i32) -> (i32, i32) {
    %c0_i32 = arith.constant 0 : i32
    %c0_i32_0 = arith.constant 0 : i32
    %c0_i32_1 = arith.constant 0 : i32
    return %c0_i32, %c0_i32_0 : i32, i32
  }
  func.func @transform_35(%arg0: i32) -> (i32, i32) {
    %c0_i32 = arith.constant 0 : i32
    %c0_i32_0 = arith.constant 0 : i32
    %c0_i32_1 = arith.constant 0 : i32
    return %c0_i32, %c0_i32_0 : i32, i32
  }
  func.func @transform_36(%arg0: i32) -> (i32, i32) {
    %c0_i32 = arith.constant 0 : i32
    %c0_i32_0 = arith.constant 0 : i32
    %c0_i32_1 = arith.constant 0 : i32
    return %c0_i32, %c0_i32_0 : i32, i32
  }
  func.func @transform_37(%arg0: i32) -> (i32, i32) {
    %c0_i32 = arith.constant 0 : i32
    %c0_i32_0 = arith.constant 0 : i32
    return %arg0, %c0_i32 : i32, i32
  }
  func.func @transform_38(%arg0: i32) -> (i32, i32) {
    %c0_i32 = arith.constant 0 : i32
    %c0_i32_0 = arith.constant 0 : i32
    return %arg0, %c0_i32 : i32, i32
  }
  func.func @transform_39(%arg0: i32) -> (i32, i32) {
    %c0_i32 = arith.constant 0 : i32
    %c0_i32_0 = arith.constant 0 : i32
    return %arg0, %c0_i32 : i32, i32
  }
  func.func @transform_40(%arg0: i32) -> (i32, i32) {
    %c0_i32 = arith.constant 0 : i32
    %c0_i32_0 = arith.constant 0 : i32
    return %arg0, %c0_i32 : i32, i32
  }
  func.func @transform_41(%arg0: i32) -> (i32, i32) {
    %c0_i32 = arith.constant 0 : i32
    %c0_i32_0 = arith.constant 0 : i32
    %c0_i32_1 = arith.constant 0 : i32
    return %c0_i32, %c0_i32_0 : i32, i32
  }
  func.func @transform_42(%arg0: i32) -> (i32, i32) {
    %c0_i32 = arith.constant 0 : i32
    %c0_i32_0 = arith.constant 0 : i32
    %c0_i32_1 = arith.constant 0 : i32
    return %c0_i32, %c0_i32_0 : i32, i32
  }
  func.func @transform_43(%arg0: i32) -> (i32, i32) {
    %c0_i32 = arith.constant 0 : i32
    %c0_i32_0 = arith.constant 0 : i32
    %c0_i32_1 = arith.constant 0 : i32
    return %c0_i32, %c0_i32_0 : i32, i32
  }
}

module attributes {stable_mosaic.version = 14 : i64} {
  func.func @_ctx_body(%arg0: memref<4x16xf32, #tpu.memory_space<vmem>>, %arg1: memref<4x16xf32, #tpu.memory_space<vmem>>, %arg2: memref<4x16xf32, #tpu.memory_space<vmem>>, %arg3: memref<4x16xf32, #tpu.memory_space<vmem>>, %arg4: memref<16x64xf32, #tpu.memory_space<vmem>>, %arg5: memref<16x64xf32, #tpu.memory_space<vmem>>, %arg6: memref<16x64xf32, #tpu.memory_space<vmem>>, %arg7: memref<1x64xf32, #tpu.memory_space<vmem>>, %arg8: memref<64x64xf32, #tpu.memory_space<vmem>>, %arg9: memref<1x64xf32, #tpu.memory_space<vmem>>, %arg10: memref<64x80xf32, #tpu.memory_space<vmem>>, %arg11: memref<1x80xf32, #tpu.memory_space<vmem>>, %arg12: memref<64x64xf32, #tpu.memory_space<vmem>>, %arg13: memref<1x64xf32, #tpu.memory_space<vmem>>, %arg14: memref<64x2xf32, #tpu.memory_space<vmem>>, %arg15: memref<1x2xf32, #tpu.memory_space<vmem>>, %arg16: memref<4x16xf32, #tpu.memory_space<vmem>>, %arg17: memref<4x2xf32, #tpu.memory_space<vmem>>) attributes {dimension_semantics = [], scalar_prefetch = 0 : i64, scratch_operands = 0 : i64, tpu.core_type = #tpu.core_type<tc>} {
    %get3A = arith.constant 0 : index
    %get3A_0 = arith.constant 0 : index
    %get3A_1 = vector.load %arg0[%get3A, %get3A_0] : memref<4x16xf32, #tpu.memory_space<vmem>>, vector<4x16xf32>
    %get3A_2 = arith.constant 0 : index
    %get3A_3 = arith.constant 0 : index
    %get3A_4 = vector.load %arg2[%get3A_2, %get3A_3] : memref<4x16xf32, #tpu.memory_space<vmem>>, vector<4x1xf32>
    %div3A = vector.broadcast %get3A_4 : vector<4x1xf32> to vector<4x16xf32>
    %div3A_5 = arith.divf %get3A_1, %div3A : vector<4x16xf32>
    %get3A_6 = arith.constant 0 : index
    %get3A_7 = arith.constant 0 : index
    %get3A_8 = vector.load %arg1[%get3A_6, %get3A_7] : memref<4x16xf32, #tpu.memory_space<vmem>>, vector<4x16xf32>
    %mul3A = arith.constant 9.99999974E-5 : f32
    %mul3A_9 = vector.broadcast %mul3A : f32 to vector<4x16xf32>
    %mul3A_10 = arith.mulf %get3A_8, %mul3A_9 : vector<4x16xf32>
    %get3A_11 = arith.constant 0 : index
    %get3A_12 = arith.constant 0 : index
    %get3A_13 = vector.load %arg4[%get3A_11, %get3A_12] : memref<16x64xf32, #tpu.memory_space<vmem>>, vector<16x64xf32>
    %dot_general3A = arith.constant dense<0.000000e+00> : vector<4x64xf32>
    %dot_general3A_14 = tpu.matmul %div3A_5, %get3A_13, %dot_general3A {dimension_numbers = #tpu.dot_dimension_numbers<[1], [0], [0], [1], [0, 0, 1, 1], [], []>, transpose_lhs_hint = false} : vector<4x16xf32>, vector<16x64xf32>, vector<4x64xf32> -> vector<4x64xf32>
    %get3A_15 = arith.constant 0 : index
    %get3A_16 = arith.constant 0 : index
    %get3A_17 = vector.load %arg5[%get3A_15, %get3A_16] : memref<16x64xf32, #tpu.memory_space<vmem>>, vector<16x64xf32>
    %dot_general3A_18 = arith.constant dense<0.000000e+00> : vector<4x64xf32>
    %dot_general3A_19 = tpu.matmul %mul3A_10, %get3A_17, %dot_general3A_18 {dimension_numbers = #tpu.dot_dimension_numbers<[1], [0], [0], [1], [0, 0, 1, 1], [], []>, transpose_lhs_hint = false} : vector<4x16xf32>, vector<16x64xf32>, vector<4x64xf32> -> vector<4x64xf32>
    %add3A = arith.addf %dot_general3A_14, %dot_general3A_19 : vector<4x64xf32>
    %get3A_20 = arith.constant 0 : index
    %get3A_21 = arith.constant 0 : index
    %get3A_22 = vector.load %arg3[%get3A_20, %get3A_21] : memref<4x16xf32, #tpu.memory_space<vmem>>, vector<4x16xf32>
    %get3A_23 = arith.constant 0 : index
    %get3A_24 = arith.constant 0 : index
    %get3A_25 = vector.load %arg6[%get3A_23, %get3A_24] : memref<16x64xf32, #tpu.memory_space<vmem>>, vector<16x64xf32>
    %dot_general3A_26 = arith.constant dense<0.000000e+00> : vector<4x64xf32>
    %dot_general3A_27 = tpu.matmul %get3A_22, %get3A_25, %dot_general3A_26 {dimension_numbers = #tpu.dot_dimension_numbers<[1], [0], [0], [1], [0, 0, 1, 1], [], []>, transpose_lhs_hint = false} : vector<4x16xf32>, vector<16x64xf32>, vector<4x64xf32> -> vector<4x64xf32>
    %add3A_28 = arith.addf %add3A, %dot_general3A_27 : vector<4x64xf32>
    %get3A_29 = arith.constant 0 : index
    %get3A_30 = arith.constant 0 : index
    %get3A_31 = vector.load %arg7[%get3A_29, %get3A_30] : memref<1x64xf32, #tpu.memory_space<vmem>>, vector<1x64xf32>
    %add3A_32 = vector.broadcast %get3A_31 : vector<1x64xf32> to vector<4x64xf32>
    %add3A_33 = arith.addf %add3A_28, %add3A_32 : vector<4x64xf32>
    %max3A = arith.constant 0.000000e+00 : f32
    %max3A_34 = vector.broadcast %max3A : f32 to vector<4x64xf32>
    %max3A_35 = arith.maximumf %add3A_33, %max3A_34 : vector<4x64xf32>
    %get3A_36 = arith.constant 0 : index
    %get3A_37 = arith.constant 0 : index
    %get3A_38 = vector.load %arg8[%get3A_36, %get3A_37] : memref<64x64xf32, #tpu.memory_space<vmem>>, vector<64x64xf32>
    %dot_general3A_39 = arith.constant dense<0.000000e+00> : vector<4x64xf32>
    %dot_general3A_40 = tpu.matmul %max3A_35, %get3A_38, %dot_general3A_39 {dimension_numbers = #tpu.dot_dimension_numbers<[1], [0], [0], [1], [0, 0, 1, 1], [], []>, transpose_lhs_hint = false} : vector<4x64xf32>, vector<64x64xf32>, vector<4x64xf32> -> vector<4x64xf32>
    %get3A_41 = arith.constant 0 : index
    %get3A_42 = arith.constant 0 : index
    %get3A_43 = vector.load %arg9[%get3A_41, %get3A_42] : memref<1x64xf32, #tpu.memory_space<vmem>>, vector<1x64xf32>
    %add3A_44 = vector.broadcast %get3A_43 : vector<1x64xf32> to vector<4x64xf32>
    %add3A_45 = arith.addf %dot_general3A_40, %add3A_44 : vector<4x64xf32>
    %max3A_46 = arith.constant 0.000000e+00 : f32
    %max3A_47 = vector.broadcast %max3A_46 : f32 to vector<4x64xf32>
    %max3A_48 = arith.maximumf %add3A_45, %max3A_47 : vector<4x64xf32>
    %get3A_49 = arith.constant 0 : index
    %get3A_50 = arith.constant 0 : index
    %get3A_51 = vector.load %arg10[%get3A_49, %get3A_50] : memref<64x80xf32, #tpu.memory_space<vmem>>, vector<64x80xf32>
    %dot_general3A_52 = arith.constant dense<0.000000e+00> : vector<4x80xf32>
    %dot_general3A_53 = tpu.matmul %max3A_48, %get3A_51, %dot_general3A_52 {dimension_numbers = #tpu.dot_dimension_numbers<[1], [0], [0], [1], [0, 0, 1, 1], [], []>, transpose_lhs_hint = false} : vector<4x64xf32>, vector<64x80xf32>, vector<4x80xf32> -> vector<4x80xf32>
    %get3A_54 = arith.constant 0 : index
    %get3A_55 = arith.constant 0 : index
    %get3A_56 = vector.load %arg11[%get3A_54, %get3A_55] : memref<1x80xf32, #tpu.memory_space<vmem>>, vector<1x80xf32>
    %add3A_57 = vector.broadcast %get3A_56 : vector<1x80xf32> to vector<4x80xf32>
    %add3A_58 = arith.addf %dot_general3A_53, %add3A_57 : vector<4x80xf32>
    %slice3A = vector.extract_strided_slice %add3A_58 {offsets = [0, 0], sizes = [4, 16], strides = [1, 1]} : vector<4x80xf32> to vector<4x16xf32>
    %swap3A = arith.constant 0 : index
    %swap3A_59 = arith.constant 0 : index
    %swap3A_60 = vector.load %arg16[%swap3A, %swap3A_59] : memref<4x16xf32, #tpu.memory_space<vmem>>, vector<4x16xf32>
    tpu.vector_store %arg16[%swap3A, %swap3A_59], %slice3A {strides = array<i32>} : memref<4x16xf32, #tpu.memory_space<vmem>>, vector<4x16xf32>,
    %slice3A_61 = vector.extract_strided_slice %add3A_58 {offsets = [0, 16], sizes = [4, 64], strides = [1, 1]} : vector<4x80xf32> to vector<4x64xf32>
    %max3A_62 = arith.constant 0.000000e+00 : f32
    %max3A_63 = vector.broadcast %max3A_62 : f32 to vector<4x64xf32>
    %max3A_64 = arith.maximumf %slice3A_61, %max3A_63 : vector<4x64xf32>
    %get3A_65 = arith.constant 0 : index
    %get3A_66 = arith.constant 0 : index
    %get3A_67 = vector.load %arg12[%get3A_65, %get3A_66] : memref<64x64xf32, #tpu.memory_space<vmem>>, vector<64x64xf32>
    %dot_general3A_68 = arith.constant dense<0.000000e+00> : vector<4x64xf32>
    %dot_general3A_69 = tpu.matmul %max3A_64, %get3A_67, %dot_general3A_68 {dimension_numbers = #tpu.dot_dimension_numbers<[1], [0], [0], [1], [0, 0, 1, 1], [], []>, transpose_lhs_hint = false} : vector<4x64xf32>, vector<64x64xf32>, vector<4x64xf32> -> vector<4x64xf32>
    %get3A_70 = arith.constant 0 : index
    %get3A_71 = arith.constant 0 : index
    %get3A_72 = vector.load %arg13[%get3A_70, %get3A_71] : memref<1x64xf32, #tpu.memory_space<vmem>>, vector<1x64xf32>
    %add3A_73 = vector.broadcast %get3A_72 : vector<1x64xf32> to vector<4x64xf32>
    %add3A_74 = arith.addf %dot_general3A_69, %add3A_73 : vector<4x64xf32>
    %max3A_75 = arith.constant 0.000000e+00 : f32
    %max3A_76 = vector.broadcast %max3A_75 : f32 to vector<4x64xf32>
    %max3A_77 = arith.maximumf %add3A_74, %max3A_76 : vector<4x64xf32>
    %get3A_78 = arith.constant 0 : index
    %get3A_79 = arith.constant 0 : index
    %get3A_80 = vector.load %arg14[%get3A_78, %get3A_79] : memref<64x2xf32, #tpu.memory_space<vmem>>, vector<64x2xf32>
    %dot_general3A_81 = arith.constant dense<0.000000e+00> : vector<4x2xf32>
    %dot_general3A_82 = tpu.matmul %max3A_77, %get3A_80, %dot_general3A_81 {dimension_numbers = #tpu.dot_dimension_numbers<[1], [0], [0], [1], [0, 0, 1, 1], [], []>, transpose_lhs_hint = false} : vector<4x64xf32>, vector<64x2xf32>, vector<4x2xf32> -> vector<4x2xf32>
    %get3A_83 = arith.constant 0 : index
    %get3A_84 = arith.constant 0 : index
    %get3A_85 = vector.load %arg15[%get3A_83, %get3A_84] : memref<1x2xf32, #tpu.memory_space<vmem>>, vector<1x2xf32>
    %add3A_86 = vector.broadcast %get3A_85 : vector<1x2xf32> to vector<4x2xf32>
    %add3A_87 = arith.addf %dot_general3A_82, %add3A_86 : vector<4x2xf32>
    %swap3A_88 = arith.constant 0 : index
    %swap3A_89 = arith.constant 0 : index
    %swap3A_90 = vector.load %arg17[%swap3A_88, %swap3A_89] : memref<4x2xf32, #tpu.memory_space<vmem>>, vector<4x2xf32>
    tpu.vector_store %arg17[%swap3A_88, %swap3A_89], %add3A_87 {strides = array<i32>} : memref<4x2xf32, #tpu.memory_space<vmem>>, vector<4x2xf32>,
    return
  }
}

module attributes {stable_mosaic.version = 14 : i64} {
  func.func @_mega_body_t1(%arg0: i32, %arg1: memref<1600x64xf32, #tpu.memory_space<vmem>>, %arg2: memref<1600x64xf32, #tpu.memory_space<vmem>>, %arg3: memref<1600x64xf32, #tpu.memory_space<vmem>>, %arg4: memref<1600x64xf32, #tpu.memory_space<vmem>>, %arg5: memref<400x16xi32, #tpu.memory_space<vmem>>, %arg6: memref<400x16xf32, #tpu.memory_space<vmem>>, %arg7: memref<4x16xf32, #tpu.memory_space<vmem>>, %arg8: memref<64x256xf32, #tpu.memory_space<vmem>>, %arg9: memref<64x256xf32, #tpu.memory_space<vmem>>, %arg10: memref<64x256xf32, #tpu.memory_space<vmem>>, %arg11: memref<16x256xf32, #tpu.memory_space<vmem>>, %arg12: memref<1x256xf32, #tpu.memory_space<vmem>>, %arg13: memref<256x256xf32, #tpu.memory_space<vmem>>, %arg14: memref<1x256xf32, #tpu.memory_space<vmem>>, %arg15: memref<256x64xf32, #tpu.memory_space<vmem>>, %arg16: memref<1x64xf32, #tpu.memory_space<vmem>>, %arg17: memref<256x256xf32, #tpu.memory_space<vmem>>, %arg18: memref<1x256xf32, #tpu.memory_space<vmem>>, %arg19: memref<256x256xf32, #tpu.memory_space<vmem>>, %arg20: memref<1x256xf32, #tpu.memory_space<vmem>>, %arg21: memref<256x8xf32, #tpu.memory_space<vmem>>, %arg22: memref<1x8xf32, #tpu.memory_space<vmem>>, %arg23: memref<32x64xf32, #tpu.memory_space<vmem>>, %arg24: memref<16x64xf32, #tpu.memory_space<vmem>>, %arg25: memref<1x64xf32, #tpu.memory_space<vmem>>, %arg26: memref<64x64xf32, #tpu.memory_space<vmem>>, %arg27: memref<1x64xf32, #tpu.memory_space<vmem>>, %arg28: memref<64x80xf32, #tpu.memory_space<vmem>>, %arg29: memref<1x80xf32, #tpu.memory_space<vmem>>, %arg30: memref<64x64xf32, #tpu.memory_space<vmem>>, %arg31: memref<1x64xf32, #tpu.memory_space<vmem>>, %arg32: memref<64x2xf32, #tpu.memory_space<vmem>>, %arg33: memref<1x2xf32, #tpu.memory_space<vmem>>, %arg34: memref<1600x64xf32, #tpu.memory_space<vmem>>, %arg35: memref<1600x8xf32, #tpu.memory_space<vmem>>, %arg36: memref<400x16xf32, #tpu.memory_space<vmem>>, %arg37: memref<400x2xf32, #tpu.memory_space<vmem>>, %arg38: memref<4x16xf32, #tpu.memory_space<vmem>>, %arg39: memref<4x16xf32, #tpu.memory_space<vmem>>, %arg40: memref<4x16xf32, #tpu.memory_space<vmem>>) attributes {dimension_semantics = [#tpu.dimension_semantics<arbitrary>], iteration_bounds = array<i64: 100>, scalar_prefetch = 0 : i64, scratch_operands = 0 : i64, tpu.core_type = #tpu.core_type<tc>, window_params = [{transform_indices = @transform_0, window_bounds = array<i64: 1600, 64>}, {transform_indices = @transform_1, window_bounds = array<i64: 1600, 64>}, {transform_indices = @transform_2, window_bounds = array<i64: 1600, 64>}, {transform_indices = @transform_3, window_bounds = array<i64: 1600, 64>}, {transform_indices = @transform_4, window_bounds = array<i64: 400, 16>}, {transform_indices = @transform_5, window_bounds = array<i64: 400, 16>}, {pipeline_mode = #tpu.pipeline_mode<synchronous>, transform_indices = @transform_6, window_bounds = array<i64: 4, 16>}, {pipeline_mode = #tpu.pipeline_mode<synchronous>, transform_indices = @transform_7, window_bounds = array<i64: 64, 256>}, {pipeline_mode = #tpu.pipeline_mode<synchronous>, transform_indices = @transform_8, window_bounds = array<i64: 64, 256>}, {pipeline_mode = #tpu.pipeline_mode<synchronous>, transform_indices = @transform_9, window_bounds = array<i64: 64, 256>}, {pipeline_mode = #tpu.pipeline_mode<synchronous>, transform_indices = @transform_10, window_bounds = array<i64: 16, 256>}, {pipeline_mode = #tpu.pipeline_mode<synchronous>, transform_indices = @transform_11, window_bounds = array<i64: 1, 256>}, {pipeline_mode = #tpu.pipeline_mode<synchronous>, transform_indices = @transform_12, window_bounds = array<i64: 256, 256>}, {pipeline_mode = #tpu.pipeline_mode<synchronous>, transform_indices = @transform_13, window_bounds = array<i64: 1, 256>}, {pipeline_mode = #tpu.pipeline_mode<synchronous>, transform_indices = @transform_14, window_bounds = array<i64: 256, 64>}, {pipeline_mode = #tpu.pipeline_mode<synchronous>, transform_indices = @transform_15, window_bounds = array<i64: 1, 64>}, {pipeline_mode = #tpu.pipeline_mode<synchronous>, transform_indices = @transform_16, window_bounds = array<i64: 256, 256>}, {pipeline_mode = #tpu.pipeline_mode<synchronous>, transform_indices = @transform_17, window_bounds = array<i64: 1, 256>}, {pipeline_mode = #tpu.pipeline_mode<synchronous>, transform_indices = @transform_18, window_bounds = array<i64: 256, 256>}, {pipeline_mode = #tpu.pipeline_mode<synchronous>, transform_indices = @transform_19, window_bounds = array<i64: 1, 256>}, {pipeline_mode = #tpu.pipeline_mode<synchronous>, transform_indices = @transform_20, window_bounds = array<i64: 256, 8>}, {pipeline_mode = #tpu.pipeline_mode<synchronous>, transform_indices = @transform_21, window_bounds = array<i64: 1, 8>}, {pipeline_mode = #tpu.pipeline_mode<synchronous>, transform_indices = @transform_22, window_bounds = array<i64: 32, 64>}, {pipeline_mode = #tpu.pipeline_mode<synchronous>, transform_indices = @transform_23, window_bounds = array<i64: 16, 64>}, {pipeline_mode = #tpu.pipeline_mode<synchronous>, transform_indices = @transform_24, window_bounds = array<i64: 1, 64>}, {pipeline_mode = #tpu.pipeline_mode<synchronous>, transform_indices = @transform_25, window_bounds = array<i64: 64, 64>}, {pipeline_mode = #tpu.pipeline_mode<synchronous>, transform_indices = @transform_26, window_bounds = array<i64: 1, 64>}, {pipeline_mode = #tpu.pipeline_mode<synchronous>, transform_indices = @transform_27, window_bounds = array<i64: 64, 80>}, {pipeline_mode = #tpu.pipeline_mode<synchronous>, transform_indices = @transform_28, window_bounds = array<i64: 1, 80>}, {pipeline_mode = #tpu.pipeline_mode<synchronous>, transform_indices = @transform_29, window_bounds = array<i64: 64, 64>}, {pipeline_mode = #tpu.pipeline_mode<synchronous>, transform_indices = @transform_30, window_bounds = array<i64: 1, 64>}, {pipeline_mode = #tpu.pipeline_mode<synchronous>, transform_indices = @transform_31, window_bounds = array<i64: 64, 2>}, {pipeline_mode = #tpu.pipeline_mode<synchronous>, transform_indices = @transform_32, window_bounds = array<i64: 1, 2>}, {transform_indices = @transform_33, window_bounds = array<i64: 1600, 64>}, {transform_indices = @transform_34, window_bounds = array<i64: 1600, 8>}, {transform_indices = @transform_35, window_bounds = array<i64: 400, 16>}, {transform_indices = @transform_36, window_bounds = array<i64: 400, 2>}, {pipeline_mode = #tpu.pipeline_mode<synchronous>, transform_indices = @transform_37, window_bounds = array<i64: 4, 16>}, {pipeline_mode = #tpu.pipeline_mode<synchronous>, transform_indices = @transform_38, window_bounds = array<i64: 4, 16>}, {pipeline_mode = #tpu.pipeline_mode<synchronous>, transform_indices = @transform_39, window_bounds = array<i64: 4, 16>}]} {
    %get3A = arith.constant 0 : index
    %get3A_0 = arith.constant 0 : index
    %get3A_1 = vector.load %arg4[%get3A, %get3A_0] : memref<1600x64xf32, #tpu.memory_space<vmem>>, vector<1600x64xf32>
    %jit3A = arith.constant 25 : i32
    %div3A = arith.divsi %arg0, %jit3A : i32
    %sign3A = arith.constant 0 : i32
    %sign3A_2 = arith.cmpi sgt, %arg0, %sign3A : i32
    %sign3A_3 = arith.extui %sign3A_2 : i1 to i32
    %sign3A_4 = arith.constant 0 : i32
    %sign3A_5 = arith.cmpi slt, %arg0, %sign3A_4 : i32
    %sign3A_6 = arith.extui %sign3A_5 : i1 to i32
    %sign3A_7 = arith.subi %sign3A_3, %sign3A_6 : i32
    %sign3A_8 = arith.constant 0 : i32
    %sign3A_9 = arith.cmpi sgt, %jit3A, %sign3A_8 : i32
    %sign3A_10 = arith.extui %sign3A_9 : i1 to i32
    %sign3A_11 = arith.constant 0 : i32
    %sign3A_12 = arith.cmpi slt, %jit3A, %sign3A_11 : i32
    %sign3A_13 = arith.extui %sign3A_12 : i1 to i32
    %sign3A_14 = arith.subi %sign3A_10, %sign3A_13 : i32
    %ne3A = arith.cmpi ne, %sign3A_7, %sign3A_14 : i32
    %rem3A = arith.remsi %arg0, %jit3A : i32
    %ne3A_15 = arith.constant 0 : i32
    %ne3A_16 = arith.cmpi ne, %rem3A, %ne3A_15 : i32
    %and3A = arith.andi %ne3A, %ne3A_16 : i1
    %sub3A = arith.constant 1 : i32
    %sub3A_17 = arith.subi %div3A, %sub3A : i32
    %select_n3A = arith.select %and3A, %sub3A_17, %div3A : i32
    %get3A_18 = arith.index_cast %select_n3A : i32 to index
    %get3A_19 = arith.constant 0 : index
    %get3A_20 = vector.load %arg7[%get3A_18, %get3A_19] : memref<4x16xf32, #tpu.memory_space<vmem>>, vector<1x16xf32>
    %get3A_21 = arith.constant 0 : index
    %get3A_22 = arith.constant 0 : index
    %get3A_23 = vector.load %arg11[%get3A_21, %get3A_22] : memref<16x256xf32, #tpu.memory_space<vmem>>, vector<16x256xf32>
    %dot_general3A = arith.constant dense<0.000000e+00> : vector<1x256xf32>
    %dot_general3A_24 = tpu.matmul %get3A_20, %get3A_23, %dot_general3A {dimension_numbers = #tpu.dot_dimension_numbers<[1], [0], [0], [1], [0, 0, 1, 1], [], []>, transpose_lhs_hint = false} : vector<1x16xf32>, vector<16x256xf32>, vector<1x256xf32> -> vector<1x256xf32>
    %get3A_25 = arith.constant 0 : index
    %get3A_26 = arith.constant 0 : index
    %get3A_27 = vector.load %arg1[%get3A_25, %get3A_26] : memref<1600x64xf32, #tpu.memory_space<vmem>>, vector<1600x64xf32>
    %get3A_28 = arith.constant 0 : index
    %get3A_29 = arith.constant 0 : index
    %get3A_30 = vector.load %arg8[%get3A_28, %get3A_29] : memref<64x256xf32, #tpu.memory_space<vmem>>, vector<64x256xf32>
    %dot_general3A_31 = arith.constant dense<0.000000e+00> : vector<1600x256xf32>
    %dot_general3A_32 = tpu.matmul %get3A_27, %get3A_30, %dot_general3A_31 {dimension_numbers = #tpu.dot_dimension_numbers<[1], [0], [0], [1], [0, 0, 1, 1], [], []>, transpose_lhs_hint = false} : vector<1600x64xf32>, vector<64x256xf32>, vector<1600x256xf32> -> vector<1600x256xf32>
    %get3A_33 = arith.constant 0 : index
    %get3A_34 = arith.constant 0 : index
    %get3A_35 = vector.load %arg3[%get3A_33, %get3A_34] : memref<1600x64xf32, #tpu.memory_space<vmem>>, vector<1600x64xf32>
    %mul3A = arith.mulf %get3A_1, %get3A_35 : vector<1600x64xf32>
    %get3A_36 = arith.constant 0 : index
    %get3A_37 = arith.constant 0 : index
    %get3A_38 = vector.load %arg9[%get3A_36, %get3A_37] : memref<64x256xf32, #tpu.memory_space<vmem>>, vector<64x256xf32>
    %dot_general3A_39 = arith.constant dense<0.000000e+00> : vector<1600x256xf32>
    %dot_general3A_40 = tpu.matmul %mul3A, %get3A_38, %dot_general3A_39 {dimension_numbers = #tpu.dot_dimension_numbers<[1], [0], [0], [1], [0, 0, 1, 1], [], []>, transpose_lhs_hint = false} : vector<1600x64xf32>, vector<64x256xf32>, vector<1600x256xf32> -> vector<1600x256xf32>
    %add3A = arith.addf %dot_general3A_32, %dot_general3A_40 : vector<1600x256xf32>
    %get3A_41 = arith.constant 0 : index
    %get3A_42 = arith.constant 0 : index
    %get3A_43 = vector.load %arg2[%get3A_41, %get3A_42] : memref<1600x64xf32, #tpu.memory_space<vmem>>, vector<1600x64xf32>
    %mul3A_44 = arith.mulf %get3A_1, %get3A_43 : vector<1600x64xf32>
    %get3A_45 = arith.constant 0 : index
    %get3A_46 = arith.constant 0 : index
    %get3A_47 = vector.load %arg10[%get3A_45, %get3A_46] : memref<64x256xf32, #tpu.memory_space<vmem>>, vector<64x256xf32>
    %dot_general3A_48 = arith.constant dense<0.000000e+00> : vector<1600x256xf32>
    %dot_general3A_49 = tpu.matmul %mul3A_44, %get3A_47, %dot_general3A_48 {dimension_numbers = #tpu.dot_dimension_numbers<[1], [0], [0], [1], [0, 0, 1, 1], [], []>, transpose_lhs_hint = false} : vector<1600x64xf32>, vector<64x256xf32>, vector<1600x256xf32> -> vector<1600x256xf32>
    %add3A_50 = arith.addf %add3A, %dot_general3A_49 : vector<1600x256xf32>
    %add3A_51 = vector.broadcast %dot_general3A_24 : vector<1x256xf32> to vector<1600x256xf32>
    %add3A_52 = arith.addf %add3A_50, %add3A_51 : vector<1600x256xf32>
    %get3A_53 = arith.constant 0 : index
    %get3A_54 = arith.constant 0 : index
    %get3A_55 = vector.load %arg12[%get3A_53, %get3A_54] : memref<1x256xf32, #tpu.memory_space<vmem>>, vector<1x256xf32>
    %add3A_56 = vector.broadcast %get3A_55 : vector<1x256xf32> to vector<1600x256xf32>
    %add3A_57 = arith.addf %add3A_52, %add3A_56 : vector<1600x256xf32>
    %max3A = arith.constant 0.000000e+00 : f32
    %max3A_58 = vector.broadcast %max3A : f32 to vector<1600x256xf32>
    %max3A_59 = arith.maximumf %add3A_57, %max3A_58 : vector<1600x256xf32>
    %jit3A_60 = arith.constant 25 : i32
    %div3A_61 = arith.divsi %arg0, %jit3A_60 : i32
    %sign3A_62 = arith.constant 0 : i32
    %sign3A_63 = arith.cmpi sgt, %arg0, %sign3A_62 : i32
    %sign3A_64 = arith.extui %sign3A_63 : i1 to i32
    %sign3A_65 = arith.constant 0 : i32
    %sign3A_66 = arith.cmpi slt, %arg0, %sign3A_65 : i32
    %sign3A_67 = arith.extui %sign3A_66 : i1 to i32
    %sign3A_68 = arith.subi %sign3A_64, %sign3A_67 : i32
    %sign3A_69 = arith.constant 0 : i32
    %sign3A_70 = arith.cmpi sgt, %jit3A_60, %sign3A_69 : i32
    %sign3A_71 = arith.extui %sign3A_70 : i1 to i32
    %sign3A_72 = arith.constant 0 : i32
    %sign3A_73 = arith.cmpi slt, %jit3A_60, %sign3A_72 : i32
    %sign3A_74 = arith.extui %sign3A_73 : i1 to i32
    %sign3A_75 = arith.subi %sign3A_71, %sign3A_74 : i32
    %ne3A_76 = arith.cmpi ne, %sign3A_68, %sign3A_75 : i32
    %rem3A_77 = arith.remsi %arg0, %jit3A_60 : i32
    %ne3A_78 = arith.constant 0 : i32
    %ne3A_79 = arith.cmpi ne, %rem3A_77, %ne3A_78 : i32
    %and3A_80 = arith.andi %ne3A_76, %ne3A_79 : i1
    %sub3A_81 = arith.constant 1 : i32
    %sub3A_82 = arith.subi %div3A_61, %sub3A_81 : i32
    %select_n3A_83 = arith.select %and3A_80, %sub3A_82, %div3A_61 : i32
    %get3A_84 = arith.constant 0 : index
    %get3A_85 = arith.constant 0 : index
    %get3A_86 = vector.load %arg13[%get3A_84, %get3A_85] : memref<256x256xf32, #tpu.memory_space<vmem>>, vector<256x256xf32>
    %dot_general3A_87 = arith.constant dense<0.000000e+00> : vector<1600x256xf32>
    %dot_general3A_88 = tpu.matmul %max3A_59, %get3A_86, %dot_general3A_87 {dimension_numbers = #tpu.dot_dimension_numbers<[1], [0], [0], [1], [0, 0, 1, 1], [], []>, transpose_lhs_hint = false} : vector<1600x256xf32>, vector<256x256xf32>, vector<1600x256xf32> -> vector<1600x256xf32>
    %get3A_89 = arith.constant 0 : index
    %get3A_90 = arith.constant 0 : index
    %get3A_91 = vector.load %arg14[%get3A_89, %get3A_90] : memref<1x256xf32, #tpu.memory_space<vmem>>, vector<1x256xf32>
    %add3A_92 = vector.broadcast %get3A_91 : vector<1x256xf32> to vector<1600x256xf32>
    %add3A_93 = arith.addf %dot_general3A_88, %add3A_92 : vector<1600x256xf32>
    %max3A_94 = arith.constant 0.000000e+00 : f32
    %max3A_95 = vector.broadcast %max3A_94 : f32 to vector<1600x256xf32>
    %max3A_96 = arith.maximumf %add3A_93, %max3A_95 : vector<1600x256xf32>
    %get3A_97 = arith.constant 0 : index
    %get3A_98 = arith.constant 0 : index
    %get3A_99 = vector.load %arg15[%get3A_97, %get3A_98] : memref<256x64xf32, #tpu.memory_space<vmem>>, vector<256x64xf32>
    %dot_general3A_100 = arith.constant dense<0.000000e+00> : vector<1600x64xf32>
    %dot_general3A_101 = tpu.matmul %max3A_96, %get3A_99, %dot_general3A_100 {dimension_numbers = #tpu.dot_dimension_numbers<[1], [0], [0], [1], [0, 0, 1, 1], [], []>, transpose_lhs_hint = false} : vector<1600x256xf32>, vector<256x64xf32>, vector<1600x64xf32> -> vector<1600x64xf32>
    %get3A_102 = arith.constant 0 : index
    %get3A_103 = arith.constant 0 : index
    %get3A_104 = vector.load %arg16[%get3A_102, %get3A_103] : memref<1x64xf32, #tpu.memory_space<vmem>>, vector<1x64xf32>
    %add3A_105 = vector.broadcast %get3A_104 : vector<1x64xf32> to vector<1600x64xf32>
    %add3A_106 = arith.addf %dot_general3A_101, %add3A_105 : vector<1600x64xf32>
    %swap3A = arith.constant 0 : index
    %swap3A_107 = arith.constant 0 : index
    %swap3A_108 = vector.load %arg34[%swap3A, %swap3A_107] : memref<1600x64xf32, #tpu.memory_space<vmem>>, vector<1600x64xf32>
    tpu.vector_store %arg34[%swap3A, %swap3A_107], %add3A_106 {strides = array<i32>} : memref<1600x64xf32, #tpu.memory_space<vmem>>, vector<1600x64xf32>,
    %get3A_109 = arith.constant 0 : index
    %get3A_110 = arith.constant 0 : index
    %get3A_111 = vector.load %arg17[%get3A_109, %get3A_110] : memref<256x256xf32, #tpu.memory_space<vmem>>, vector<256x256xf32>
    %dot_general3A_112 = arith.constant dense<0.000000e+00> : vector<1600x256xf32>
    %dot_general3A_113 = tpu.matmul %max3A_96, %get3A_111, %dot_general3A_112 {dimension_numbers = #tpu.dot_dimension_numbers<[1], [0], [0], [1], [0, 0, 1, 1], [], []>, transpose_lhs_hint = false} : vector<1600x256xf32>, vector<256x256xf32>, vector<1600x256xf32> -> vector<1600x256xf32>
    %get3A_114 = arith.constant 0 : index
    %get3A_115 = arith.constant 0 : index
    %get3A_116 = vector.load %arg18[%get3A_114, %get3A_115] : memref<1x256xf32, #tpu.memory_space<vmem>>, vector<1x256xf32>
    %add3A_117 = vector.broadcast %get3A_116 : vector<1x256xf32> to vector<1600x256xf32>
    %add3A_118 = arith.addf %dot_general3A_113, %add3A_117 : vector<1600x256xf32>
    %max3A_119 = arith.constant 0.000000e+00 : f32
    %max3A_120 = vector.broadcast %max3A_119 : f32 to vector<1600x256xf32>
    %max3A_121 = arith.maximumf %add3A_118, %max3A_120 : vector<1600x256xf32>
    %get3A_122 = arith.constant 0 : index
    %get3A_123 = arith.constant 0 : index
    %get3A_124 = vector.load %arg19[%get3A_122, %get3A_123] : memref<256x256xf32, #tpu.memory_space<vmem>>, vector<256x256xf32>
    %dot_general3A_125 = arith.constant dense<0.000000e+00> : vector<1600x256xf32>
    %dot_general3A_126 = tpu.matmul %max3A_121, %get3A_124, %dot_general3A_125 {dimension_numbers = #tpu.dot_dimension_numbers<[1], [0], [0], [1], [0, 0, 1, 1], [], []>, transpose_lhs_hint = false} : vector<1600x256xf32>, vector<256x256xf32>, vector<1600x256xf32> -> vector<1600x256xf32>
    %get3A_127 = arith.constant 0 : index
    %get3A_128 = arith.constant 0 : index
    %get3A_129 = vector.load %arg20[%get3A_127, %get3A_128] : memref<1x256xf32, #tpu.memory_space<vmem>>, vector<1x256xf32>
    %add3A_130 = vector.broadcast %get3A_129 : vector<1x256xf32> to vector<1600x256xf32>
    %add3A_131 = arith.addf %dot_general3A_126, %add3A_130 : vector<1600x256xf32>
    %max3A_132 = arith.constant 0.000000e+00 : f32
    %max3A_133 = vector.broadcast %max3A_132 : f32 to vector<1600x256xf32>
    %max3A_134 = arith.maximumf %add3A_131, %max3A_133 : vector<1600x256xf32>
    %get3A_135 = arith.constant 0 : index
    %get3A_136 = arith.constant 0 : index
    %get3A_137 = vector.load %arg21[%get3A_135, %get3A_136] : memref<256x8xf32, #tpu.memory_space<vmem>>, vector<256x8xf32>
    %dot_general3A_138 = arith.constant dense<0.000000e+00> : vector<1600x8xf32>
    %dot_general3A_139 = tpu.matmul %max3A_134, %get3A_137, %dot_general3A_138 {dimension_numbers = #tpu.dot_dimension_numbers<[1], [0], [0], [1], [0, 0, 1, 1], [], []>, transpose_lhs_hint = false} : vector<1600x256xf32>, vector<256x8xf32>, vector<1600x8xf32> -> vector<1600x8xf32>
    %get3A_140 = arith.constant 0 : index
    %get3A_141 = arith.constant 0 : index
    %get3A_142 = vector.load %arg22[%get3A_140, %get3A_141] : memref<1x8xf32, #tpu.memory_space<vmem>>, vector<1x8xf32>
    %add3A_143 = vector.broadcast %get3A_142 : vector<1x8xf32> to vector<1600x8xf32>
    %add3A_144 = arith.addf %dot_general3A_139, %add3A_143 : vector<1600x8xf32>
    %max3A_145 = arith.constant 0.000000e+00 : f32
    %max3A_146 = vector.broadcast %max3A_145 : f32 to vector<1600x8xf32>
    %max3A_147 = arith.maximumf %add3A_144, %max3A_146 : vector<1600x8xf32>
    %abs3A = math.absf %add3A_144 : vector<1600x8xf32>
    %neg3A = arith.constant 0.000000e+00 : f32
    %neg3A_148 = vector.broadcast %neg3A : f32 to vector<1600x8xf32>
    %neg3A_149 = arith.subf %neg3A_148, %abs3A : vector<1600x8xf32>
    %exp3A = math.exp %neg3A_149 : vector<1600x8xf32>
    %add3A_150 = arith.constant 1.000000e+00 : f32
    %add3A_151 = vector.broadcast %add3A_150 : f32 to vector<1600x8xf32>
    %add3A_152 = arith.addf %add3A_151, %exp3A : vector<1600x8xf32>
    %log3A = math.log %add3A_152 : vector<1600x8xf32>
    %add3A_153 = arith.addf %max3A_147, %log3A : vector<1600x8xf32>
    %slice3A = vector.extract_strided_slice %get3A_1 {offsets = [0, 0], sizes = [1600, 2], strides = [1, 1]} : vector<1600x64xf32> to vector<1600x2xf32>
    %slice3A_154 = vector.extract_strided_slice %get3A_1 {offsets = [0, 16], sizes = [1600, 2], strides = [1, 1]} : vector<1600x64xf32> to vector<1600x2xf32>
    %slice3A_155 = vector.extract_strided_slice %get3A_1 {offsets = [0, 32], sizes = [1600, 2], strides = [1, 1]} : vector<1600x64xf32> to vector<1600x2xf32>
    %slice3A_156 = vector.extract_strided_slice %get3A_1 {offsets = [0, 48], sizes = [1600, 2], strides = [1, 1]} : vector<1600x64xf32> to vector<1600x2xf32>
    %concatenate3A = tpu.concatenate %slice3A, %slice3A_154, %slice3A_155, %slice3A_156 in 1 : vector<1600x2xf32>, vector<1600x2xf32>, vector<1600x2xf32>, vector<1600x2xf32> -> vector<1600x8xf32>
    %neg3A_157 = arith.constant 0.000000e+00 : f32
    %neg3A_158 = vector.broadcast %neg3A_157 : f32 to vector<1600x8xf32>
    %neg3A_159 = arith.subf %neg3A_158, %add3A_153 : vector<1600x8xf32>
    %mul3A_160 = arith.mulf %concatenate3A, %neg3A_159 : vector<1600x8xf32>
    %swap3A_161 = arith.constant 0 : index
    %swap3A_162 = arith.constant 0 : index
    %swap3A_163 = vector.load %arg35[%swap3A_161, %swap3A_162] : memref<1600x8xf32, #tpu.memory_space<vmem>>, vector<1600x8xf32>
    tpu.vector_store %arg35[%swap3A_161, %swap3A_162], %mul3A_160 {strides = array<i32>} : memref<1600x8xf32, #tpu.memory_space<vmem>>, vector<1600x8xf32>,
    %mul3A_164 = arith.mulf %get3A_1, %add3A_106 : vector<1600x64xf32>
    %reshape3A = vector.shape_cast %mul3A_164 : vector<1600x64xf32> to vector<400x4x64xf32>
    %reduce_sum3A = arith.constant dense<0.000000e+00> : vector<400x64xf32>
    %reduce_sum3A_165 = vector.multi_reduction <add>, %reshape3A, %reduce_sum3A [1] : vector<400x4x64xf32> to vector<400x64xf32>
    %slice3A_166 = vector.extract_strided_slice %reduce_sum3A_165 {offsets = [0, 0], sizes = [400, 16], strides = [1, 1]} : vector<400x64xf32> to vector<400x16xf32>
    %slice3A_167 = vector.extract_strided_slice %reduce_sum3A_165 {offsets = [0, 16], sizes = [400, 16], strides = [1, 1]} : vector<400x64xf32> to vector<400x16xf32>
    %add3A_168 = arith.addf %slice3A_166, %slice3A_167 : vector<400x16xf32>
    %slice3A_169 = vector.extract_strided_slice %reduce_sum3A_165 {offsets = [0, 32], sizes = [400, 16], strides = [1, 1]} : vector<400x64xf32> to vector<400x16xf32>
    %add3A_170 = arith.addf %add3A_168, %slice3A_169 : vector<400x16xf32>
    %slice3A_171 = vector.extract_strided_slice %reduce_sum3A_165 {offsets = [0, 48], sizes = [400, 16], strides = [1, 1]} : vector<400x64xf32> to vector<400x16xf32>
    %add3A_172 = arith.addf %add3A_170, %slice3A_171 : vector<400x16xf32>
    %get3A_173 = arith.constant 0 : index
    %get3A_174 = arith.constant 0 : index
    %get3A_175 = vector.load %arg5[%get3A_173, %get3A_174] : memref<400x16xi32, #tpu.memory_space<vmem>>, vector<400x16xi32>
    %gt3A = arith.constant 0 : i32
    %gt3A_176 = vector.broadcast %gt3A : i32 to vector<400x16xi32>
    %gt3A_177 = arith.cmpi sgt, %get3A_175, %gt3A_176 : vector<400x16xi32>
    %convert_element_type3A = arith.extui %gt3A_177 : vector<400x16xi1> to vector<400x16xi32>
    %convert_element_type3A_178 = arith.sitofp %convert_element_type3A : vector<400x16xi32> to vector<400x16xf32>
    %reduce_sum3A_179 = arith.constant dense<0.000000e+00> : vector<400xf32>
    %reduce_sum3A_180 = vector.multi_reduction <add>, %convert_element_type3A_178, %reduce_sum3A_179 [1] : vector<400x16xf32> to vector<400xf32>
    %broadcast_in_dim3A = vector.shape_cast %reduce_sum3A_180 : vector<400xf32> to vector<400x1xf32>
    %max3A_181 = arith.constant 1.000000e+00 : f32
    %max3A_182 = vector.broadcast %max3A_181 : f32 to vector<400x1xf32>
    %max3A_183 = arith.maximumf %broadcast_in_dim3A, %max3A_182 : vector<400x1xf32>
    %div3A_184 = vector.broadcast %max3A_183 : vector<400x1xf32> to vector<400x16xf32>
    %div3A_185 = arith.divf %add3A_172, %div3A_184 : vector<400x16xf32>
    %get3A_186 = arith.constant 0 : index
    %get3A_187 = arith.constant 0 : index
    %get3A_188 = vector.load %arg6[%get3A_186, %get3A_187] : memref<400x16xf32, #tpu.memory_space<vmem>>, vector<400x16xf32>
    %concatenate3A_189 = tpu.concatenate %div3A_185, %get3A_188 in 1 : vector<400x16xf32>, vector<400x16xf32> -> vector<400x32xf32>
    %get3A_190 = arith.index_cast %select_n3A_83 : i32 to index
    %get3A_191 = arith.constant 0 : index
    %get3A_192 = vector.load %arg7[%get3A_190, %get3A_191] : memref<4x16xf32, #tpu.memory_space<vmem>>, vector<1x16xf32>
    %get3A_193 = arith.constant 0 : index
    %get3A_194 = arith.constant 0 : index
    %get3A_195 = vector.load %arg24[%get3A_193, %get3A_194] : memref<16x64xf32, #tpu.memory_space<vmem>>, vector<16x64xf32>
    %dot_general3A_196 = arith.constant dense<0.000000e+00> : vector<1x64xf32>
    %dot_general3A_197 = tpu.matmul %get3A_192, %get3A_195, %dot_general3A_196 {dimension_numbers = #tpu.dot_dimension_numbers<[1], [0], [0], [1], [0, 0, 1, 1], [], []>, transpose_lhs_hint = false} : vector<1x16xf32>, vector<16x64xf32>, vector<1x64xf32> -> vector<1x64xf32>
    %get3A_198 = arith.constant 0 : index
    %get3A_199 = arith.constant 0 : index
    %get3A_200 = vector.load %arg23[%get3A_198, %get3A_199] : memref<32x64xf32, #tpu.memory_space<vmem>>, vector<32x64xf32>
    %dot_general3A_201 = arith.constant dense<0.000000e+00> : vector<400x64xf32>
    %dot_general3A_202 = tpu.matmul %concatenate3A_189, %get3A_200, %dot_general3A_201 {dimension_numbers = #tpu.dot_dimension_numbers<[1], [0], [0], [1], [0, 0, 1, 1], [], []>, transpose_lhs_hint = false} : vector<400x32xf32>, vector<32x64xf32>, vector<400x64xf32> -> vector<400x64xf32>
    %add3A_203 = vector.broadcast %dot_general3A_197 : vector<1x64xf32> to vector<400x64xf32>
    %add3A_204 = arith.addf %dot_general3A_202, %add3A_203 : vector<400x64xf32>
    %get3A_205 = arith.constant 0 : index
    %get3A_206 = arith.constant 0 : index
    %get3A_207 = vector.load %arg25[%get3A_205, %get3A_206] : memref<1x64xf32, #tpu.memory_space<vmem>>, vector<1x64xf32>
    %add3A_208 = vector.broadcast %get3A_207 : vector<1x64xf32> to vector<400x64xf32>
    %add3A_209 = arith.addf %add3A_204, %add3A_208 : vector<400x64xf32>
    %max3A_210 = arith.constant 0.000000e+00 : f32
    %max3A_211 = vector.broadcast %max3A_210 : f32 to vector<400x64xf32>
    %max3A_212 = arith.maximumf %add3A_209, %max3A_211 : vector<400x64xf32>
    %get3A_213 = arith.constant 0 : index
    %get3A_214 = arith.constant 0 : index
    %get3A_215 = vector.load %arg26[%get3A_213, %get3A_214] : memref<64x64xf32, #tpu.memory_space<vmem>>, vector<64x64xf32>
    %dot_general3A_216 = arith.constant dense<0.000000e+00> : vector<400x64xf32>
    %dot_general3A_217 = tpu.matmul %max3A_212, %get3A_215, %dot_general3A_216 {dimension_numbers = #tpu.dot_dimension_numbers<[1], [0], [0], [1], [0, 0, 1, 1], [], []>, transpose_lhs_hint = false} : vector<400x64xf32>, vector<64x64xf32>, vector<400x64xf32> -> vector<400x64xf32>
    %get3A_218 = arith.constant 0 : index
    %get3A_219 = arith.constant 0 : index
    %get3A_220 = vector.load %arg27[%get3A_218, %get3A_219] : memref<1x64xf32, #tpu.memory_space<vmem>>, vector<1x64xf32>
    %add3A_221 = vector.broadcast %get3A_220 : vector<1x64xf32> to vector<400x64xf32>
    %add3A_222 = arith.addf %dot_general3A_217, %add3A_221 : vector<400x64xf32>
    %max3A_223 = arith.constant 0.000000e+00 : f32
    %max3A_224 = vector.broadcast %max3A_223 : f32 to vector<400x64xf32>
    %max3A_225 = arith.maximumf %add3A_222, %max3A_224 : vector<400x64xf32>
    %get3A_226 = arith.constant 0 : index
    %get3A_227 = arith.constant 0 : index
    %get3A_228 = vector.load %arg28[%get3A_226, %get3A_227] : memref<64x80xf32, #tpu.memory_space<vmem>>, vector<64x80xf32>
    %dot_general3A_229 = arith.constant dense<0.000000e+00> : vector<400x80xf32>
    %dot_general3A_230 = tpu.matmul %max3A_225, %get3A_228, %dot_general3A_229 {dimension_numbers = #tpu.dot_dimension_numbers<[1], [0], [0], [1], [0, 0, 1, 1], [], []>, transpose_lhs_hint = false} : vector<400x64xf32>, vector<64x80xf32>, vector<400x80xf32> -> vector<400x80xf32>
    %get3A_231 = arith.constant 0 : index
    %get3A_232 = arith.constant 0 : index
    %get3A_233 = vector.load %arg29[%get3A_231, %get3A_232] : memref<1x80xf32, #tpu.memory_space<vmem>>, vector<1x80xf32>
    %add3A_234 = vector.broadcast %get3A_233 : vector<1x80xf32> to vector<400x80xf32>
    %add3A_235 = arith.addf %dot_general3A_230, %add3A_234 : vector<400x80xf32>
    %slice3A_236 = vector.extract_strided_slice %add3A_235 {offsets = [0, 0], sizes = [400, 16], strides = [1, 1]} : vector<400x80xf32> to vector<400x16xf32>
    %swap3A_237 = arith.constant 0 : index
    %swap3A_238 = arith.constant 0 : index
    %swap3A_239 = vector.load %arg36[%swap3A_237, %swap3A_238] : memref<400x16xf32, #tpu.memory_space<vmem>>, vector<400x16xf32>
    tpu.vector_store %arg36[%swap3A_237, %swap3A_238], %slice3A_236 {strides = array<i32>} : memref<400x16xf32, #tpu.memory_space<vmem>>, vector<400x16xf32>,
    %slice3A_240 = vector.extract_strided_slice %add3A_235 {offsets = [0, 16], sizes = [400, 64], strides = [1, 1]} : vector<400x80xf32> to vector<400x64xf32>
    %max3A_241 = arith.constant 0.000000e+00 : f32
    %max3A_242 = vector.broadcast %max3A_241 : f32 to vector<400x64xf32>
    %max3A_243 = arith.maximumf %slice3A_240, %max3A_242 : vector<400x64xf32>
    %get3A_244 = arith.constant 0 : index
    %get3A_245 = arith.constant 0 : index
    %get3A_246 = vector.load %arg30[%get3A_244, %get3A_245] : memref<64x64xf32, #tpu.memory_space<vmem>>, vector<64x64xf32>
    %dot_general3A_247 = arith.constant dense<0.000000e+00> : vector<400x64xf32>
    %dot_general3A_248 = tpu.matmul %max3A_243, %get3A_246, %dot_general3A_247 {dimension_numbers = #tpu.dot_dimension_numbers<[1], [0], [0], [1], [0, 0, 1, 1], [], []>, transpose_lhs_hint = false} : vector<400x64xf32>, vector<64x64xf32>, vector<400x64xf32> -> vector<400x64xf32>
    %get3A_249 = arith.constant 0 : index
    %get3A_250 = arith.constant 0 : index
    %get3A_251 = vector.load %arg31[%get3A_249, %get3A_250] : memref<1x64xf32, #tpu.memory_space<vmem>>, vector<1x64xf32>
    %add3A_252 = vector.broadcast %get3A_251 : vector<1x64xf32> to vector<400x64xf32>
    %add3A_253 = arith.addf %dot_general3A_248, %add3A_252 : vector<400x64xf32>
    %max3A_254 = arith.constant 0.000000e+00 : f32
    %max3A_255 = vector.broadcast %max3A_254 : f32 to vector<400x64xf32>
    %max3A_256 = arith.maximumf %add3A_253, %max3A_255 : vector<400x64xf32>
    %get3A_257 = arith.constant 0 : index
    %get3A_258 = arith.constant 0 : index
    %get3A_259 = vector.load %arg32[%get3A_257, %get3A_258] : memref<64x2xf32, #tpu.memory_space<vmem>>, vector<64x2xf32>
    %dot_general3A_260 = arith.constant dense<0.000000e+00> : vector<400x2xf32>
    %dot_general3A_261 = tpu.matmul %max3A_256, %get3A_259, %dot_general3A_260 {dimension_numbers = #tpu.dot_dimension_numbers<[1], [0], [0], [1], [0, 0, 1, 1], [], []>, transpose_lhs_hint = false} : vector<400x64xf32>, vector<64x2xf32>, vector<400x2xf32> -> vector<400x2xf32>
    %get3A_262 = arith.constant 0 : index
    %get3A_263 = arith.constant 0 : index
    %get3A_264 = vector.load %arg33[%get3A_262, %get3A_263] : memref<1x2xf32, #tpu.memory_space<vmem>>, vector<1x2xf32>
    %add3A_265 = vector.broadcast %get3A_264 : vector<1x2xf32> to vector<400x2xf32>
    %add3A_266 = arith.addf %dot_general3A_261, %add3A_265 : vector<400x2xf32>
    %swap3A_267 = arith.constant 0 : index
    %swap3A_268 = arith.constant 0 : index
    %swap3A_269 = vector.load %arg37[%swap3A_267, %swap3A_268] : memref<400x2xf32, #tpu.memory_space<vmem>>, vector<400x2xf32>
    tpu.vector_store %arg37[%swap3A_267, %swap3A_268], %add3A_266 {strides = array<i32>} : memref<400x2xf32, #tpu.memory_space<vmem>>, vector<400x2xf32>,
    %eq3A = arith.constant 0 : i32
    %eq3A_270 = arith.cmpi eq, %arg0, %eq3A : i32
    %convert_element_type3A_271 = arith.extui %eq3A_270 : i1 to i32
    %cond3A = arith.constant 0 : i32
    %cond3A_272 = arith.cmpi ne, %convert_element_type3A_271, %cond3A : i32
    scf.if %cond3A_272 {
      %broadcast_in_dim3A_304 = arith.constant 0.000000e+00 : f32
      %broadcast_in_dim3A_305 = vector.broadcast %broadcast_in_dim3A_304 : f32 to vector<4x16xf32>
      %swap3A_306 = arith.constant 0 : index
      %swap3A_307 = arith.constant 0 : index
      %swap3A_308 = vector.load %arg38[%swap3A_306, %swap3A_307] : memref<4x16xf32, #tpu.memory_space<vmem>>, vector<4x16xf32>
      tpu.vector_store %arg38[%swap3A_306, %swap3A_307], %broadcast_in_dim3A_305 {strides = array<i32>} : memref<4x16xf32, #tpu.memory_space<vmem>>, vector<4x16xf32>,
      %broadcast_in_dim3A_309 = arith.constant 0.000000e+00 : f32
      %broadcast_in_dim3A_310 = vector.broadcast %broadcast_in_dim3A_309 : f32 to vector<4x16xf32>
      %swap3A_311 = arith.constant 0 : index
      %swap3A_312 = arith.constant 0 : index
      %swap3A_313 = vector.load %arg39[%swap3A_311, %swap3A_312] : memref<4x16xf32, #tpu.memory_space<vmem>>, vector<4x16xf32>
      tpu.vector_store %arg39[%swap3A_311, %swap3A_312], %broadcast_in_dim3A_310 {strides = array<i32>} : memref<4x16xf32, #tpu.memory_space<vmem>>, vector<4x16xf32>,
      %broadcast_in_dim3A_314 = arith.constant 0.000000e+00 : f32
      %broadcast_in_dim3A_315 = vector.broadcast %broadcast_in_dim3A_314 : f32 to vector<4x16xf32>
      %swap3A_316 = arith.constant 0 : index
      %swap3A_317 = arith.constant 0 : index
      %swap3A_318 = vector.load %arg40[%swap3A_316, %swap3A_317] : memref<4x16xf32, #tpu.memory_space<vmem>>, vector<4x16xf32>
      tpu.vector_store %arg40[%swap3A_316, %swap3A_317], %broadcast_in_dim3A_315 {strides = array<i32>} : memref<4x16xf32, #tpu.memory_space<vmem>>, vector<4x16xf32>,
    } else {
    }
    %broadcast_in_dim3A_273 = arith.constant 1.000000e+00 : f32
    %broadcast_in_dim3A_274 = vector.broadcast %broadcast_in_dim3A_273 : f32 to vector<1x400xf32>
    %get3A_275 = arith.index_cast %select_n3A_83 : i32 to index
    %get3A_276 = arith.constant 0 : index
    %get3A_277 = vector.load %arg38[%get3A_275, %get3A_276] : memref<4x16xf32, #tpu.memory_space<vmem>>, vector<1x16xf32>
    %dot_general3A_278 = arith.constant dense<0.000000e+00> : vector<1x16xf32>
    %dot_general3A_279 = tpu.matmul %broadcast_in_dim3A_274, %add3A_172, %dot_general3A_278 {dimension_numbers = #tpu.dot_dimension_numbers<[1], [0], [0], [1], [0, 0, 1, 1], [], []>, transpose_lhs_hint = false} : vector<1x400xf32>, vector<400x16xf32>, vector<1x16xf32> -> vector<1x16xf32>
    %add3A_280 = arith.addf %get3A_277, %dot_general3A_279 : vector<1x16xf32>
    %swap3A_281 = arith.index_cast %select_n3A_83 : i32 to index
    %swap3A_282 = arith.constant 0 : index
    %swap3A_283 = vector.load %arg38[%swap3A_281, %swap3A_282] : memref<4x16xf32, #tpu.memory_space<vmem>>, vector<1x16xf32>
    tpu.vector_store %arg38[%swap3A_281, %swap3A_282], %add3A_280 {strides = array<i32>} : memref<4x16xf32, #tpu.memory_space<vmem>>, vector<1x16xf32>,
    %get3A_284 = arith.index_cast %select_n3A_83 : i32 to index
    %get3A_285 = arith.constant 0 : index
    %get3A_286 = vector.load %arg39[%get3A_284, %get3A_285] : memref<4x16xf32, #tpu.memory_space<vmem>>, vector<1x16xf32>
    %dot_general3A_287 = arith.constant dense<0.000000e+00> : vector<1x16xf32>
    %dot_general3A_288 = tpu.matmul %broadcast_in_dim3A_274, %slice3A_236, %dot_general3A_287 {dimension_numbers = #tpu.dot_dimension_numbers<[1], [0], [0], [1], [0, 0, 1, 1], [], []>, transpose_lhs_hint = false} : vector<1x400xf32>, vector<400x16xf32>, vector<1x16xf32> -> vector<1x16xf32>
    %add3A_289 = arith.addf %get3A_286, %dot_general3A_288 : vector<1x16xf32>
    %swap3A_290 = arith.index_cast %select_n3A_83 : i32 to index
    %swap3A_291 = arith.constant 0 : index
    %swap3A_292 = vector.load %arg39[%swap3A_290, %swap3A_291] : memref<4x16xf32, #tpu.memory_space<vmem>>, vector<1x16xf32>
    tpu.vector_store %arg39[%swap3A_290, %swap3A_291], %add3A_289 {strides = array<i32>} : memref<4x16xf32, #tpu.memory_space<vmem>>, vector<1x16xf32>,
    %get3A_293 = arith.index_cast %select_n3A_83 : i32 to index
    %get3A_294 = arith.constant 0 : index
    %get3A_295 = vector.load %arg40[%get3A_293, %get3A_294] : memref<4x16xf32, #tpu.memory_space<vmem>>, vector<1x16xf32>
    %dot_general3A_296 = arith.constant dense<0.000000e+00> : vector<1x1xf32>
    %dot_general3A_297 = tpu.matmul %broadcast_in_dim3A_274, %broadcast_in_dim3A, %dot_general3A_296 {dimension_numbers = #tpu.dot_dimension_numbers<[1], [0], [0], [1], [0, 0, 1, 1], [], []>, transpose_lhs_hint = false} : vector<1x400xf32>, vector<400x1xf32>, vector<1x1xf32> -> vector<1x1xf32>
    %broadcast_in_dim3A_298 = vector.shape_cast %dot_general3A_297 : vector<1x1xf32> to vector<1x1xf32>
    %broadcast_in_dim3A_299 = vector.broadcast %broadcast_in_dim3A_298 : vector<1x1xf32> to vector<1x16xf32>
    %add3A_300 = arith.addf %get3A_295, %broadcast_in_dim3A_299 : vector<1x16xf32>
    %swap3A_301 = arith.index_cast %select_n3A_83 : i32 to index
    %swap3A_302 = arith.constant 0 : index
    %swap3A_303 = vector.load %arg40[%swap3A_301, %swap3A_302] : memref<4x16xf32, #tpu.memory_space<vmem>>, vector<1x16xf32>
    tpu.vector_store %arg40[%swap3A_301, %swap3A_302], %add3A_300 {strides = array<i32>} : memref<4x16xf32, #tpu.memory_space<vmem>>, vector<1x16xf32>,
    return
  }
  func.func @transform_0(%arg0: i32) -> (i32, i32) {
    %c0_i32 = arith.constant 0 : i32
    %c0_i32_0 = arith.constant 0 : i32
    return %arg0, %c0_i32 : i32, i32
  }
  func.func @transform_1(%arg0: i32) -> (i32, i32) {
    %c0_i32 = arith.constant 0 : i32
    %c0_i32_0 = arith.constant 0 : i32
    return %arg0, %c0_i32 : i32, i32
  }
  func.func @transform_2(%arg0: i32) -> (i32, i32) {
    %c0_i32 = arith.constant 0 : i32
    %c0_i32_0 = arith.constant 0 : i32
    return %arg0, %c0_i32 : i32, i32
  }
  func.func @transform_3(%arg0: i32) -> (i32, i32) {
    %c0_i32 = arith.constant 0 : i32
    %c0_i32_0 = arith.constant 0 : i32
    return %arg0, %c0_i32 : i32, i32
  }
  func.func @transform_4(%arg0: i32) -> (i32, i32) {
    %c0_i32 = arith.constant 0 : i32
    %c0_i32_0 = arith.constant 0 : i32
    return %arg0, %c0_i32 : i32, i32
  }
  func.func @transform_5(%arg0: i32) -> (i32, i32) {
    %c0_i32 = arith.constant 0 : i32
    %c0_i32_0 = arith.constant 0 : i32
    return %arg0, %c0_i32 : i32, i32
  }
  func.func @transform_6(%arg0: i32) -> (i32, i32) {
    %c0_i32 = arith.constant 0 : i32
    %c0_i32_0 = arith.constant 0 : i32
    %c0_i32_1 = arith.constant 0 : i32
    return %c0_i32, %c0_i32_0 : i32, i32
  }
  func.func @transform_7(%arg0: i32) -> (i32, i32) {
    %c0_i32 = arith.constant 0 : i32
    %c0_i32_0 = arith.constant 0 : i32
    %c0_i32_1 = arith.constant 0 : i32
    return %c0_i32, %c0_i32_0 : i32, i32
  }
  func.func @transform_8(%arg0: i32) -> (i32, i32) {
    %c0_i32 = arith.constant 0 : i32
    %c0_i32_0 = arith.constant 0 : i32
    %c0_i32_1 = arith.constant 0 : i32
    return %c0_i32, %c0_i32_0 : i32, i32
  }
  func.func @transform_9(%arg0: i32) -> (i32, i32) {
    %c0_i32 = arith.constant 0 : i32
    %c0_i32_0 = arith.constant 0 : i32
    %c0_i32_1 = arith.constant 0 : i32
    return %c0_i32, %c0_i32_0 : i32, i32
  }
  func.func @transform_10(%arg0: i32) -> (i32, i32) {
    %c0_i32 = arith.constant 0 : i32
    %c0_i32_0 = arith.constant 0 : i32
    %c0_i32_1 = arith.constant 0 : i32
    return %c0_i32, %c0_i32_0 : i32, i32
  }
  func.func @transform_11(%arg0: i32) -> (i32, i32) {
    %c0_i32 = arith.constant 0 : i32
    %c0_i32_0 = arith.constant 0 : i32
    %c0_i32_1 = arith.constant 0 : i32
    return %c0_i32, %c0_i32_0 : i32, i32
  }
  func.func @transform_12(%arg0: i32) -> (i32, i32) {
    %c0_i32 = arith.constant 0 : i32
    %c0_i32_0 = arith.constant 0 : i32
    %c0_i32_1 = arith.constant 0 : i32
    return %c0_i32, %c0_i32_0 : i32, i32
  }
  func.func @transform_13(%arg0: i32) -> (i32, i32) {
    %c0_i32 = arith.constant 0 : i32
    %c0_i32_0 = arith.constant 0 : i32
    %c0_i32_1 = arith.constant 0 : i32
    return %c0_i32, %c0_i32_0 : i32, i32
  }
  func.func @transform_14(%arg0: i32) -> (i32, i32) {
    %c0_i32 = arith.constant 0 : i32
    %c0_i32_0 = arith.constant 0 : i32
    %c0_i32_1 = arith.constant 0 : i32
    return %c0_i32, %c0_i32_0 : i32, i32
  }
  func.func @transform_15(%arg0: i32) -> (i32, i32) {
    %c0_i32 = arith.constant 0 : i32
    %c0_i32_0 = arith.constant 0 : i32
    %c0_i32_1 = arith.constant 0 : i32
    return %c0_i32, %c0_i32_0 : i32, i32
  }
  func.func @transform_16(%arg0: i32) -> (i32, i32) {
    %c0_i32 = arith.constant 0 : i32
    %c0_i32_0 = arith.constant 0 : i32
    %c0_i32_1 = arith.constant 0 : i32
    return %c0_i32, %c0_i32_0 : i32, i32
  }
  func.func @transform_17(%arg0: i32) -> (i32, i32) {
    %c0_i32 = arith.constant 0 : i32
    %c0_i32_0 = arith.constant 0 : i32
    %c0_i32_1 = arith.constant 0 : i32
    return %c0_i32, %c0_i32_0 : i32, i32
  }
  func.func @transform_18(%arg0: i32) -> (i32, i32) {
    %c0_i32 = arith.constant 0 : i32
    %c0_i32_0 = arith.constant 0 : i32
    %c0_i32_1 = arith.constant 0 : i32
    return %c0_i32, %c0_i32_0 : i32, i32
  }
  func.func @transform_19(%arg0: i32) -> (i32, i32) {
    %c0_i32 = arith.constant 0 : i32
    %c0_i32_0 = arith.constant 0 : i32
    %c0_i32_1 = arith.constant 0 : i32
    return %c0_i32, %c0_i32_0 : i32, i32
  }
  func.func @transform_20(%arg0: i32) -> (i32, i32) {
    %c0_i32 = arith.constant 0 : i32
    %c0_i32_0 = arith.constant 0 : i32
    %c0_i32_1 = arith.constant 0 : i32
    return %c0_i32, %c0_i32_0 : i32, i32
  }
  func.func @transform_21(%arg0: i32) -> (i32, i32) {
    %c0_i32 = arith.constant 0 : i32
    %c0_i32_0 = arith.constant 0 : i32
    %c0_i32_1 = arith.constant 0 : i32
    return %c0_i32, %c0_i32_0 : i32, i32
  }
  func.func @transform_22(%arg0: i32) -> (i32, i32) {
    %c0_i32 = arith.constant 0 : i32
    %c0_i32_0 = arith.constant 0 : i32
    %c0_i32_1 = arith.constant 0 : i32
    return %c0_i32, %c0_i32_0 : i32, i32
  }
  func.func @transform_23(%arg0: i32) -> (i32, i32) {
    %c0_i32 = arith.constant 0 : i32
    %c0_i32_0 = arith.constant 0 : i32
    %c0_i32_1 = arith.constant 0 : i32
    return %c0_i32, %c0_i32_0 : i32, i32
  }
  func.func @transform_24(%arg0: i32) -> (i32, i32) {
    %c0_i32 = arith.constant 0 : i32
    %c0_i32_0 = arith.constant 0 : i32
    %c0_i32_1 = arith.constant 0 : i32
    return %c0_i32, %c0_i32_0 : i32, i32
  }
  func.func @transform_25(%arg0: i32) -> (i32, i32) {
    %c0_i32 = arith.constant 0 : i32
    %c0_i32_0 = arith.constant 0 : i32
    %c0_i32_1 = arith.constant 0 : i32
    return %c0_i32, %c0_i32_0 : i32, i32
  }
  func.func @transform_26(%arg0: i32) -> (i32, i32) {
    %c0_i32 = arith.constant 0 : i32
    %c0_i32_0 = arith.constant 0 : i32
    %c0_i32_1 = arith.constant 0 : i32
    return %c0_i32, %c0_i32_0 : i32, i32
  }
  func.func @transform_27(%arg0: i32) -> (i32, i32) {
    %c0_i32 = arith.constant 0 : i32
    %c0_i32_0 = arith.constant 0 : i32
    %c0_i32_1 = arith.constant 0 : i32
    return %c0_i32, %c0_i32_0 : i32, i32
  }
  func.func @transform_28(%arg0: i32) -> (i32, i32) {
    %c0_i32 = arith.constant 0 : i32
    %c0_i32_0 = arith.constant 0 : i32
    %c0_i32_1 = arith.constant 0 : i32
    return %c0_i32, %c0_i32_0 : i32, i32
  }
  func.func @transform_29(%arg0: i32) -> (i32, i32) {
    %c0_i32 = arith.constant 0 : i32
    %c0_i32_0 = arith.constant 0 : i32
    %c0_i32_1 = arith.constant 0 : i32
    return %c0_i32, %c0_i32_0 : i32, i32
  }
  func.func @transform_30(%arg0: i32) -> (i32, i32) {
    %c0_i32 = arith.constant 0 : i32
    %c0_i32_0 = arith.constant 0 : i32
    %c0_i32_1 = arith.constant 0 : i32
    return %c0_i32, %c0_i32_0 : i32, i32
  }
  func.func @transform_31(%arg0: i32) -> (i32, i32) {
    %c0_i32 = arith.constant 0 : i32
    %c0_i32_0 = arith.constant 0 : i32
    %c0_i32_1 = arith.constant 0 : i32
    return %c0_i32, %c0_i32_0 : i32, i32
  }
  func.func @transform_32(%arg0: i32) -> (i32, i32) {
    %c0_i32 = arith.constant 0 : i32
    %c0_i32_0 = arith.constant 0 : i32
    %c0_i32_1 = arith.constant 0 : i32
    return %c0_i32, %c0_i32_0 : i32, i32
  }
  func.func @transform_33(%arg0: i32) -> (i32, i32) {
    %c0_i32 = arith.constant 0 : i32
    %c0_i32_0 = arith.constant 0 : i32
    return %arg0, %c0_i32 : i32, i32
  }
  func.func @transform_34(%arg0: i32) -> (i32, i32) {
    %c0_i32 = arith.constant 0 : i32
    %c0_i32_0 = arith.constant 0 : i32
    return %arg0, %c0_i32 : i32, i32
  }
  func.func @transform_35(%arg0: i32) -> (i32, i32) {
    %c0_i32 = arith.constant 0 : i32
    %c0_i32_0 = arith.constant 0 : i32
    return %arg0, %c0_i32 : i32, i32
  }
  func.func @transform_36(%arg0: i32) -> (i32, i32) {
    %c0_i32 = arith.constant 0 : i32
    %c0_i32_0 = arith.constant 0 : i32
    return %arg0, %c0_i32 : i32, i32
  }
  func.func @transform_37(%arg0: i32) -> (i32, i32) {
    %c0_i32 = arith.constant 0 : i32
    %c0_i32_0 = arith.constant 0 : i32
    %c0_i32_1 = arith.constant 0 : i32
    return %c0_i32, %c0_i32_0 : i32, i32
  }
  func.func @transform_38(%arg0: i32) -> (i32, i32) {
    %c0_i32 = arith.constant 0 : i32
    %c0_i32_0 = arith.constant 0 : i32
    %c0_i32_1 = arith.constant 0 : i32
    return %c0_i32, %c0_i32_0 : i32, i32
  }
  func.func @transform_39(%arg0: i32) -> (i32, i32) {
    %c0_i32 = arith.constant 0 : i32
    %c0_i32_0 = arith.constant 0 : i32
    %c0_i32_1 = arith.constant 0 : i32
    return %c0_i32, %c0_i32_0 : i32, i32
  }
}

module attributes {stable_mosaic.version = 14 : i64} {
  func.func @_ctx_body(%arg0: memref<4x16xf32, #tpu.memory_space<vmem>>, %arg1: memref<4x16xf32, #tpu.memory_space<vmem>>, %arg2: memref<4x16xf32, #tpu.memory_space<vmem>>, %arg3: memref<4x16xf32, #tpu.memory_space<vmem>>, %arg4: memref<16x64xf32, #tpu.memory_space<vmem>>, %arg5: memref<16x64xf32, #tpu.memory_space<vmem>>, %arg6: memref<16x64xf32, #tpu.memory_space<vmem>>, %arg7: memref<1x64xf32, #tpu.memory_space<vmem>>, %arg8: memref<64x64xf32, #tpu.memory_space<vmem>>, %arg9: memref<1x64xf32, #tpu.memory_space<vmem>>, %arg10: memref<64x80xf32, #tpu.memory_space<vmem>>, %arg11: memref<1x80xf32, #tpu.memory_space<vmem>>, %arg12: memref<64x64xf32, #tpu.memory_space<vmem>>, %arg13: memref<1x64xf32, #tpu.memory_space<vmem>>, %arg14: memref<64x2xf32, #tpu.memory_space<vmem>>, %arg15: memref<1x2xf32, #tpu.memory_space<vmem>>, %arg16: memref<4x16xf32, #tpu.memory_space<vmem>>, %arg17: memref<4x2xf32, #tpu.memory_space<vmem>>) attributes {dimension_semantics = [], scalar_prefetch = 0 : i64, scratch_operands = 0 : i64, tpu.core_type = #tpu.core_type<tc>} {
    %get3A = arith.constant 0 : index
    %get3A_0 = arith.constant 0 : index
    %get3A_1 = vector.load %arg0[%get3A, %get3A_0] : memref<4x16xf32, #tpu.memory_space<vmem>>, vector<4x16xf32>
    %get3A_2 = arith.constant 0 : index
    %get3A_3 = arith.constant 0 : index
    %get3A_4 = vector.load %arg2[%get3A_2, %get3A_3] : memref<4x16xf32, #tpu.memory_space<vmem>>, vector<4x1xf32>
    %div3A = vector.broadcast %get3A_4 : vector<4x1xf32> to vector<4x16xf32>
    %div3A_5 = arith.divf %get3A_1, %div3A : vector<4x16xf32>
    %get3A_6 = arith.constant 0 : index
    %get3A_7 = arith.constant 0 : index
    %get3A_8 = vector.load %arg1[%get3A_6, %get3A_7] : memref<4x16xf32, #tpu.memory_space<vmem>>, vector<4x16xf32>
    %mul3A = arith.constant 9.99999974E-5 : f32
    %mul3A_9 = vector.broadcast %mul3A : f32 to vector<4x16xf32>
    %mul3A_10 = arith.mulf %get3A_8, %mul3A_9 : vector<4x16xf32>
    %get3A_11 = arith.constant 0 : index
    %get3A_12 = arith.constant 0 : index
    %get3A_13 = vector.load %arg4[%get3A_11, %get3A_12] : memref<16x64xf32, #tpu.memory_space<vmem>>, vector<16x64xf32>
    %dot_general3A = arith.constant dense<0.000000e+00> : vector<4x64xf32>
    %dot_general3A_14 = tpu.matmul %div3A_5, %get3A_13, %dot_general3A {dimension_numbers = #tpu.dot_dimension_numbers<[1], [0], [0], [1], [0, 0, 1, 1], [], []>, transpose_lhs_hint = false} : vector<4x16xf32>, vector<16x64xf32>, vector<4x64xf32> -> vector<4x64xf32>
    %get3A_15 = arith.constant 0 : index
    %get3A_16 = arith.constant 0 : index
    %get3A_17 = vector.load %arg5[%get3A_15, %get3A_16] : memref<16x64xf32, #tpu.memory_space<vmem>>, vector<16x64xf32>
    %dot_general3A_18 = arith.constant dense<0.000000e+00> : vector<4x64xf32>
    %dot_general3A_19 = tpu.matmul %mul3A_10, %get3A_17, %dot_general3A_18 {dimension_numbers = #tpu.dot_dimension_numbers<[1], [0], [0], [1], [0, 0, 1, 1], [], []>, transpose_lhs_hint = false} : vector<4x16xf32>, vector<16x64xf32>, vector<4x64xf32> -> vector<4x64xf32>
    %add3A = arith.addf %dot_general3A_14, %dot_general3A_19 : vector<4x64xf32>
    %get3A_20 = arith.constant 0 : index
    %get3A_21 = arith.constant 0 : index
    %get3A_22 = vector.load %arg3[%get3A_20, %get3A_21] : memref<4x16xf32, #tpu.memory_space<vmem>>, vector<4x16xf32>
    %get3A_23 = arith.constant 0 : index
    %get3A_24 = arith.constant 0 : index
    %get3A_25 = vector.load %arg6[%get3A_23, %get3A_24] : memref<16x64xf32, #tpu.memory_space<vmem>>, vector<16x64xf32>
    %dot_general3A_26 = arith.constant dense<0.000000e+00> : vector<4x64xf32>
    %dot_general3A_27 = tpu.matmul %get3A_22, %get3A_25, %dot_general3A_26 {dimension_numbers = #tpu.dot_dimension_numbers<[1], [0], [0], [1], [0, 0, 1, 1], [], []>, transpose_lhs_hint = false} : vector<4x16xf32>, vector<16x64xf32>, vector<4x64xf32> -> vector<4x64xf32>
    %add3A_28 = arith.addf %add3A, %dot_general3A_27 : vector<4x64xf32>
    %get3A_29 = arith.constant 0 : index
    %get3A_30 = arith.constant 0 : index
    %get3A_31 = vector.load %arg7[%get3A_29, %get3A_30] : memref<1x64xf32, #tpu.memory_space<vmem>>, vector<1x64xf32>
    %add3A_32 = vector.broadcast %get3A_31 : vector<1x64xf32> to vector<4x64xf32>
    %add3A_33 = arith.addf %add3A_28, %add3A_32 : vector<4x64xf32>
    %max3A = arith.constant 0.000000e+00 : f32
    %max3A_34 = vector.broadcast %max3A : f32 to vector<4x64xf32>
    %max3A_35 = arith.maximumf %add3A_33, %max3A_34 : vector<4x64xf32>
    %get3A_36 = arith.constant 0 : index
    %get3A_37 = arith.constant 0 : index
    %get3A_38 = vector.load %arg8[%get3A_36, %get3A_37] : memref<64x64xf32, #tpu.memory_space<vmem>>, vector<64x64xf32>
    %dot_general3A_39 = arith.constant dense<0.000000e+00> : vector<4x64xf32>
    %dot_general3A_40 = tpu.matmul %max3A_35, %get3A_38, %dot_general3A_39 {dimension_numbers = #tpu.dot_dimension_numbers<[1], [0], [0], [1], [0, 0, 1, 1], [], []>, transpose_lhs_hint = false} : vector<4x64xf32>, vector<64x64xf32>, vector<4x64xf32> -> vector<4x64xf32>
    %get3A_41 = arith.constant 0 : index
    %get3A_42 = arith.constant 0 : index
    %get3A_43 = vector.load %arg9[%get3A_41, %get3A_42] : memref<1x64xf32, #tpu.memory_space<vmem>>, vector<1x64xf32>
    %add3A_44 = vector.broadcast %get3A_43 : vector<1x64xf32> to vector<4x64xf32>
    %add3A_45 = arith.addf %dot_general3A_40, %add3A_44 : vector<4x64xf32>
    %max3A_46 = arith.constant 0.000000e+00 : f32
    %max3A_47 = vector.broadcast %max3A_46 : f32 to vector<4x64xf32>
    %max3A_48 = arith.maximumf %add3A_45, %max3A_47 : vector<4x64xf32>
    %get3A_49 = arith.constant 0 : index
    %get3A_50 = arith.constant 0 : index
    %get3A_51 = vector.load %arg10[%get3A_49, %get3A_50] : memref<64x80xf32, #tpu.memory_space<vmem>>, vector<64x80xf32>
    %dot_general3A_52 = arith.constant dense<0.000000e+00> : vector<4x80xf32>
    %dot_general3A_53 = tpu.matmul %max3A_48, %get3A_51, %dot_general3A_52 {dimension_numbers = #tpu.dot_dimension_numbers<[1], [0], [0], [1], [0, 0, 1, 1], [], []>, transpose_lhs_hint = false} : vector<4x64xf32>, vector<64x80xf32>, vector<4x80xf32> -> vector<4x80xf32>
    %get3A_54 = arith.constant 0 : index
    %get3A_55 = arith.constant 0 : index
    %get3A_56 = vector.load %arg11[%get3A_54, %get3A_55] : memref<1x80xf32, #tpu.memory_space<vmem>>, vector<1x80xf32>
    %add3A_57 = vector.broadcast %get3A_56 : vector<1x80xf32> to vector<4x80xf32>
    %add3A_58 = arith.addf %dot_general3A_53, %add3A_57 : vector<4x80xf32>
    %slice3A = vector.extract_strided_slice %add3A_58 {offsets = [0, 0], sizes = [4, 16], strides = [1, 1]} : vector<4x80xf32> to vector<4x16xf32>
    %swap3A = arith.constant 0 : index
    %swap3A_59 = arith.constant 0 : index
    %swap3A_60 = vector.load %arg16[%swap3A, %swap3A_59] : memref<4x16xf32, #tpu.memory_space<vmem>>, vector<4x16xf32>
    tpu.vector_store %arg16[%swap3A, %swap3A_59], %slice3A {strides = array<i32>} : memref<4x16xf32, #tpu.memory_space<vmem>>, vector<4x16xf32>,
    %slice3A_61 = vector.extract_strided_slice %add3A_58 {offsets = [0, 16], sizes = [4, 64], strides = [1, 1]} : vector<4x80xf32> to vector<4x64xf32>
    %max3A_62 = arith.constant 0.000000e+00 : f32
    %max3A_63 = vector.broadcast %max3A_62 : f32 to vector<4x64xf32>
    %max3A_64 = arith.maximumf %slice3A_61, %max3A_63 : vector<4x64xf32>
    %get3A_65 = arith.constant 0 : index
    %get3A_66 = arith.constant 0 : index
    %get3A_67 = vector.load %arg12[%get3A_65, %get3A_66] : memref<64x64xf32, #tpu.memory_space<vmem>>, vector<64x64xf32>
    %dot_general3A_68 = arith.constant dense<0.000000e+00> : vector<4x64xf32>
    %dot_general3A_69 = tpu.matmul %max3A_64, %get3A_67, %dot_general3A_68 {dimension_numbers = #tpu.dot_dimension_numbers<[1], [0], [0], [1], [0, 0, 1, 1], [], []>, transpose_lhs_hint = false} : vector<4x64xf32>, vector<64x64xf32>, vector<4x64xf32> -> vector<4x64xf32>
    %get3A_70 = arith.constant 0 : index
    %get3A_71 = arith.constant 0 : index
    %get3A_72 = vector.load %arg13[%get3A_70, %get3A_71] : memref<1x64xf32, #tpu.memory_space<vmem>>, vector<1x64xf32>
    %add3A_73 = vector.broadcast %get3A_72 : vector<1x64xf32> to vector<4x64xf32>
    %add3A_74 = arith.addf %dot_general3A_69, %add3A_73 : vector<4x64xf32>
    %max3A_75 = arith.constant 0.000000e+00 : f32
    %max3A_76 = vector.broadcast %max3A_75 : f32 to vector<4x64xf32>
    %max3A_77 = arith.maximumf %add3A_74, %max3A_76 : vector<4x64xf32>
    %get3A_78 = arith.constant 0 : index
    %get3A_79 = arith.constant 0 : index
    %get3A_80 = vector.load %arg14[%get3A_78, %get3A_79] : memref<64x2xf32, #tpu.memory_space<vmem>>, vector<64x2xf32>
    %dot_general3A_81 = arith.constant dense<0.000000e+00> : vector<4x2xf32>
    %dot_general3A_82 = tpu.matmul %max3A_77, %get3A_80, %dot_general3A_81 {dimension_numbers = #tpu.dot_dimension_numbers<[1], [0], [0], [1], [0, 0, 1, 1], [], []>, transpose_lhs_hint = false} : vector<4x64xf32>, vector<64x2xf32>, vector<4x2xf32> -> vector<4x2xf32>
    %get3A_83 = arith.constant 0 : index
    %get3A_84 = arith.constant 0 : index
    %get3A_85 = vector.load %arg15[%get3A_83, %get3A_84] : memref<1x2xf32, #tpu.memory_space<vmem>>, vector<1x2xf32>
    %add3A_86 = vector.broadcast %get3A_85 : vector<1x2xf32> to vector<4x2xf32>
    %add3A_87 = arith.addf %dot_general3A_82, %add3A_86 : vector<4x2xf32>
    %swap3A_88 = arith.constant 0 : index
    %swap3A_89 = arith.constant 0 : index
    %swap3A_90 = vector.load %arg17[%swap3A_88, %swap3A_89] : memref<4x2xf32, #tpu.memory_space<vmem>>, vector<4x2xf32>
    tpu.vector_store %arg17[%swap3A_88, %swap3A_89], %add3A_87 {strides = array<i32>} : memref<4x2xf32, #tpu.memory_space<vmem>>, vector<4x2xf32>,
    return
  }
}

</mosaic_0001>

<sc_bundles>
// kernel: kernel.10.cloned.1.call-start
scs
__scs_entry_jumppad:
0x0: {  	(pc) =	sbr.rel $0x88, $3  }
0x1: {  	(tag) =	ssettag $0x0;
	lr =	simm.s32 $0x1  }
0x2: {  	[smem:$0x3F67] =	sst lr;
	_ =	strace $0xD0000000  }
0x3: {  	_ = 	snop  }
0x4: {  	_ = 	snop  }
0x5: {  	_ = 	snop  }
0x6: {  	_ = 	snop  }
0x7: {  	_ = 	snop  }
__scs_overlays_trampoline_lowered:
0x8: {  	[smem:$0x3F76] =	sst s0  }
0x9: {  	[smem:$0x3F77] =	sst s1  }
0xa: {  	[smem:$0x3F78] =	sst s2  }
0xb: {  	[smem:$0x3F79] =	sst s3  }
0xc: {  	[smem:$0x3F7A] =	sst s4  }
0xd: {  	[smem:$0x3F7B] =	sst s5  }
0xe: {  	[smem:$0x3F7C] =	sst s6  }
0xf: {  	[smem:$0x3F7D] =	sst s7  }
0x10: {  	[smem:$0x3F7E] =	sst s8  }
0x11: {  	[smem:$0x3F7F] =	sst s9;
	s0 =	simm.s32 @!p0 $0x0  }
0x12: {  	s1 =	sld [smem:$0x3F65];
	s0 =	simm.s32 @p0 $0x1  }
0x13: {  	[smem:$0x3F80] =	sst s0;
	s0 =	simm.s32 @!p1 $0x0  }
0x14: {  	s2 =	sld [smem:$0x3F64];
	s0 =	simm.s32 @p1 $0x1  }
0x15: {  	[smem:$0x3F81] =	sst s0;
	s0 =	simm.s32 @!p2 $0x0  }
0x16: {  	s3 =	sld [smem:$0x3FDB];
	s0 =	simm.s32 @p2 $0x1  }
0x17: {  	s4 =	simm.s32 $0x1BF5;
	[smem:$0x3F83] =	sst s0  }
0x18: {  	s0 =	sld [smem:$0x3F66];
	_ =	swait.ge [sflag:s4], $0x0  }
0x19: {  	s7 =	sld [smem:$0x3F67]  }
0x1a: {  	s8 =	sadd.s32 $0xFFFFE003, lr  }
0x1b: {  	s9 =	sadd.s32 $0xFFFFFEF7, lr;
	s5 =	simm.s32 $0xFFFFFFFF;
	p2 =	slt.u32 s8, $0xFFFFF086  }
0x1c: {  	p1 =	slt.u32 s9, $0xF7A;
	s5 =	simm.s32 @!p2 $0x0  }
0x1d: {  	s5 =	simm.s32 @p1 $0x1;
	p0 =	seq.s32 s7, s2  }
0x1e: {  	s7 =	smul.u32 @!p0 $0xF7A, s2;
	p2 =	seq.s32 @!p0 s5, $0x0  }
0x1f: {  	s9 =	smul.u32 $0xF7A, s1;
	s8 =	simm.s32 @!p0 $0x1BF5;
	p2 =	por !p2, p0  }
0x20: {  	[sflag:s8] =	ssyncset.s32 @!p0 $0xFFFFF086;
	s6 =	sadd.s32 @!p0 s3, s7;
	s7 =	simm.s32 @!p0 $0x108  }
0x21: {  	s3 =	sadd.s32 s3, s9;
	s6 =	sadd.s32 @!p0 $0x88, s6;
	s7 =	simm.s32 @p2 $0x1082  }
0x22: {  	[simem:s7], [sflag:s8] =	dma.local @!p0 [hbm:s6], $0xF7A  }
0x23: {  	s9 =	sor.u32 $0xD0000000, s2;
	s6 =	simm.s32 $0x108;
	_ =	swait.ge @!p0 [sflag:s8], $0x0  }
0x24: {  	s3 =	sadd.s32 $0x88, s3;
	s6 =	simm.s32 @!p1 $0x1082;
	[sflag:s4] =	ssyncset.s32 $0xFFFFF086  }
0x25: {  	[simem:s6], [sflag:s4] =	dma.local [hbm:s3], $0xF7A  }
0x26: {  	[smem:$0x3F67] =	sst s1;
	(tag) =	ssettag s2;
	_ =	strace s9  }
0x27: {  	s1 =	sld [smem:$0x3F77]  }
0x28: {  	s2 =	sld [smem:$0x3F78]  }
0x29: {  	s4 =	sld [smem:$0x3F7A]  }
0x2a: {  	p0 =	seq.s32 s5, $0x0;
	s5 =	sld [smem:$0x3F7B]  }
0x2b: {  	s6 =	sld [smem:$0x3F7C]  }
0x2c: {  	s7 =	sld [smem:$0x3F7D]  }
0x2d: {  	s3 =	simm.s32 $0x108;
	s8 =	sld [smem:$0x3F7E]  }
0x2e: {  	s3 =	simm.s32 @!p0 $0x1082;
	s9 =	sld [smem:$0x3F7F]  }
0x2f: {  	lr =	sadd.s32 s0, s3;
	s0 =	sld [smem:$0x3F76]  }
0x30: {  	s3 =	sld [smem:$0x3F79]  }
0x31: {  	[smem:$0x3F82] =	sst s10  }
0x32: {  	s10 =	sld [smem:$0x3F80];
	_ =	sdelay $0x3  }
0x33: {  	p0 =	seq.s32 s10, $0x1;
	s10 =	sld [smem:$0x3F82];
	_ =	sdelay $0x3  }
0x34: {  	[smem:$0x3F82] =	sst s10  }
0x35: {  	s10 =	sld [smem:$0x3F81];
	_ =	sdelay $0x3  }
0x36: {  	p1 =	seq.s32 s10, $0x1;
	s10 =	sld [smem:$0x3F82];
	_ =	sdelay $0x3  }
0x37: {  	[smem:$0x3F82] =	sst s10  }
0x38: {  	s10 =	sld [smem:$0x3F83]  }
0x39: {  	_ = 	snop;
	(pc) =	sbr.ind lr, $3  }
0x3a: {  	_ = 	snop  }
0x3b: {  	_ = 	snop  }
0x3c: {  	p2 =	seq.s32 s10, $0x1;
	s10 =	sld [smem:$0x3F82]  }
0x3d: {  	_ =	shalt  }
0x3e: {  	_ =	shalt  }
0x3f: {  	_ =	shalt  }
0x40: {  	_ =	shalt  }
0x41: {  	_ =	shalt  }
0x42: {  	_ =	shalt  }
0x43: {  	_ =	shalt  }
0x44: {  	_ =	shalt  }
0x45: {  	_ =	shalt  }
0x46: {  	_ =	shalt  }
0x47: {  	_ =	shalt  }
0x48: {  	_ =	shalt  }
0x49: {  	_ =	shalt  }
0x4a: {  	_ =	shalt  }
0x4b: {  	_ =	shalt  }
0x4c: {  	_ =	shalt  }
0x4d: {  	_ =	shalt  }
0x4e: {  	_ =	shalt  }
0x4f: {  	_ =	shalt  }
0x50: {  	_ =	shalt  }
0x51: {  	_ =	shalt  }
0x52: {  	_ =	shalt  }
0x53: {  	_ =	shalt  }
0x54: {  	_ =	shalt  }
0x55: {  	_ =	shalt  }
0x56: {  	_ =	shalt  }
0x57: {  	_ =	shalt  }
0x58: {  	_ =	shalt  }
0x59: {  	_ =	shalt  }
0x5a: {  	_ =	shalt  }
0x5b: {  	_ =	shalt  }
0x5c: {  	_ =	shalt  }
0x5d: {  	_ =	shalt  }
0x5e: {  	_ =	shalt  }
0x5f: {  	_ =	shalt  }
0x60: {  	_ =	shalt  }
0x61: {  	_ =	shalt  }
0x62: {  	_ =	shalt  }
0x63: {  	_ =	shalt  }
0x64: {  	_ =	shalt  }
0x65: {  	_ =	shalt  }
0x66: {  	_ =	shalt  }
0x67: {  	_ =	shalt  }
0x68: {  	_ =	shalt  }
0x69: {  	_ =	shalt  }
0x6a: {  	_ =	shalt  }
0x6b: {  	_ =	shalt  }
0x6c: {  	_ =	shalt  }
0x6d: {  	_ =	shalt  }
0x6e: {  	_ =	shalt  }
0x6f: {  	_ =	shalt  }
0x70: {  	_ =	shalt  }
0x71: {  	_ =	shalt  }
0x72: {  	_ =	shalt  }
0x73: {  	_ =	shalt  }
0x74: {  	_ =	shalt  }
0x75: {  	_ =	shalt  }
0x76: {  	_ =	shalt  }
0x77: {  	_ =	shalt  }
0x78: {  	_ =	shalt  }
0x79: {  	_ =	shalt  }
0x7a: {  	_ =	shalt  }
0x7b: {  	_ =	shalt  }
0x7c: {  	_ =	shalt  }
0x7d: {  	_ =	shalt  }
0x7e: {  	_ =	shalt  }
0x7f: {  	_ =	shalt  }
0x80: {  	_ =	shalt  }
0x81: {  	_ =	shalt  }
0x82: {  	_ =	shalt  }
0x83: {  	_ =	shalt  }
0x84: {  	_ =	shalt  }
0x85: {  	_ =	shalt  }
0x86: {  	_ =	shalt  }
0x87: {  	_ =	shalt  }
.Lfunc_end0:
.L_simem_size_0:
called_computation_lowered:
.L_overlay_start_0:
0x88: {  	s2 =	sld [smem:$0x3FD9]  }
0x89: {  	s3 =	sld [smem:$0x3FFE];
	_ =	sdelay $0x1  }
0x8a: {  	s1 =	srdreg.scid  }
0x8b: {  	s0 =	sand.u32 $0x1, s1  }
0x8c: {  	s15 =	sshll.u32 s0, $0xA;
	s2 =	sadd.s32 s3, s2  }
0x8d: {  	s2 =	sadd.s32 s2, s15  }
0x8e: {  	[smem:$0x3F8E] =	sst s2  }
0x8f: {  	_ = 	snop  }
0x90: {  	s2 =	sld [smem:$0x3FD0];
	_ =	sdelay $0x2  }
0x91: {  	s16 =	simm.s32 $0xB;
	s4 =	simm.s32 $0x10  }
0x92: {  	[smem:s4], [sflag:s16] =	dma.local [hbm:s2], $0x1  }
0x93: {  	_ =	swait.eq [sflag:s16], $0x1  }
0x94: {  	[sflag:s16] =	ssyncset.done $0x0  }
0x95: {  	[sflag:s16] =	ssyncadd.s32 $0xFFFFFFFF  }
0x96: {  	s17 =	sld [smem:$0x10];
	(tm) =	ssettm $0x1  }
0x97: {  	s18 =	sld [smem:$0x3FFB];
	_ =	sdelay $0x3  }
0x98: {  	_ =	strace s18  }
0x99: {  	s2 =	sld [smem:$0x3FFC];
	_ =	sdelay $0x3  }
0x9a: {  	_ =	strace s2  }
0x9b: {  	s2 =	sld [smem:$0x3FFD];
	_ =	sdelay $0x3  }
0x9c: {  	_ =	strace s2  }
0x9d: {  	_ =	strace $0x8FFFFFFF  }
0x9e: {  	s19 =	sld [smem:$0x3FDB];
	_ =	sdelay $0x1  }
0x9f: {  	s20 =	simm.s32 $_scs_section_size  }
0xa0: {  	s5 =	simm.s32 $_size__tile_overlayer_lowered;
	s6 =	simm.s32 $_tile_overlayer_lowered  }
0xa1: {  	s7 =	simm.s32 $0x1BFF;
	s21 =	sshll.u32 s6, $0x1;
	s4 =	sadd.s32 s20, s19  }
0xa2: {  	s22 =	simm.s32 $0x0;
	s5 =	sshll.u32 s5, $0x1;
	s6 =	sadd.s32 s21, s4  }
0xa3: {  	[timem:s22], [sflag:s7] =	dma.local [hbm:s6], s5  }
0xa4: {  	_ =	swait.ge [sflag:s7], s5  }
0xa5: {  	s5 =	ssub.s32 $0x0, s5;
	[sflag:s7] =	ssyncset.done $0x0  }
0xa6: {  	[sflag:s7] =	ssyncadd.s32 s5;
	_ =	sdelay $0x1  }
0xa7: {  	s23 =	simm.s32 $0x1B8B  }
0xa8: {  	_ =	swait.ge [sflag:s23], $0x1  }
0xa9: {  	[sflag:s23] =	ssyncset.done $0x0  }
0xaa: {  	[sflag:s23] =	ssyncadd.s32 $0xFFFFFFFF  }
0xab: {  	s5 =	sld [smem:$0x0]  }
0xac: {  	s6 =	sand.u32 $0xFFFFFFFE, s1  }
0xad: {  	p0 =	sne.s32 s1, s6  }
0xae: {  	s6 =	sshll.u32 @p0 s6, $0xE  }
0xaf: {  	s6 =	sadd.s32 @p0 $0x11B8D, s6;
	s7 =	sshll.u32 @p0 s5, $0x11  }
0xb0: {  	s6 =	sor.u32 @p0 s7, s6  }
0xb1: {  	[sflag:s6] =	ssyncadd.remote.s32 @p0 $0x1;
	_ =	sdelay $0x1  }
0xb2: {  	s6 =	simm.s32 @p0 $0x1B8D  }
0xb3: {  	_ =	swait.eq @p0 [sflag:s6], $0x1  }
0xb4: {  	[sflag:s6] =	ssyncadd.s32 @p0 $0xFFFFFFFF  }
0xb5: {  	s7 =	sshll.u32 @!p0 s1, $0xE  }
0xb6: {  	s7 =	sor.u32 @!p0 $0x4000, s7;
	s6 =	simm.s32 @!p0 $0x1B8D  }
0xb7: {  	s5 =	sshll.u32 @!p0 s5, $0x11;
	s7 =	sadd.s32 @!p0 $0x11B8D, s7;
	_ =	swait.eq @!p0 [sflag:s6], $0x1  }
0xb8: {  	s5 =	sor.u32 @!p0 s5, s7;
	[sflag:s6] =	ssyncadd.s32 @!p0 $0xFFFFFFFF  }
0xb9: {  	s25 =	simm.s32 $0x1B8E;
	s24 =	sld [smem:$0x3FFE];
	[sflag:s5] =	ssyncadd.remote.s32 @!p0 $0x1  }
0xba: {  	s26 =	simm.s32 $execute0_lowered;
	[smem:$0x3FD2] =	sst s25  }
0xbb: {  	s6 =	sshll.u32 s26, $0x1;
	_ =	strace $0x80000049;
	[dreg:$0x1] =	wrdreg $0xFFFFFFFF  }
0xbc: {  	s28 =	simm.s32 $_size_execute0_lowered;
	s4 =	sadd.s32 s4, s6;
	[dreg:$0x0] =	wrdreg $0x0  }
0xbd: {  	s6 =	sshll.u32 s28, $0x1;
	[dreg:$0x2] =	wrdreg s4  }
0xbe: {  	[dreg:$0x3] =	wrdreg s6  }
0xbf: {  	[dreg:$0x4] =	wrdreg $0xC0  }
0xc0: {  	_ =	task [dreg:s22], $0x5FFFF  }
0xc1: {  	[dreg:$0x1] =	wrdreg $0xFFFFFFFF  }
0xc2: {  	[dreg:$0x0] =	wrdreg $0x60  }
0xc3: {  	[dreg:$0x2] =	wrdreg s17  }
0xc4: {  	[dreg:$0x3] =	wrdreg s24  }
0xc5: {  	[dreg:$0x4] =	wrdreg $0x9  }
0xc6: {  	_ =	task.clear_ibuf [dreg:s22], $0x5FFFF;
	_ =	strace $0x90000049  }
0xc7: {  	s29 =	simm.s32 $0x9;
	_ =	strace $0x8000004B  }
0xc8: {  	_ =	swait.ge [sflag:s29], $0x1  }
0xc9: {  	[sflag:s29] =	ssyncadd.s32 $0xFFFFFFFF  }
0xca: {  	_ =	strace $0x9000004B  }
0xcb: {  	_ =	sfence  }
0xcc: {  	s30 =	sld [smem:$0x0];
	_ =	sdelay $0x2  }
0xcd: {  	s31 =	sshll.u32 s1, $0xD;
	s1 =	sshrl.u32 s1, $0x2  }
0xce: {  	s4 =	sand.u32 $0x4000, s31;
	s1 =	sadd.s32 s1, s30  }
0xcf: {  	s0 =	sor.u32 s4, s0;
	s1 =	sshll.u32 s1, $0x11  }
0xd0: {  	s0 =	sor.u32 s1, s0  }
0xd1: {  	s0 =	sadd.s32 $0x8F2B, s0  }
0xd2: {  	[sflag:s0] =	ssyncadd.remote.s32 $0x1  }
0xd3: {  	_ =	sfence.sel $0xFFFF  }
0xd4: {  	[dreg:$0x0] =	wrdreg $0xFFFFFFFF;
	(pc) =	sbr.abs _section_cstart, $3  }
0xd5: {  	[dreg:$0x1] =	wrdreg $0xFFFFFFFF  }
0xd6: {  	_ =	task.clear_ibuf [dreg:s22], $0x2FFFF;
	_ =	strace $0x9FFFFFFF  }
0xd7: {  	(tm) =	ssettm $0x7FFFFFFF  }
tec
execute0_lowered:
.L_overlay_start_1:
0x0: {  	(tag) =	ssettag $0x1  }
0x1: {  	s2 =	rddreg [dreg:$0x0];
	s1 =	srdreg.scid  }
0x2: {  	s0 =	stileid.u32;
	s4 =	rddreg [dreg:$0x1];
	s3 =	simm.s32 $0x0  }
0x3: {  	s13 =	simm.s32 $0x8CA0;
	s14 =	simm.s32 $0x1;
	s10 =	smul.u32 $0x9C40, s0  }
0x4: {  	s15 =	simm.s32 $0x2;
	s7 =	sand.u32 $0x1, s1;
	s30 =	smul.u32 $0x13880, s0  }
0x5: {  	s16 =	simm.s32 $0x0;
	s5 =	sshll.u32 s0, $0x1;
	s29 =	smul.u32 $0x4E20, s7  }
0x6: {  	s1 =	rddreg [dreg:$0x2];
	s5 =	sor.u32 s7, s5;
	s12 =	smul.u32 $0x9C40, s7  }
0x7: {  	[smem:$0x7FF] =	sst s3;
	s11 =	sadd.s32 $0x50C400, s4;
	s6 =	smul.u32 $0x4E20, s5  }
0x8: {  	_ =	strace $0x8000004A;
	s8 =	ssub.s32 $0x2, s7;
	s9 =	smul.u32 $0x9C40, s5  }
0x9: {  	s28 =	sshrl.u32 s8, $0x1;
	s31 =	sadd.s32 s30, s11;
	s26 =	sshrl.u32 s6, $0x3  }
0xa: {  	s6 =	ssub.s32 s8, s28;
	s9 =	sadd.s32 s11, s9;
	s8 =	sadd.s32 s29, s10  }
0xb: {  	s10 =	simm.s32 $0x3;
	s5 =	sadd.s32 s26, s4;
	s8 =	sshll.u32 s8, $0x1  }
0xc: {  	s7 =	sadd.s32 $0x9470, s9;
	s4 =	sadd.s32 $0x162C00, s5;
	s5 =	smax.u32 s6, $0x1  }
0xd: {  	s6 =	sadd.s32 $0x8CA0, s9;
	s8 =	sadd.s32 s11, s8;
	s9 =	sadd.s32 s12, s31  }
0xe: {  	s11 =	simm.s32 $0x3E8;
	s12 =	simm.s32 $0x4E20;
	s8 =	sadd.s32 $0x7D0, s8  }
.LBB2_1:
0xf: {  	[tilespmem:s3], [sflag:$0x3] =	stream.linear.gather [hbm4b:s4+s3], $0x4E20, $0x38;
	[tilespmem:$0xCB20] =	vst v63  }
0x10: {  	_ =	swait.ge [sflag:s10], $0x4E20  }
0x11: {  	[sflag:s10] =	ssyncset.done $0x0  }
0x12: {  	[sflag:s10] =	ssyncadd.s32 $0xFFFFB1E0  }
0x13: {  	[tilespmem:s12], [sflag:$0x1] =	stream.indirect.gather [hbm4b:s2+s11], $0x10, s3, s11, $0xb8;
	[tilespmem:$0xCB20] =	vst v63  }
0x14: {  	_ = 	snop  }
0x15: {  	[tilespmem:s13], [sflag:$0x2] =	stream.indirect.gather [hbm4b:s2+s11], $0x10, s11, s11, $0xb8;
	[tilespmem:$0xCB20] =	vst v63  }
0x16: {  	_ =	swait.ge [sflag:s14], $0x3E80  }
0x17: {  	[sflag:s14] =	ssyncset.done $0x0  }
0x18: {  	s17 =	sadd.s32 $0x0, s9;
	[sflag:s14] =	ssyncadd.s32 $0xFFFFC180  }
0x19: {  	[hbm4b:s17+s3] =	stream.linear.scatter [tilespmem:s12], [sflag:$0x3], $0x3E80, $0x38;
	[tilespmem:$0xCB20] =	vst v63  }
0x1a: {  	_ =	swait.ge [sflag:s10], $0x3E80  }
0x1b: {  	[sflag:s10] =	ssyncset.done $0x0  }
0x1c: {  	s30 =	simm.s32 $0x7D0;
	[sflag:s10] =	ssyncadd.s32 $0xFFFFC180  }
0x1d: {  	[tilespmem:s12], [sflag:$0x1] =	stream.indirect.gather [hbm4b:s2+s11], $0x10, s30, s11, $0xb8;
	[tilespmem:$0xCB20] =	vst v63  }
0x1e: {  	_ =	swait.ge [sflag:s15], $0x3E80  }
0x1f: {  	[sflag:s15] =	ssyncset.done $0x0  }
0x20: {  	s31 =	sadd.s32 $0x0, s8;
	[sflag:s15] =	ssyncadd.s32 $0xFFFFC180  }
0x21: {  	[hbm4b:s31+s3] =	stream.linear.scatter [tilespmem:s13], [sflag:$0x3], $0x3E80, $0x38;
	[tilespmem:$0xCB20] =	vst v63  }
0x22: {  	_ =	swait.ge [sflag:s10], $0x3E80  }
0x23: {  	s18 =	simm.s32 $0xFA0;
	[sflag:s10] =	ssyncset.done $0x0  }
0x24: {  	s19 =	simm.s32 $0x1388;
	s17 =	simm.s32 $0xBB8;
	[sflag:s10] =	ssyncadd.s32 $0xFFFFC180  }
.LBB2_2:
0x25: {  	[tilespmem:s13], [sflag:$0x2] =	stream.indirect.gather [hbm4b:s2+s11], $0x10, s17, s11, $0xb8;
	[tilespmem:$0xCB20] =	vst v63  }
0x26: {  	s20 =	smov.u32 s18;
	s17 =	smov.u32 s19  }
0x27: {  	p0 =	sne.s32 s18, $0x7D00;
	s18 =	sadd.s32 $0xFA0, s18;
	_ =	swait.ge [sflag:s14], $0x3E80  }
0x28: {  	[sflag:s14] =	ssyncset.done $0x0  }
0x29: {  	s21 =	sadd.s32 s20, s9;
	[sflag:s14] =	ssyncadd.s32 $0xFFFFC180  }
0x2a: {  	[hbm4b:s21+s3] =	stream.linear.scatter [tilespmem:s12], [sflag:$0x3], $0x3E80, $0x38;
	[tilespmem:$0xCB20] =	vst v63  }
0x2b: {  	_ =	swait.ge [sflag:s10], $0x3E80  }
0x2c: {  	[sflag:s10] =	ssyncset.done $0x0  }
0x2d: {  	s21 =	sadd.s32 $0xFFFFFC18, s19;
	[sflag:s10] =	ssyncadd.s32 $0xFFFFC180  }
0x2e: {  	[tilespmem:s12], [sflag:$0x1] =	stream.indirect.gather [hbm4b:s2+s11], $0x10, s21, s11, $0xb8;
	[tilespmem:$0xCB20] =	vst v63  }
0x2f: {  	_ =	swait.ge [sflag:s15], $0x3E80  }
0x30: {  	[sflag:s15] =	ssyncset.done $0x0  }
.Ltmp0:
0x31: {  	s20 =	sadd.s32 s20, s8;
	[sflag:s15] =	ssyncadd.s32 $0xFFFFC180;
	(pc) =	sbr.rel @p0 .LBB2_2-.Ltmp0, $4  }
0x32: {  	[hbm4b:s20+s3] =	stream.linear.scatter [tilespmem:s13], [sflag:$0x3], $0x3E80, $0x38;
	[tilespmem:$0xCB20] =	vst v63  }
0x33: {  	_ =	swait.ge [sflag:s10], $0x3E80  }
0x34: {  	[sflag:s10] =	ssyncset.done $0x0  }
0x35: {  	s19 =	sadd.s32 $0x7D0, s19;
	[sflag:s10] =	ssyncadd.s32 $0xFFFFC180  }
0x36: {  	[tilespmem:s13], [sflag:$0x2] =	stream.indirect.gather [hbm4b:s2+s11], $0x10, s17, s11, $0xb8;
	[tilespmem:$0xCB20] =	vst v63  }
0x37: {  	_ =	swait.ge [sflag:s14], $0x3E80  }
0x38: {  	[sflag:s14] =	ssyncset.done $0x0  }
0x39: {  	[sflag:s14] =	ssyncadd.s32 $0xFFFFC180  }
0x3a: {  	[hbm4b:s6+s3] =	stream.linear.scatter [tilespmem:s12], [sflag:$0x3], $0x3E80, $0x38;
	[tilespmem:$0xCB20] =	vst v63  }
0x3b: {  	_ =	swait.ge [sflag:s10], $0x3E80  }
0x3c: {  	[sflag:s10] =	ssyncset.done $0x0  }
0x3d: {  	[sflag:s10] =	ssyncadd.s32 $0xFFFFC180  }
0x3e: {  	s16 =	sadd.s32 $0x1, s16;
	_ =	swait.ge [sflag:s15], $0x3E80  }
0x3f: {  	p0 =	sne.s32 s16, s5;
	[sflag:s15] =	ssyncset.done $0x0  }
.Ltmp1:
0x40: {  	[sflag:s15] =	ssyncadd.s32 $0xFFFFC180;
	(pc) =	sbr.rel @p0 .LBB2_1-.Ltmp1, $4  }
0x41: {  	[hbm4b:s7+s3] =	stream.linear.scatter [tilespmem:s13], [sflag:$0x3], $0x3E80, $0x38;
	[tilespmem:$0xCB20] =	vst v63  }
0x42: {  	_ =	swait.ge [sflag:s10], $0x3E80  }
0x43: {  	[sflag:s10] =	ssyncset.done $0x0  }
0x44: {  	[sflag:s10] =	ssyncadd.s32 $0xFFFFC180  }
0x45: {  	_ =	sfence.sel $0x180000  }
0x46: {  	[bflag:$0x0] =	sbarrier.arrive $0xFFFF  }
0x47: {  	p0 =	sne.s32 s0, $0x0;
	_ =	strace $0x9000004A  }
0x48: {  	s0 =	sadd.s32 @!p0 $0x100000, s1;
	[bflag:$0x2] =	sbarrier.arrive $0xFFFF  }
0x49: {  	[sflag:s0] =	ssyncadd.tile.s32 @!p0 $0x1;
	_ =	shalt  }
.Lfunc_end2:
_tile_overlayer_lowered:
.L_overlay_start_2:
0x4a: {  	(tag) =	ssettag $0x2  }
0x4b: {  	s0 =	rddreg [dreg:$0x0];
	s2 =	stileid.u32  }
0x4c: {  	s1 =	rddreg [dreg:$0x1];
	p0 =	sne.s32 s2, $0x0  }
0x4d: {  	s3 =	rddreg [dreg:$0x2];
	[bflag:$0x3] =	sbarrier.arrive $0xFFFF;
	s2 =	simm.s32 @!p0 $0x1C03  }
0x4e: {  	[timem:s3], [sflag:s2] =	dma.local @!p0 [hbm:s0], s1  }
0x4f: {  	s0 =	simm.s32 @!p0 $0x3  }
0x50: {  	_ =	swait.ge @!p0 [sflag:s0], s1  }
0x51: {  	s1 =	ssub.s32 @!p0 $0x0, s1;
	[sflag:s0] =	ssyncset.done @!p0 $0x0  }
0x52: {  	[sflag:s0] =	ssyncadd.s32 @!p0 s1  }
0x53: {  	[bflag:$0x3] =	sbarrier.arrive $0xFFFF  }
0x54: {  	_ =	shalt  }

// kernel: kernel.13.cloned.1.call-start
scs
__scs_entry_jumppad:
0x0: {  	(pc) =	sbr.rel $0x88, $3  }
0x1: {  	(tag) =	ssettag $0x0;
	lr =	simm.s32 $0x1  }
0x2: {  	[smem:$0x3F67] =	sst lr;
	_ =	strace $0xD0000000  }
0x3: {  	_ = 	snop  }
0x4: {  	_ = 	snop  }
0x5: {  	_ = 	snop  }
0x6: {  	_ = 	snop  }
0x7: {  	_ = 	snop  }
__scs_overlays_trampoline_lowered:
0x8: {  	[smem:$0x3F76] =	sst s0  }
0x9: {  	[smem:$0x3F77] =	sst s1  }
0xa: {  	[smem:$0x3F78] =	sst s2  }
0xb: {  	[smem:$0x3F79] =	sst s3  }
0xc: {  	[smem:$0x3F7A] =	sst s4  }
0xd: {  	[smem:$0x3F7B] =	sst s5  }
0xe: {  	[smem:$0x3F7C] =	sst s6  }
0xf: {  	[smem:$0x3F7D] =	sst s7  }
0x10: {  	[smem:$0x3F7E] =	sst s8  }
0x11: {  	[smem:$0x3F7F] =	sst s9;
	s0 =	simm.s32 @!p0 $0x0  }
0x12: {  	s1 =	sld [smem:$0x3F65];
	s0 =	simm.s32 @p0 $0x1  }
0x13: {  	[smem:$0x3F80] =	sst s0;
	s0 =	simm.s32 @!p1 $0x0  }
0x14: {  	s2 =	sld [smem:$0x3F64];
	s0 =	simm.s32 @p1 $0x1  }
0x15: {  	[smem:$0x3F81] =	sst s0;
	s0 =	simm.s32 @!p2 $0x0  }
0x16: {  	s3 =	sld [smem:$0x3FDB];
	s0 =	simm.s32 @p2 $0x1  }
0x17: {  	s4 =	simm.s32 $0x1BF5;
	[smem:$0x3F83] =	sst s0  }
0x18: {  	s0 =	sld [smem:$0x3F66];
	_ =	swait.ge [sflag:s4], $0x0  }
0x19: {  	s7 =	sld [smem:$0x3F67]  }
0x1a: {  	s8 =	sadd.s32 $0xFFFFE003, lr  }
0x1b: {  	s9 =	sadd.s32 $0xFFFFFEF7, lr;
	s5 =	simm.s32 $0xFFFFFFFF;
	p2 =	slt.u32 s8, $0xFFFFF086  }
0x1c: {  	p1 =	slt.u32 s9, $0xF7A;
	s5 =	simm.s32 @!p2 $0x0  }
0x1d: {  	s5 =	simm.s32 @p1 $0x1;
	p0 =	seq.s32 s7, s2  }
0x1e: {  	s7 =	smul.u32 @!p0 $0xF7A, s2;
	p2 =	seq.s32 @!p0 s5, $0x0  }
0x1f: {  	s9 =	smul.u32 $0xF7A, s1;
	s8 =	simm.s32 @!p0 $0x1BF5;
	p2 =	por !p2, p0  }
0x20: {  	[sflag:s8] =	ssyncset.s32 @!p0 $0xFFFFF086;
	s6 =	sadd.s32 @!p0 s3, s7;
	s7 =	simm.s32 @!p0 $0x108  }
0x21: {  	s3 =	sadd.s32 s3, s9;
	s6 =	sadd.s32 @!p0 $0x88, s6;
	s7 =	simm.s32 @p2 $0x1082  }
0x22: {  	[simem:s7], [sflag:s8] =	dma.local @!p0 [hbm:s6], $0xF7A  }
0x23: {  	s9 =	sor.u32 $0xD0000000, s2;
	s6 =	simm.s32 $0x108;
	_ =	swait.ge @!p0 [sflag:s8], $0x0  }
0x24: {  	s3 =	sadd.s32 $0x88, s3;
	s6 =	simm.s32 @!p1 $0x1082;
	[sflag:s4] =	ssyncset.s32 $0xFFFFF086  }
0x25: {  	[simem:s6], [sflag:s4] =	dma.local [hbm:s3], $0xF7A  }
0x26: {  	[smem:$0x3F67] =	sst s1;
	(tag) =	ssettag s2;
	_ =	strace s9  }
0x27: {  	s1 =	sld [smem:$0x3F77]  }
0x28: {  	s2 =	sld [smem:$0x3F78]  }
0x29: {  	s4 =	sld [smem:$0x3F7A]  }
0x2a: {  	p0 =	seq.s32 s5, $0x0;
	s5 =	sld [smem:$0x3F7B]  }
0x2b: {  	s6 =	sld [smem:$0x3F7C]  }
0x2c: {  	s7 =	sld [smem:$0x3F7D]  }
0x2d: {  	s3 =	simm.s32 $0x108;
	s8 =	sld [smem:$0x3F7E]  }
0x2e: {  	s3 =	simm.s32 @!p0 $0x1082;
	s9 =	sld [smem:$0x3F7F]  }
0x2f: {  	lr =	sadd.s32 s0, s3;
	s0 =	sld [smem:$0x3F76]  }
0x30: {  	s3 =	sld [smem:$0x3F79]  }
0x31: {  	[smem:$0x3F82] =	sst s10  }
0x32: {  	s10 =	sld [smem:$0x3F80];
	_ =	sdelay $0x3  }
0x33: {  	p0 =	seq.s32 s10, $0x1;
	s10 =	sld [smem:$0x3F82];
	_ =	sdelay $0x3  }
0x34: {  	[smem:$0x3F82] =	sst s10  }
0x35: {  	s10 =	sld [smem:$0x3F81];
	_ =	sdelay $0x3  }
0x36: {  	p1 =	seq.s32 s10, $0x1;
	s10 =	sld [smem:$0x3F82];
	_ =	sdelay $0x3  }
0x37: {  	[smem:$0x3F82] =	sst s10  }
0x38: {  	s10 =	sld [smem:$0x3F83]  }
0x39: {  	_ = 	snop;
	(pc) =	sbr.ind lr, $3  }
0x3a: {  	_ = 	snop  }
0x3b: {  	_ = 	snop  }
0x3c: {  	p2 =	seq.s32 s10, $0x1;
	s10 =	sld [smem:$0x3F82]  }
0x3d: {  	_ =	shalt  }
0x3e: {  	_ =	shalt  }
0x3f: {  	_ =	shalt  }
0x40: {  	_ =	shalt  }
0x41: {  	_ =	shalt  }
0x42: {  	_ =	shalt  }
0x43: {  	_ =	shalt  }
0x44: {  	_ =	shalt  }
0x45: {  	_ =	shalt  }
0x46: {  	_ =	shalt  }
0x47: {  	_ =	shalt  }
0x48: {  	_ =	shalt  }
0x49: {  	_ =	shalt  }
0x4a: {  	_ =	shalt  }
0x4b: {  	_ =	shalt  }
0x4c: {  	_ =	shalt  }
0x4d: {  	_ =	shalt  }
0x4e: {  	_ =	shalt  }
0x4f: {  	_ =	shalt  }
0x50: {  	_ =	shalt  }
0x51: {  	_ =	shalt  }
0x52: {  	_ =	shalt  }
0x53: {  	_ =	shalt  }
0x54: {  	_ =	shalt  }
0x55: {  	_ =	shalt  }
0x56: {  	_ =	shalt  }
0x57: {  	_ =	shalt  }
0x58: {  	_ =	shalt  }
0x59: {  	_ =	shalt  }
0x5a: {  	_ =	shalt  }
0x5b: {  	_ =	shalt  }
0x5c: {  	_ =	shalt  }
0x5d: {  	_ =	shalt  }
0x5e: {  	_ =	shalt  }
0x5f: {  	_ =	shalt  }
0x60: {  	_ =	shalt  }
0x61: {  	_ =	shalt  }
0x62: {  	_ =	shalt  }
0x63: {  	_ =	shalt  }
0x64: {  	_ =	shalt  }
0x65: {  	_ =	shalt  }
0x66: {  	_ =	shalt  }
0x67: {  	_ =	shalt  }
0x68: {  	_ =	shalt  }
0x69: {  	_ =	shalt  }
0x6a: {  	_ =	shalt  }
0x6b: {  	_ =	shalt  }
0x6c: {  	_ =	shalt  }
0x6d: {  	_ =	shalt  }
0x6e: {  	_ =	shalt  }
0x6f: {  	_ =	shalt  }
0x70: {  	_ =	shalt  }
0x71: {  	_ =	shalt  }
0x72: {  	_ =	shalt  }
0x73: {  	_ =	shalt  }
0x74: {  	_ =	shalt  }
0x75: {  	_ =	shalt  }
0x76: {  	_ =	shalt  }
0x77: {  	_ =	shalt  }
0x78: {  	_ =	shalt  }
0x79: {  	_ =	shalt  }
0x7a: {  	_ =	shalt  }
0x7b: {  	_ =	shalt  }
0x7c: {  	_ =	shalt  }
0x7d: {  	_ =	shalt  }
0x7e: {  	_ =	shalt  }
0x7f: {  	_ =	shalt  }
0x80: {  	_ =	shalt  }
0x81: {  	_ =	shalt  }
0x82: {  	_ =	shalt  }
0x83: {  	_ =	shalt  }
0x84: {  	_ =	shalt  }
0x85: {  	_ =	shalt  }
0x86: {  	_ =	shalt  }
0x87: {  	_ =	shalt  }
.Lfunc_end0:
.L_simem_size_0:
called_computation.1_lowered:
.L_overlay_start_0:
0x88: {  	s2 =	sld [smem:$0x3FD9]  }
0x89: {  	s3 =	sld [smem:$0x3FFE];
	_ =	sdelay $0x1  }
0x8a: {  	s1 =	srdreg.scid  }
0x8b: {  	s0 =	sand.u32 $0x1, s1  }
0x8c: {  	s14 =	sshll.u32 s0, $0xA;
	s2 =	sadd.s32 s3, s2  }
0x8d: {  	s2 =	sadd.s32 s2, s14  }
0x8e: {  	[smem:$0x3F8E] =	sst s2  }
0x8f: {  	_ = 	snop  }
0x90: {  	s2 =	sld [smem:$0x3FD0];
	_ =	sdelay $0x2  }
0x91: {  	s15 =	simm.s32 $0xB;
	s4 =	simm.s32 $0x10  }
0x92: {  	[smem:s4], [sflag:s15] =	dma.local [hbm:s2], $0x1  }
0x93: {  	_ =	swait.eq [sflag:s15], $0x1  }
0x94: {  	[sflag:s15] =	ssyncset.done $0x0  }
0x95: {  	[sflag:s15] =	ssyncadd.s32 $0xFFFFFFFF  }
0x96: {  	s16 =	sld [smem:$0x11];
	(tm) =	ssettm $0x1  }
0x97: {  	s17 =	sld [smem:$0x3FFB];
	_ =	sdelay $0x3  }
0x98: {  	_ =	strace s17  }
0x99: {  	s3 =	sld [smem:$0x3FFC];
	_ =	sdelay $0x3  }
0x9a: {  	_ =	strace s3  }
0x9b: {  	s3 =	sld [smem:$0x3FFD];
	_ =	sdelay $0x3  }
0x9c: {  	_ =	strace s3  }
0x9d: {  	_ =	strace $0x8FFFFFFF  }
0x9e: {  	s18 =	sld [smem:$0x3FDB];
	_ =	sdelay $0x1  }
0x9f: {  	s19 =	simm.s32 $_scs_section_size  }
0xa0: {  	s5 =	simm.s32 $_size__tile_overlayer_lowered;
	s6 =	simm.s32 $_tile_overlayer_lowered  }
0xa1: {  	s22 =	simm.s32 $0x1BFF;
	s21 =	sshll.u32 s6, $0x1;
	s3 =	sadd.s32 s19, s18  }
0xa2: {  	s7 =	simm.s32 $0x0;
	s20 =	sshll.u32 s5, $0x1;
	s5 =	sadd.s32 s21, s3  }
0xa3: {  	[timem:s7], [sflag:s22] =	dma.local [hbm:s5], s20  }
0xa4: {  	_ =	swait.ge [sflag:s22], s20  }
0xa5: {  	s4 =	ssub.s32 $0x0, s20;
	[sflag:s22] =	ssyncset.done $0x0  }
0xa6: {  	[sflag:s22] =	ssyncadd.s32 s4;
	_ =	sdelay $0x1  }
0xa7: {  	s23 =	simm.s32 $0x1B8B  }
0xa8: {  	_ =	swait.ge [sflag:s23], $0x1  }
0xa9: {  	[sflag:s23] =	ssyncset.done $0x0  }
0xaa: {  	s25 =	simm.s32 $0x1B8E;
	s24 =	sld [smem:$0x3FFE];
	[sflag:s23] =	ssyncadd.s32 $0xFFFFFFFF  }
0xab: {  	s26 =	simm.s32 $execute0_lowered;
	[smem:$0x3FD2] =	sst s25  }
0xac: {  	s5 =	sshll.u32 s26, $0x1;
	_ =	strace $0x80000046;
	[dreg:$0x1] =	wrdreg $0xFFFFFFFF  }
0xad: {  	s28 =	simm.s32 $_size_execute0_lowered;
	s3 =	sadd.s32 s3, s5;
	[dreg:$0x0] =	wrdreg $0x0  }
0xae: {  	s5 =	sshll.u32 s28, $0x1;
	[dreg:$0x2] =	wrdreg s3  }
0xaf: {  	[dreg:$0x3] =	wrdreg s5  }
0xb0: {  	[dreg:$0x4] =	wrdreg $0xC0  }
0xb1: {  	_ =	task [dreg:s7], $0x5FFFF  }
0xb2: {  	[dreg:$0x1] =	wrdreg $0xFFFFFFFF  }
0xb3: {  	[dreg:$0x0] =	wrdreg $0x60  }
0xb4: {  	[dreg:$0x2] =	wrdreg s16  }
0xb5: {  	[dreg:$0x3] =	wrdreg s24  }
0xb6: {  	[dreg:$0x4] =	wrdreg $0xA  }
0xb7: {  	_ =	task.clear_ibuf [dreg:s7], $0x5FFFF;
	_ =	strace $0x90000046  }
0xb8: {  	s29 =	simm.s32 $0xA;
	_ =	strace $0x80000048  }
0xb9: {  	_ =	swait.ge [sflag:s29], $0x1  }
0xba: {  	[sflag:s29] =	ssyncadd.s32 $0xFFFFFFFF  }
0xbb: {  	_ =	strace $0x90000048  }
0xbc: {  	_ =	sfence  }
0xbd: {  	s30 =	sld [smem:$0x0];
	_ =	sdelay $0x2  }
0xbe: {  	s31 =	sshll.u32 s1, $0xD;
	s1 =	sshrl.u32 s1, $0x2  }
0xbf: {  	s3 =	sand.u32 $0x4000, s31;
	s1 =	sadd.s32 s1, s30  }
0xc0: {  	s0 =	sor.u32 s3, s0;
	s1 =	sshll.u32 s1, $0x11  }
0xc1: {  	s0 =	sor.u32 s1, s0  }
0xc2: {  	s0 =	sadd.s32 $0x8F2B, s0  }
0xc3: {  	[sflag:s0] =	ssyncadd.remote.s32 $0x1  }
0xc4: {  	_ =	sfence.sel $0xFFFF  }
0xc5: {  	[dreg:$0x0] =	wrdreg $0xFFFFFFFF;
	(pc) =	sbr.abs _section_cstart, $3  }
0xc6: {  	[dreg:$0x1] =	wrdreg $0xFFFFFFFF  }
0xc7: {  	_ =	task.clear_ibuf [dreg:s7], $0x2FFFF;
	_ =	strace $0x9FFFFFFF  }
0xc8: {  	(tm) =	ssettm $0x7FFFFFFF  }
0xc9: {  	_ =	shalt  }
tec
execute0_lowered:
.L_overlay_start_1:
0x0: {  	(tag) =	ssettag $0x1  }
0x1: {  	s1 =	srdreg.scid  }
0x2: {  	s0 =	stileid.u32;
	s2 =	rddreg [dreg:$0x0]  }
0x3: {  	s4 =	rddreg [dreg:$0x1];
	s16 =	simm.s32 $0x4E20;
	s17 =	simm.s32 $0x3E8  }
0x4: {  	s18 =	simm.s32 $0x9C40;
	s19 =	simm.s32 $0x11940;
	s20 =	simm.s32 $0xDAC0  }
0x5: {  	s21 =	simm.s32 $0x5208;
	s22 =	simm.s32 $0x157C0;
	s23 =	simm.s32 $0x1  }
0x6: {  	s24 =	simm.s32 $0x3;
	s25 =	simm.s32 $0x2;
	s26 =	simm.s32 $0x4  }
0x7: {  	s28 =	simm.s32 $0x0;
	s1 =	sand.u32 $0x1, s1;
	s8 =	smul.u32 $0x9C40, s0  }
0x8: {  	s3 =	sshll.u32 s0, $0x1;
	s13 =	sadd.s32 $0x29B400, s4;
	s15 =	smul.u32 $0x13880, s0  }
0x9: {  	s14 =	sadd.s32 $0x3D3C00, s4;
	s5 =	sor.u32 s1, s3;
	s10 =	smul.u32 $0x4E20, s1  }
0xa: {  	s3 =	simm.s32 $0x0;
	s30 =	ssub.s32 $0x2, s1;
	s6 =	smul.u32 $0x4E20, s5  }
0xb: {  	[smem:$0x7FF] =	sst s3;
	s9 =	smul.u32 $0x9C40, s5;
	s7 =	sshrl.u32 s30, $0x1  }
0xc: {  	s1 =	smul.u32 $0x9C40, s1;
	_ =	strace $0x80000047;
	s7 =	ssub.s32 s30, s7  }
0xd: {  	s10 =	sadd.s32 s10, s8;
	s6 =	sshrl.u32 s6, $0x3;
	s11 =	sadd.s32 $0x8CA0, s9  }
0xe: {  	s31 =	sadd.s32 $0x9470, s9;
	s10 =	sshll.u32 s10, $0x1;
	s6 =	sadd.s32 s6, s4  }
0xf: {  	s8 =	sadd.s32 s14, s11;
	s9 =	sadd.s32 s13, s31;
	s12 =	sadd.s32 $0x7D0, s10  }
0x10: {  	s10 =	sadd.s32 s14, s31;
	s4 =	sadd.s32 $0x287A00, s6;
	s5 =	sadd.s32 $0x14F200, s6  }
0x11: {  	s6 =	smax.u32 s7, $0x1;
	s7 =	sadd.s32 s13, s11;
	s11 =	sadd.s32 s12, s13  }
0x12: {  	s12 =	sadd.s32 s12, s14;
	s14 =	sadd.s32 s15, s14;
	s15 =	sadd.s32 s15, s13  }
0x13: {  	s13 =	sadd.s32 s1, s14;
	s14 =	sadd.s32 s1, s15;
	s15 =	simm.s32 $0x5  }
.LBB2_1:
0x14: {  	[tilespmem:s3], [sflag:$0x5] =	stream.linear.gather [hbm4b:s4+s3], $0x4E20, $0x38;
	[tilespmem:$0x19640] =	vst v63  }
0x15: {  	_ =	swait.ge [sflag:s15], $0x4E20  }
0x16: {  	[sflag:s15] =	ssyncset.done $0x0  }
0x17: {  	[sflag:s15] =	ssyncadd.s32 $0xFFFFB1E0  }
0x18: {  	[tilespmem:s16], [sflag:$0x5] =	stream.linear.gather [hbm4b:s5+s3], $0x4E20, $0x38;
	[tilespmem:$0x19640] =	vst v63  }
0x19: {  	_ =	swait.ge [sflag:s15], $0x4E20  }
0x1a: {  	[sflag:s15] =	ssyncset.done $0x0  }
0x1b: {  	[sflag:s15] =	ssyncadd.s32 $0xFFFFB1E0  }
0x1c: {  	[tilespmem:s18], [sflag:$0x1] =	stream.indirect.gather [hbm4b:s2+s17], $0x10, s3, s17, $0xb8;
	[tilespmem:$0x19640] =	vst v63  }
0x1d: {  	_ = 	snop  }
0x1e: {  	[tilespmem:s19], [sflag:$0x3] =	stream.indirect.gather [hbm4b:s2+s17], $0x10, s16, s17, $0xb8;
	[tilespmem:$0x19640] =	vst v63  }
0x1f: {  	_ = 	snop  }
0x20: {  	[tilespmem:s20], [sflag:$0x2] =	stream.indirect.gather [hbm4b:s2+s17], $0x10, s17, s17, $0xb8;
	[tilespmem:$0x19640] =	vst v63  }
0x21: {  	_ = 	snop  }
0x22: {  	[tilespmem:s22], [sflag:$0x4] =	stream.indirect.gather [hbm4b:s2+s17], $0x10, s21, s17, $0xb8;
	[tilespmem:$0x19640] =	vst v63  }
0x23: {  	_ =	swait.ge [sflag:s23], $0x3E80  }
0x24: {  	[sflag:s23] =	ssyncset.done $0x0  }
0x25: {  	[sflag:s23] =	ssyncadd.s32 $0xFFFFC180  }
0x26: {  	_ =	swait.ge [sflag:s24], $0x3E80  }
0x27: {  	[sflag:s24] =	ssyncset.done $0x0  }
0x28: {  	s1 =	sadd.s32 $0x0, s14;
	[sflag:s24] =	ssyncadd.s32 $0xFFFFC180  }
0x29: {  	[hbm4b:s1+s3] =	stream.linear.scatter [tilespmem:s18], [sflag:$0x5], $0x3E80, $0x38;
	[tilespmem:$0x19640] =	vst v63  }
0x2a: {  	_ =	swait.ge [sflag:s15], $0x3E80  }
0x2b: {  	[sflag:s15] =	ssyncset.done $0x0  }
0x2c: {  	s0 =	sadd.s32 $0x0, s13;
	[sflag:s15] =	ssyncadd.s32 $0xFFFFC180  }
0x2d: {  	[hbm4b:s0+s3] =	stream.linear.scatter [tilespmem:s19], [sflag:$0x5], $0x3E80, $0x38;
	[tilespmem:$0x19640] =	vst v63  }
0x2e: {  	_ =	swait.ge [sflag:s15], $0x3E80  }
0x2f: {  	[sflag:s15] =	ssyncset.done $0x0  }
0x30: {  	s0 =	simm.s32 $0x7D0;
	[sflag:s15] =	ssyncadd.s32 $0xFFFFC180  }
0x31: {  	[tilespmem:s18], [sflag:$0x1] =	stream.indirect.gather [hbm4b:s2+s17], $0x10, s0, s17, $0xb8;
	[tilespmem:$0x19640] =	vst v63  }
0x32: {  	s0 =	simm.s32 $0x55F0  }
0x33: {  	[tilespmem:s19], [sflag:$0x3] =	stream.indirect.gather [hbm4b:s2+s17], $0x10, s0, s17, $0xb8;
	[tilespmem:$0x19640] =	vst v63  }
0x34: {  	_ =	swait.ge [sflag:s25], $0x3E80  }
0x35: {  	[sflag:s25] =	ssyncset.done $0x0  }
0x36: {  	[sflag:s25] =	ssyncadd.s32 $0xFFFFC180  }
0x37: {  	_ =	swait.ge [sflag:s26], $0x3E80  }
0x38: {  	[sflag:s26] =	ssyncset.done $0x0  }
0x39: {  	s0 =	sadd.s32 $0x0, s11;
	[sflag:s26] =	ssyncadd.s32 $0xFFFFC180  }
0x3a: {  	[hbm4b:s0+s3] =	stream.linear.scatter [tilespmem:s20], [sflag:$0x5], $0x3E80, $0x38;
	[tilespmem:$0x19640] =	vst v63  }
0x3b: {  	_ =	swait.ge [sflag:s15], $0x3E80  }
0x3c: {  	[sflag:s15] =	ssyncset.done $0x0  }
0x3d: {  	s0 =	sadd.s32 $0x0, s12;
	[sflag:s15] =	ssyncadd.s32 $0xFFFFC180  }
0x3e: {  	[hbm4b:s0+s3] =	stream.linear.scatter [tilespmem:s22], [sflag:$0x5], $0x3E80, $0x38;
	[tilespmem:$0x19640] =	vst v63  }
0x3f: {  	s29 =	simm.s32 $0xFA0;
	_ =	swait.ge [sflag:s15], $0x3E80  }
0x40: {  	s30 =	simm.s32 $0x5DC0;
	s31 =	simm.s32 $0xFA0;
	[sflag:s15] =	ssyncset.done $0x0  }
0x41: {  	s1 =	simm.s32 $0x59D8;
	s0 =	simm.s32 $0xBB8;
	[sflag:s15] =	ssyncadd.s32 $0xFFFFC180  }
0x42: {  	[tilespmem:s20], [sflag:$0x2] =	stream.indirect.gather [hbm4b:s2+s17], $0x10, s0, s17, $0xb8;
	[tilespmem:$0x19640] =	vst v63  }
.LBB2_2:
0x43: {  	[tilespmem:s22], [sflag:$0x4] =	stream.indirect.gather [hbm4b:s2+s17], $0x10, s1, s17, $0xb8;
	[tilespmem:$0x19640] =	vst v63  }
0x44: {  	s1 =	smov.u32 s29  }
0x45: {  	p0 =	sne.s32 s29, $0x7D00;
	s29 =	sadd.s32 $0xFA0, s29;
	_ =	swait.ge [sflag:s23], $0x3E80  }
0x46: {  	[sflag:s23] =	ssyncset.done $0x0  }
0x47: {  	[sflag:s23] =	ssyncadd.s32 $0xFFFFC180  }
0x48: {  	_ =	swait.ge [sflag:s24], $0x3E80  }
0x49: {  	[sflag:s24] =	ssyncset.done $0x0  }
0x4a: {  	s0 =	sadd.s32 s1, s14;
	[sflag:s24] =	ssyncadd.s32 $0xFFFFC180  }
0x4b: {  	[hbm4b:s0+s3] =	stream.linear.scatter [tilespmem:s18], [sflag:$0x5], $0x3E80, $0x38;
	[tilespmem:$0x19640] =	vst v63  }
0x4c: {  	_ =	swait.ge [sflag:s15], $0x3E80  }
0x4d: {  	[sflag:s15] =	ssyncset.done $0x0  }
0x4e: {  	s0 =	sadd.s32 s1, s13;
	[sflag:s15] =	ssyncadd.s32 $0xFFFFC180  }
0x4f: {  	[hbm4b:s0+s3] =	stream.linear.scatter [tilespmem:s19], [sflag:$0x5], $0x3E80, $0x38;
	[tilespmem:$0x19640] =	vst v63  }
0x50: {  	_ =	swait.ge [sflag:s15], $0x3E80  }
0x51: {  	[sflag:s15] =	ssyncset.done $0x0  }
0x52: {  	[sflag:s15] =	ssyncadd.s32 $0xFFFFC180  }
0x53: {  	[tilespmem:s18], [sflag:$0x1] =	stream.indirect.gather [hbm4b:s2+s17], $0x10, s31, s17, $0xb8;
	[tilespmem:$0x19640] =	vst v63  }
0x54: {  	_ = 	snop  }
0x55: {  	[tilespmem:s19], [sflag:$0x3] =	stream.indirect.gather [hbm4b:s2+s17], $0x10, s30, s17, $0xb8;
	[tilespmem:$0x19640] =	vst v63  }
0x56: {  	_ =	swait.ge [sflag:s25], $0x3E80  }
0x57: {  	[sflag:s25] =	ssyncset.done $0x0  }
0x58: {  	[sflag:s25] =	ssyncadd.s32 $0xFFFFC180  }
0x59: {  	_ =	swait.ge [sflag:s26], $0x3E80  }
0x5a: {  	[sflag:s26] =	ssyncset.done $0x0  }
0x5b: {  	s0 =	sadd.s32 s1, s11;
	[sflag:s26] =	ssyncadd.s32 $0xFFFFC180  }
0x5c: {  	[hbm4b:s0+s3] =	stream.linear.scatter [tilespmem:s20], [sflag:$0x5], $0x3E80, $0x38;
	[tilespmem:$0x19640] =	vst v63  }
0x5d: {  	_ =	swait.ge [sflag:s15], $0x3E80  }
0x5e: {  	[sflag:s15] =	ssyncset.done $0x0  }
0x5f: {  	s0 =	sadd.s32 s1, s12;
	[sflag:s15] =	ssyncadd.s32 $0xFFFFC180  }
0x60: {  	[hbm4b:s0+s3] =	stream.linear.scatter [tilespmem:s22], [sflag:$0x5], $0x3E80, $0x38;
	[tilespmem:$0x19640] =	vst v63  }
.Ltmp0:
0x61: {  	_ =	swait.ge [sflag:s15], $0x3E80;
	(pc) =	sbr.rel @p0 .LBB2_2-.Ltmp0, $4  }
0x62: {  	[sflag:s15] =	ssyncset.done $0x0  }
0x63: {  	s0 =	sadd.s32 $0x3E8, s31;
	[sflag:s15] =	ssyncadd.s32 $0xFFFFC180  }
0x64: {  	[tilespmem:s20], [sflag:$0x2] =	stream.indirect.gather [hbm4b:s2+s17], $0x10, s0, s17, $0xb8;
	[tilespmem:$0x19640] =	vst v63  }
0x65: {  	s1 =	sadd.s32 $0x3E8, s30;
	s30 =	sadd.s32 $0x7D0, s30;
	s31 =	sadd.s32 $0x7D0, s31  }
0x66: {  	[tilespmem:s22], [sflag:$0x4] =	stream.indirect.gather [hbm4b:s2+s17], $0x10, s1, s17, $0xb8;
	[tilespmem:$0x19640] =	vst v63  }
0x67: {  	_ =	swait.ge [sflag:s23], $0x3E80  }
0x68: {  	[sflag:s23] =	ssyncset.done $0x0  }
0x69: {  	[sflag:s23] =	ssyncadd.s32 $0xFFFFC180  }
0x6a: {  	_ =	swait.ge [sflag:s24], $0x3E80  }
0x6b: {  	[sflag:s24] =	ssyncset.done $0x0  }
0x6c: {  	[sflag:s24] =	ssyncadd.s32 $0xFFFFC180  }
0x6d: {  	[hbm4b:s7+s3] =	stream.linear.scatter [tilespmem:s18], [sflag:$0x5], $0x3E80, $0x38;
	[tilespmem:$0x19640] =	vst v63  }
0x6e: {  	_ =	swait.ge [sflag:s15], $0x3E80  }
0x6f: {  	[sflag:s15] =	ssyncset.done $0x0  }
0x70: {  	[sflag:s15] =	ssyncadd.s32 $0xFFFFC180  }
0x71: {  	[hbm4b:s8+s3] =	stream.linear.scatter [tilespmem:s19], [sflag:$0x5], $0x3E80, $0x38;
	[tilespmem:$0x19640] =	vst v63  }
0x72: {  	_ =	swait.ge [sflag:s15], $0x3E80  }
0x73: {  	[sflag:s15] =	ssyncset.done $0x0  }
0x74: {  	[sflag:s15] =	ssyncadd.s32 $0xFFFFC180  }
0x75: {  	_ =	swait.ge [sflag:s25], $0x3E80  }
0x76: {  	[sflag:s25] =	ssyncset.done $0x0  }
0x77: {  	[sflag:s25] =	ssyncadd.s32 $0xFFFFC180  }
0x78: {  	_ =	swait.ge [sflag:s26], $0x3E80  }
0x79: {  	[sflag:s26] =	ssyncset.done $0x0  }
0x7a: {  	[sflag:s26] =	ssyncadd.s32 $0xFFFFC180  }
0x7b: {  	[hbm4b:s9+s3] =	stream.linear.scatter [tilespmem:s20], [sflag:$0x5], $0x3E80, $0x38;
	[tilespmem:$0x19640] =	vst v63  }
0x7c: {  	s28 =	sadd.s32 $0x1, s28;
	_ =	swait.ge [sflag:s15], $0x3E80  }
0x7d: {  	p0 =	sne.s32 s28, s6;
	[sflag:s15] =	ssyncset.done $0x0  }
.Ltmp1:
0x7e: {  	[sflag:s15] =	ssyncadd.s32 $0xFFFFC180;
	(pc) =	sbr.rel @p0 .LBB2_1-.Ltmp1, $4  }
0x7f: {  	[hbm4b:s10+s3] =	stream.linear.scatter [tilespmem:s22], [sflag:$0x5], $0x3E80, $0x38;
	[tilespmem:$0x19640] =	vst v63  }
0x80: {  	_ =	swait.ge [sflag:s15], $0x3E80  }
0x81: {  	[sflag:s15] =	ssyncset.done $0x0  }
0x82: {  	[sflag:s15] =	ssyncadd.s32 $0xFFFFC180  }
0x83: {  	_ =	sfence.sel $0x180000  }
0x84: {  	[bflag:$0x0] =	sbarrier.arrive $0xFFFF  }
0x85: {  	_ =	strace $0x90000047  }
0x86: {  	s0 =	stileid.u32;
	[bflag:$0x2] =	sbarrier.arrive $0xFFFF  }
0x87: {  	p0 =	sne.s32 s0, $0x0;
	s0 =	rddreg [dreg:$0x2]  }
0x88: {  	s0 =	sadd.s32 @!p0 $0x100000, s0  }
0x89: {  	[sflag:s0] =	ssyncadd.tile.s32 @!p0 $0x1;
	_ =	shalt  }
.Lfunc_end2:
_tile_overlayer_lowered:
.L_overlay_start_2:
0x8a: {  	(tag) =	ssettag $0x2  }
0x8b: {  	s0 =	rddreg [dreg:$0x0];
	s2 =	stileid.u32  }
0x8c: {  	s1 =	rddreg [dreg:$0x1];
	p0 =	sne.s32 s2, $0x0  }
0x8d: {  	s3 =	rddreg [dreg:$0x2];
	[bflag:$0x3] =	sbarrier.arrive $0xFFFF;
	s2 =	simm.s32 @!p0 $0x1C05  }
0x8e: {  	[timem:s3], [sflag:s2] =	dma.local @!p0 [hbm:s0], s1  }
0x8f: {  	s0 =	simm.s32 @!p0 $0x5  }
0x90: {  	_ =	swait.ge @!p0 [sflag:s0], s1  }
0x91: {  	s1 =	ssub.s32 @!p0 $0x0, s1;
	[sflag:s0] =	ssyncset.done @!p0 $0x0  }
0x92: {  	[sflag:s0] =	ssyncadd.s32 @!p0 s1  }
0x93: {  	[bflag:$0x3] =	sbarrier.arrive $0xFFFF  }
0x94: {  	_ =	shalt  }

// kernel: kernel.16.cloned.1.call-start
scs
__scs_entry_jumppad:
0x0: {  	(pc) =	sbr.rel $0x88, $3  }
0x1: {  	(tag) =	ssettag $0x0;
	lr =	simm.s32 $0x1  }
0x2: {  	[smem:$0x3F67] =	sst lr;
	_ =	strace $0xD0000000  }
0x3: {  	_ = 	snop  }
0x4: {  	_ = 	snop  }
0x5: {  	_ = 	snop  }
0x6: {  	_ = 	snop  }
0x7: {  	_ = 	snop  }
__scs_overlays_trampoline_lowered:
0x8: {  	[smem:$0x3F76] =	sst s0  }
0x9: {  	[smem:$0x3F77] =	sst s1  }
0xa: {  	[smem:$0x3F78] =	sst s2  }
0xb: {  	[smem:$0x3F79] =	sst s3  }
0xc: {  	[smem:$0x3F7A] =	sst s4  }
0xd: {  	[smem:$0x3F7B] =	sst s5  }
0xe: {  	[smem:$0x3F7C] =	sst s6  }
0xf: {  	[smem:$0x3F7D] =	sst s7  }
0x10: {  	[smem:$0x3F7E] =	sst s8  }
0x11: {  	[smem:$0x3F7F] =	sst s9;
	s0 =	simm.s32 @!p0 $0x0  }
0x12: {  	s1 =	sld [smem:$0x3F65];
	s0 =	simm.s32 @p0 $0x1  }
0x13: {  	[smem:$0x3F80] =	sst s0;
	s0 =	simm.s32 @!p1 $0x0  }
0x14: {  	s2 =	sld [smem:$0x3F64];
	s0 =	simm.s32 @p1 $0x1  }
0x15: {  	[smem:$0x3F81] =	sst s0;
	s0 =	simm.s32 @!p2 $0x0  }
0x16: {  	s3 =	sld [smem:$0x3FDB];
	s0 =	simm.s32 @p2 $0x1  }
0x17: {  	s4 =	simm.s32 $0x1BF5;
	[smem:$0x3F83] =	sst s0  }
0x18: {  	s0 =	sld [smem:$0x3F66];
	_ =	swait.ge [sflag:s4], $0x0  }
0x19: {  	s7 =	sld [smem:$0x3F67]  }
0x1a: {  	s8 =	sadd.s32 $0xFFFFE003, lr  }
0x1b: {  	s9 =	sadd.s32 $0xFFFFFEF7, lr;
	s5 =	simm.s32 $0xFFFFFFFF;
	p2 =	slt.u32 s8, $0xFFFFF086  }
0x1c: {  	p1 =	slt.u32 s9, $0xF7A;
	s5 =	simm.s32 @!p2 $0x0  }
0x1d: {  	s5 =	simm.s32 @p1 $0x1;
	p0 =	seq.s32 s7, s2  }
0x1e: {  	s7 =	smul.u32 @!p0 $0xF7A, s2;
	p2 =	seq.s32 @!p0 s5, $0x0  }
0x1f: {  	s9 =	smul.u32 $0xF7A, s1;
	s8 =	simm.s32 @!p0 $0x1BF5;
	p2 =	por !p2, p0  }
0x20: {  	[sflag:s8] =	ssyncset.s32 @!p0 $0xFFFFF086;
	s6 =	sadd.s32 @!p0 s3, s7;
	s7 =	simm.s32 @!p0 $0x108  }
0x21: {  	s3 =	sadd.s32 s3, s9;
	s6 =	sadd.s32 @!p0 $0x88, s6;
	s7 =	simm.s32 @p2 $0x1082  }
0x22: {  	[simem:s7], [sflag:s8] =	dma.local @!p0 [hbm:s6], $0xF7A  }
0x23: {  	s9 =	sor.u32 $0xD0000000, s2;
	s6 =	simm.s32 $0x108;
	_ =	swait.ge @!p0 [sflag:s8], $0x0  }
0x24: {  	s3 =	sadd.s32 $0x88, s3;
	s6 =	simm.s32 @!p1 $0x1082;
	[sflag:s4] =	ssyncset.s32 $0xFFFFF086  }
0x25: {  	[simem:s6], [sflag:s4] =	dma.local [hbm:s3], $0xF7A  }
0x26: {  	[smem:$0x3F67] =	sst s1;
	(tag) =	ssettag s2;
	_ =	strace s9  }
0x27: {  	s1 =	sld [smem:$0x3F77]  }
0x28: {  	s2 =	sld [smem:$0x3F78]  }
0x29: {  	s4 =	sld [smem:$0x3F7A]  }
0x2a: {  	p0 =	seq.s32 s5, $0x0;
	s5 =	sld [smem:$0x3F7B]  }
0x2b: {  	s6 =	sld [smem:$0x3F7C]  }
0x2c: {  	s7 =	sld [smem:$0x3F7D]  }
0x2d: {  	s3 =	simm.s32 $0x108;
	s8 =	sld [smem:$0x3F7E]  }
0x2e: {  	s3 =	simm.s32 @!p0 $0x1082;
	s9 =	sld [smem:$0x3F7F]  }
0x2f: {  	lr =	sadd.s32 s0, s3;
	s0 =	sld [smem:$0x3F76]  }
0x30: {  	s3 =	sld [smem:$0x3F79]  }
0x31: {  	[smem:$0x3F82] =	sst s10  }
0x32: {  	s10 =	sld [smem:$0x3F80];
	_ =	sdelay $0x3  }
0x33: {  	p0 =	seq.s32 s10, $0x1;
	s10 =	sld [smem:$0x3F82];
	_ =	sdelay $0x3  }
0x34: {  	[smem:$0x3F82] =	sst s10  }
0x35: {  	s10 =	sld [smem:$0x3F81];
	_ =	sdelay $0x3  }
0x36: {  	p1 =	seq.s32 s10, $0x1;
	s10 =	sld [smem:$0x3F82];
	_ =	sdelay $0x3  }
0x37: {  	[smem:$0x3F82] =	sst s10  }
0x38: {  	s10 =	sld [smem:$0x3F83]  }
0x39: {  	_ = 	snop;
	(pc) =	sbr.ind lr, $3  }
0x3a: {  	_ = 	snop  }
0x3b: {  	_ = 	snop  }
0x3c: {  	p2 =	seq.s32 s10, $0x1;
	s10 =	sld [smem:$0x3F82]  }
0x3d: {  	_ =	shalt  }
0x3e: {  	_ =	shalt  }
0x3f: {  	_ =	shalt  }
0x40: {  	_ =	shalt  }
0x41: {  	_ =	shalt  }
0x42: {  	_ =	shalt  }
0x43: {  	_ =	shalt  }
0x44: {  	_ =	shalt  }
0x45: {  	_ =	shalt  }
0x46: {  	_ =	shalt  }
0x47: {  	_ =	shalt  }
0x48: {  	_ =	shalt  }
0x49: {  	_ =	shalt  }
0x4a: {  	_ =	shalt  }
0x4b: {  	_ =	shalt  }
0x4c: {  	_ =	shalt  }
0x4d: {  	_ =	shalt  }
0x4e: {  	_ =	shalt  }
0x4f: {  	_ =	shalt  }
0x50: {  	_ =	shalt  }
0x51: {  	_ =	shalt  }
0x52: {  	_ =	shalt  }
0x53: {  	_ =	shalt  }
0x54: {  	_ =	shalt  }
0x55: {  	_ =	shalt  }
0x56: {  	_ =	shalt  }
0x57: {  	_ =	shalt  }
0x58: {  	_ =	shalt  }
0x59: {  	_ =	shalt  }
0x5a: {  	_ =	shalt  }
0x5b: {  	_ =	shalt  }
0x5c: {  	_ =	shalt  }
0x5d: {  	_ =	shalt  }
0x5e: {  	_ =	shalt  }
0x5f: {  	_ =	shalt  }
0x60: {  	_ =	shalt  }
0x61: {  	_ =	shalt  }
0x62: {  	_ =	shalt  }
0x63: {  	_ =	shalt  }
0x64: {  	_ =	shalt  }
0x65: {  	_ =	shalt  }
0x66: {  	_ =	shalt  }
0x67: {  	_ =	shalt  }
0x68: {  	_ =	shalt  }
0x69: {  	_ =	shalt  }
0x6a: {  	_ =	shalt  }
0x6b: {  	_ =	shalt  }
0x6c: {  	_ =	shalt  }
0x6d: {  	_ =	shalt  }
0x6e: {  	_ =	shalt  }
0x6f: {  	_ =	shalt  }
0x70: {  	_ =	shalt  }
0x71: {  	_ =	shalt  }
0x72: {  	_ =	shalt  }
0x73: {  	_ =	shalt  }
0x74: {  	_ =	shalt  }
0x75: {  	_ =	shalt  }
0x76: {  	_ =	shalt  }
0x77: {  	_ =	shalt  }
0x78: {  	_ =	shalt  }
0x79: {  	_ =	shalt  }
0x7a: {  	_ =	shalt  }
0x7b: {  	_ =	shalt  }
0x7c: {  	_ =	shalt  }
0x7d: {  	_ =	shalt  }
0x7e: {  	_ =	shalt  }
0x7f: {  	_ =	shalt  }
0x80: {  	_ =	shalt  }
0x81: {  	_ =	shalt  }
0x82: {  	_ =	shalt  }
0x83: {  	_ =	shalt  }
0x84: {  	_ =	shalt  }
0x85: {  	_ =	shalt  }
0x86: {  	_ =	shalt  }
0x87: {  	_ =	shalt  }
.Lfunc_end0:
.L_simem_size_0:
called_computation.2_lowered:
.L_overlay_start_0:
0x88: {  	s2 =	sld [smem:$0x3FD9]  }
0x89: {  	s3 =	sld [smem:$0x3FFE];
	_ =	sdelay $0x1  }
0x8a: {  	s1 =	srdreg.scid  }
0x8b: {  	s0 =	sand.u32 $0x1, s1  }
0x8c: {  	s16 =	sshll.u32 s0, $0xA;
	s2 =	sadd.s32 s3, s2  }
0x8d: {  	s2 =	sadd.s32 s2, s16  }
0x8e: {  	[smem:$0x3F8E] =	sst s2  }
0x8f: {  	_ = 	snop  }
0x90: {  	(tm) =	ssettm $0x1  }
0x91: {  	s17 =	sld [smem:$0x3FFB];
	_ =	sdelay $0x3  }
0x92: {  	_ =	strace s17  }
0x93: {  	s2 =	sld [smem:$0x3FFC];
	_ =	sdelay $0x3  }
0x94: {  	_ =	strace s2  }
0x95: {  	s2 =	sld [smem:$0x3FFD];
	_ =	sdelay $0x3  }
0x96: {  	_ =	strace s2  }
0x97: {  	_ =	strace $0x8FFFFFFF  }
0x98: {  	s18 =	sld [smem:$0x3FDB];
	_ =	sdelay $0x1  }
0x99: {  	s19 =	simm.s32 $_scs_section_size  }
0x9a: {  	s4 =	simm.s32 $_size__tile_overlayer_lowered;
	s5 =	simm.s32 $_tile_overlayer_lowered  }
0x9b: {  	s22 =	simm.s32 $0x1BFF;
	s21 =	sshll.u32 s5, $0x1;
	s2 =	sadd.s32 s19, s18  }
0x9c: {  	s6 =	simm.s32 $0x0;
	s20 =	sshll.u32 s4, $0x1;
	s4 =	sadd.s32 s21, s2  }
0x9d: {  	[timem:s6], [sflag:s22] =	dma.local [hbm:s4], s20  }
0x9e: {  	_ =	swait.ge [sflag:s22], s20  }
0x9f: {  	s3 =	ssub.s32 $0x0, s20;
	[sflag:s22] =	ssyncset.done $0x0  }
0xa0: {  	[sflag:s22] =	ssyncadd.s32 s3;
	_ =	sdelay $0x1  }
0xa1: {  	s23 =	simm.s32 $0x1B8B  }
0xa2: {  	_ =	swait.ge [sflag:s23], $0x1  }
0xa3: {  	[sflag:s23] =	ssyncset.done $0x0  }
0xa4: {  	s25 =	simm.s32 $0x1B8E;
	s24 =	sld [smem:$0x3FFE];
	[sflag:s23] =	ssyncadd.s32 $0xFFFFFFFF  }
0xa5: {  	s26 =	simm.s32 $execute0_lowered;
	[smem:$0x3FD2] =	sst s25  }
0xa6: {  	s4 =	sshll.u32 s26, $0x1;
	_ =	strace $0x8000004C;
	[dreg:$0x1] =	wrdreg $0xFFFFFFFF  }
0xa7: {  	s28 =	simm.s32 $_size_execute0_lowered;
	s2 =	sadd.s32 s2, s4;
	[dreg:$0x0] =	wrdreg $0x0  }
0xa8: {  	s4 =	sshll.u32 s28, $0x1;
	[dreg:$0x2] =	wrdreg s2  }
0xa9: {  	[dreg:$0x3] =	wrdreg s4  }
0xaa: {  	[dreg:$0x4] =	wrdreg $0xC0  }
0xab: {  	_ =	task [dreg:s6], $0x5FFFF  }
0xac: {  	[dreg:$0x1] =	wrdreg $0xFFFFFFFF  }
0xad: {  	[dreg:$0x0] =	wrdreg $0x60  }
0xae: {  	[dreg:$0x2] =	wrdreg s24  }
0xaf: {  	[dreg:$0x3] =	wrdreg $0x9  }
0xb0: {  	_ =	task.clear_ibuf [dreg:s6], $0x4FFFF;
	_ =	strace $0x9000004C  }
0xb1: {  	s29 =	simm.s32 $0x9;
	_ =	strace $0x8000004E  }
0xb2: {  	_ =	swait.ge [sflag:s29], $0x1  }
0xb3: {  	[sflag:s29] =	ssyncadd.s32 $0xFFFFFFFF  }
0xb4: {  	_ =	strace $0x9000004E  }
0xb5: {  	_ =	sfence  }
0xb6: {  	s30 =	sld [smem:$0x0];
	_ =	sdelay $0x2  }
0xb7: {  	s31 =	sshll.u32 s1, $0xD;
	s1 =	sshrl.u32 s1, $0x2  }
0xb8: {  	s3 =	sand.u32 $0x4000, s31;
	s1 =	sadd.s32 s1, s30  }
0xb9: {  	s0 =	sor.u32 s3, s0;
	s1 =	sshll.u32 s1, $0x11  }
0xba: {  	s0 =	sor.u32 s1, s0  }
0xbb: {  	s0 =	sadd.s32 $0x8F2B, s0  }
0xbc: {  	[sflag:s0] =	ssyncadd.remote.s32 $0x1  }
0xbd: {  	_ =	sfence.sel $0xFFFF  }
0xbe: {  	[dreg:$0x0] =	wrdreg $0xFFFFFFFF;
	(pc) =	sbr.abs _section_cstart, $3  }
0xbf: {  	[dreg:$0x1] =	wrdreg $0xFFFFFFFF  }
0xc0: {  	_ =	task.clear_ibuf [dreg:s6], $0x2FFFF;
	_ =	strace $0x9FFFFFFF  }
0xc1: {  	(tm) =	ssettm $0x7FFFFFFF  }
tec
execute0_lowered:
.L_overlay_start_1:
0x0: {  	(tag) =	ssettag $0x1  }
0x1: {  	s1 =	srdreg.scid  }
0x2: {  	s0 =	stileid.u32;
	s4 =	rddreg [dreg:$0x0]  }
0x3: {  	s16 =	simm.s32 $0x4E20;
	s17 =	simm.s32 $0x3E8;
	s18 =	simm.s32 $0x9C40  }
0x4: {  	s19 =	simm.s32 $0x11940;
	s20 =	simm.s32 $0xDAC0;
	s21 =	simm.s32 $0x5208  }
0x5: {  	s22 =	simm.s32 $0x157C0;
	s23 =	simm.s32 $0x1;
	s24 =	simm.s32 $0x3  }
0x6: {  	s25 =	simm.s32 $0x2;
	s26 =	simm.s32 $0x4;
	s28 =	simm.s32 $0x0  }
0x7: {  	s1 =	sand.u32 $0x1, s1;
	s3 =	sadd.s32 $0x21E400, s4;
	s8 =	smul.u32 $0x9C40, s0  }
0x8: {  	s2 =	sshll.u32 s0, $0x1;
	s13 =	sadd.s32 $0x50C400, s4;
	s15 =	smul.u32 $0x13880, s0  }
0x9: {  	s14 =	sadd.s32 $0x644C00, s4;
	s5 =	sor.u32 s1, s2;
	s10 =	smul.u32 $0x4E20, s1  }
0xa: {  	s2 =	simm.s32 $0x0;
	s30 =	ssub.s32 $0x2, s1;
	s6 =	smul.u32 $0x4E20, s5  }
0xb: {  	[smem:$0x7FF] =	sst s2;
	s9 =	smul.u32 $0x9C40, s5;
	s7 =	sshrl.u32 s30, $0x1  }
0xc: {  	s1 =	smul.u32 $0x9C40, s1;
	_ =	strace $0x8000004D;
	s7 =	ssub.s32 s30, s7  }
0xd: {  	s10 =	sadd.s32 s10, s8;
	s6 =	sshrl.u32 s6, $0x3;
	s11 =	sadd.s32 $0x8CA0, s9  }
0xe: {  	s31 =	sadd.s32 $0x9470, s9;
	s10 =	sshll.u32 s10, $0x1;
	s6 =	sadd.s32 s6, s4  }
0xf: {  	s8 =	sadd.s32 s14, s11;
	s9 =	sadd.s32 s13, s31;
	s12 =	sadd.s32 $0x7D0, s10  }
0x10: {  	s10 =	sadd.s32 s14, s31;
	s4 =	sadd.s32 $0x287A00, s6;
	s5 =	sadd.s32 $0x14F200, s6  }
0x11: {  	s6 =	smax.u32 s7, $0x1;
	s7 =	sadd.s32 s13, s11;
	s11 =	sadd.s32 s12, s13  }
0x12: {  	s12 =	sadd.s32 s12, s14;
	s14 =	sadd.s32 s15, s14;
	s15 =	sadd.s32 s15, s13  }
0x13: {  	s13 =	sadd.s32 s1, s14;
	s14 =	sadd.s32 s1, s15;
	s15 =	simm.s32 $0x5  }
.LBB2_1:
0x14: {  	[tilespmem:s2], [sflag:$0x5] =	stream.linear.gather [hbm4b:s4+s2], $0x4E20, $0x38;
	[tilespmem:$0x19640] =	vst v63  }
0x15: {  	_ =	swait.ge [sflag:s15], $0x4E20  }
0x16: {  	[sflag:s15] =	ssyncset.done $0x0  }
0x17: {  	[sflag:s15] =	ssyncadd.s32 $0xFFFFB1E0  }
0x18: {  	[tilespmem:s16], [sflag:$0x5] =	stream.linear.gather [hbm4b:s5+s2], $0x4E20, $0x38;
	[tilespmem:$0x19640] =	vst v63  }
0x19: {  	_ =	swait.ge [sflag:s15], $0x4E20  }
0x1a: {  	[sflag:s15] =	ssyncset.done $0x0  }
0x1b: {  	[sflag:s15] =	ssyncadd.s32 $0xFFFFB1E0  }
0x1c: {  	[tilespmem:s18], [sflag:$0x1] =	stream.indirect.gather [hbm4b:s3+s17], $0x10, s2, s17, $0xb8;
	[tilespmem:$0x19640] =	vst v63  }
0x1d: {  	_ = 	snop  }
0x1e: {  	[tilespmem:s19], [sflag:$0x3] =	stream.indirect.gather [hbm4b:s3+s17], $0x10, s16, s17, $0xb8;
	[tilespmem:$0x19640] =	vst v63  }
0x1f: {  	_ = 	snop  }
0x20: {  	[tilespmem:s20], [sflag:$0x2] =	stream.indirect.gather [hbm4b:s3+s17], $0x10, s17, s17, $0xb8;
	[tilespmem:$0x19640] =	vst v63  }
0x21: {  	_ = 	snop  }
0x22: {  	[tilespmem:s22], [sflag:$0x4] =	stream.indirect.gather [hbm4b:s3+s17], $0x10, s21, s17, $0xb8;
	[tilespmem:$0x19640] =	vst v63  }
0x23: {  	_ =	swait.ge [sflag:s23], $0x3E80  }
0x24: {  	[sflag:s23] =	ssyncset.done $0x0  }
0x25: {  	[sflag:s23] =	ssyncadd.s32 $0xFFFFC180  }
0x26: {  	_ =	swait.ge [sflag:s24], $0x3E80  }
0x27: {  	[sflag:s24] =	ssyncset.done $0x0  }
0x28: {  	s1 =	sadd.s32 $0x0, s14;
	[sflag:s24] =	ssyncadd.s32 $0xFFFFC180  }
0x29: {  	[hbm4b:s1+s2] =	stream.linear.scatter [tilespmem:s18], [sflag:$0x5], $0x3E80, $0x38;
	[tilespmem:$0x19640] =	vst v63  }
0x2a: {  	_ =	swait.ge [sflag:s15], $0x3E80  }
0x2b: {  	[sflag:s15] =	ssyncset.done $0x0  }
0x2c: {  	s0 =	sadd.s32 $0x0, s13;
	[sflag:s15] =	ssyncadd.s32 $0xFFFFC180  }
0x2d: {  	[hbm4b:s0+s2] =	stream.linear.scatter [tilespmem:s19], [sflag:$0x5], $0x3E80, $0x38;
	[tilespmem:$0x19640] =	vst v63  }
0x2e: {  	_ =	swait.ge [sflag:s15], $0x3E80  }
0x2f: {  	[sflag:s15] =	ssyncset.done $0x0  }
0x30: {  	s0 =	simm.s32 $0x7D0;
	[sflag:s15] =	ssyncadd.s32 $0xFFFFC180  }
0x31: {  	[tilespmem:s18], [sflag:$0x1] =	stream.indirect.gather [hbm4b:s3+s17], $0x10, s0, s17, $0xb8;
	[tilespmem:$0x19640] =	vst v63  }
0x32: {  	s0 =	simm.s32 $0x55F0  }
0x33: {  	[tilespmem:s19], [sflag:$0x3] =	stream.indirect.gather [hbm4b:s3+s17], $0x10, s0, s17, $0xb8;
	[tilespmem:$0x19640] =	vst v63  }
0x34: {  	_ =	swait.ge [sflag:s25], $0x3E80  }
0x35: {  	[sflag:s25] =	ssyncset.done $0x0  }
0x36: {  	[sflag:s25] =	ssyncadd.s32 $0xFFFFC180  }
0x37: {  	_ =	swait.ge [sflag:s26], $0x3E80  }
0x38: {  	[sflag:s26] =	ssyncset.done $0x0  }
0x39: {  	s0 =	sadd.s32 $0x0, s11;
	[sflag:s26] =	ssyncadd.s32 $0xFFFFC180  }
0x3a: {  	[hbm4b:s0+s2] =	stream.linear.scatter [tilespmem:s20], [sflag:$0x5], $0x3E80, $0x38;
	[tilespmem:$0x19640] =	vst v63  }
0x3b: {  	_ =	swait.ge [sflag:s15], $0x3E80  }
0x3c: {  	[sflag:s15] =	ssyncset.done $0x0  }
0x3d: {  	s0 =	sadd.s32 $0x0, s12;
	[sflag:s15] =	ssyncadd.s32 $0xFFFFC180  }
0x3e: {  	[hbm4b:s0+s2] =	stream.linear.scatter [tilespmem:s22], [sflag:$0x5], $0x3E80, $0x38;
	[tilespmem:$0x19640] =	vst v63  }
0x3f: {  	s29 =	simm.s32 $0xFA0;
	_ =	swait.ge [sflag:s15], $0x3E80  }
0x40: {  	s30 =	simm.s32 $0x5DC0;
	s31 =	simm.s32 $0xFA0;
	[sflag:s15] =	ssyncset.done $0x0  }
0x41: {  	s1 =	simm.s32 $0x59D8;
	s0 =	simm.s32 $0xBB8;
	[sflag:s15] =	ssyncadd.s32 $0xFFFFC180  }
0x42: {  	[tilespmem:s20], [sflag:$0x2] =	stream.indirect.gather [hbm4b:s3+s17], $0x10, s0, s17, $0xb8;
	[tilespmem:$0x19640] =	vst v63  }
.LBB2_2:
0x43: {  	[tilespmem:s22], [sflag:$0x4] =	stream.indirect.gather [hbm4b:s3+s17], $0x10, s1, s17, $0xb8;
	[tilespmem:$0x19640] =	vst v63  }
0x44: {  	s1 =	smov.u32 s29  }
0x45: {  	p0 =	sne.s32 s29, $0x7D00;
	s29 =	sadd.s32 $0xFA0, s29;
	_ =	swait.ge [sflag:s23], $0x3E80  }
0x46: {  	[sflag:s23] =	ssyncset.done $0x0  }
0x47: {  	[sflag:s23] =	ssyncadd.s32 $0xFFFFC180  }
0x48: {  	_ =	swait.ge [sflag:s24], $0x3E80  }
0x49: {  	[sflag:s24] =	ssyncset.done $0x0  }
0x4a: {  	s0 =	sadd.s32 s1, s14;
	[sflag:s24] =	ssyncadd.s32 $0xFFFFC180  }
0x4b: {  	[hbm4b:s0+s2] =	stream.linear.scatter [tilespmem:s18], [sflag:$0x5], $0x3E80, $0x38;
	[tilespmem:$0x19640] =	vst v63  }
0x4c: {  	_ =	swait.ge [sflag:s15], $0x3E80  }
0x4d: {  	[sflag:s15] =	ssyncset.done $0x0  }
0x4e: {  	s0 =	sadd.s32 s1, s13;
	[sflag:s15] =	ssyncadd.s32 $0xFFFFC180  }
0x4f: {  	[hbm4b:s0+s2] =	stream.linear.scatter [tilespmem:s19], [sflag:$0x5], $0x3E80, $0x38;
	[tilespmem:$0x19640] =	vst v63  }
0x50: {  	_ =	swait.ge [sflag:s15], $0x3E80  }
0x51: {  	[sflag:s15] =	ssyncset.done $0x0  }
0x52: {  	[sflag:s15] =	ssyncadd.s32 $0xFFFFC180  }
0x53: {  	[tilespmem:s18], [sflag:$0x1] =	stream.indirect.gather [hbm4b:s3+s17], $0x10, s31, s17, $0xb8;
	[tilespmem:$0x19640] =	vst v63  }
0x54: {  	_ = 	snop  }
0x55: {  	[tilespmem:s19], [sflag:$0x3] =	stream.indirect.gather [hbm4b:s3+s17], $0x10, s30, s17, $0xb8;
	[tilespmem:$0x19640] =	vst v63  }
0x56: {  	_ =	swait.ge [sflag:s25], $0x3E80  }
0x57: {  	[sflag:s25] =	ssyncset.done $0x0  }
0x58: {  	[sflag:s25] =	ssyncadd.s32 $0xFFFFC180  }
0x59: {  	_ =	swait.ge [sflag:s26], $0x3E80  }
0x5a: {  	[sflag:s26] =	ssyncset.done $0x0  }
0x5b: {  	s0 =	sadd.s32 s1, s11;
	[sflag:s26] =	ssyncadd.s32 $0xFFFFC180  }
0x5c: {  	[hbm4b:s0+s2] =	stream.linear.scatter [tilespmem:s20], [sflag:$0x5], $0x3E80, $0x38;
	[tilespmem:$0x19640] =	vst v63  }
0x5d: {  	_ =	swait.ge [sflag:s15], $0x3E80  }
0x5e: {  	[sflag:s15] =	ssyncset.done $0x0  }
0x5f: {  	s0 =	sadd.s32 s1, s12;
	[sflag:s15] =	ssyncadd.s32 $0xFFFFC180  }
0x60: {  	[hbm4b:s0+s2] =	stream.linear.scatter [tilespmem:s22], [sflag:$0x5], $0x3E80, $0x38;
	[tilespmem:$0x19640] =	vst v63  }
.Ltmp0:
0x61: {  	_ =	swait.ge [sflag:s15], $0x3E80;
	(pc) =	sbr.rel @p0 .LBB2_2-.Ltmp0, $4  }
0x62: {  	[sflag:s15] =	ssyncset.done $0x0  }
0x63: {  	s0 =	sadd.s32 $0x3E8, s31;
	[sflag:s15] =	ssyncadd.s32 $0xFFFFC180  }
0x64: {  	[tilespmem:s20], [sflag:$0x2] =	stream.indirect.gather [hbm4b:s3+s17], $0x10, s0, s17, $0xb8;
	[tilespmem:$0x19640] =	vst v63  }
0x65: {  	s1 =	sadd.s32 $0x3E8, s30;
	s30 =	sadd.s32 $0x7D0, s30;
	s31 =	sadd.s32 $0x7D0, s31  }
0x66: {  	[tilespmem:s22], [sflag:$0x4] =	stream.indirect.gather [hbm4b:s3+s17], $0x10, s1, s17, $0xb8;
	[tilespmem:$0x19640] =	vst v63  }
0x67: {  	_ =	swait.ge [sflag:s23], $0x3E80  }
0x68: {  	[sflag:s23] =	ssyncset.done $0x0  }
0x69: {  	[sflag:s23] =	ssyncadd.s32 $0xFFFFC180  }
0x6a: {  	_ =	swait.ge [sflag:s24], $0x3E80  }
0x6b: {  	[sflag:s24] =	ssyncset.done $0x0  }
0x6c: {  	[sflag:s24] =	ssyncadd.s32 $0xFFFFC180  }
0x6d: {  	[hbm4b:s7+s2] =	stream.linear.scatter [tilespmem:s18], [sflag:$0x5], $0x3E80, $0x38;
	[tilespmem:$0x19640] =	vst v63  }
0x6e: {  	_ =	swait.ge [sflag:s15], $0x3E80  }
0x6f: {  	[sflag:s15] =	ssyncset.done $0x0  }
0x70: {  	[sflag:s15] =	ssyncadd.s32 $0xFFFFC180  }
0x71: {  	[hbm4b:s8+s2] =	stream.linear.scatter [tilespmem:s19], [sflag:$0x5], $0x3E80, $0x38;
	[tilespmem:$0x19640] =	vst v63  }
0x72: {  	_ =	swait.ge [sflag:s15], $0x3E80  }
0x73: {  	[sflag:s15] =	ssyncset.done $0x0  }
0x74: {  	[sflag:s15] =	ssyncadd.s32 $0xFFFFC180  }
0x75: {  	_ =	swait.ge [sflag:s25], $0x3E80  }
0x76: {  	[sflag:s25] =	ssyncset.done $0x0  }
0x77: {  	[sflag:s25] =	ssyncadd.s32 $0xFFFFC180  }
0x78: {  	_ =	swait.ge [sflag:s26], $0x3E80  }
0x79: {  	[sflag:s26] =	ssyncset.done $0x0  }
0x7a: {  	[sflag:s26] =	ssyncadd.s32 $0xFFFFC180  }
0x7b: {  	[hbm4b:s9+s2] =	stream.linear.scatter [tilespmem:s20], [sflag:$0x5], $0x3E80, $0x38;
	[tilespmem:$0x19640] =	vst v63  }
0x7c: {  	s28 =	sadd.s32 $0x1, s28;
	_ =	swait.ge [sflag:s15], $0x3E80  }
0x7d: {  	p0 =	sne.s32 s28, s6;
	[sflag:s15] =	ssyncset.done $0x0  }
.Ltmp1:
0x7e: {  	[sflag:s15] =	ssyncadd.s32 $0xFFFFC180;
	(pc) =	sbr.rel @p0 .LBB2_1-.Ltmp1, $4  }
0x7f: {  	[hbm4b:s10+s2] =	stream.linear.scatter [tilespmem:s22], [sflag:$0x5], $0x3E80, $0x38;
	[tilespmem:$0x19640] =	vst v63  }
0x80: {  	_ =	swait.ge [sflag:s15], $0x3E80  }
0x81: {  	[sflag:s15] =	ssyncset.done $0x0  }
0x82: {  	[sflag:s15] =	ssyncadd.s32 $0xFFFFC180  }
0x83: {  	_ =	sfence.sel $0x180000  }
0x84: {  	[bflag:$0x0] =	sbarrier.arrive $0xFFFF  }
0x85: {  	_ =	strace $0x9000004D  }
0x86: {  	s0 =	stileid.u32;
	[bflag:$0x2] =	sbarrier.arrive $0xFFFF  }
0x87: {  	p0 =	sne.s32 s0, $0x0;
	s0 =	rddreg [dreg:$0x1]  }
0x88: {  	s0 =	sadd.s32 @!p0 $0x100000, s0  }
0x89: {  	[sflag:s0] =	ssyncadd.tile.s32 @!p0 $0x1;
	_ =	shalt  }
.Lfunc_end2:
_tile_overlayer_lowered:
.L_overlay_start_2:
0x8a: {  	(tag) =	ssettag $0x2  }
0x8b: {  	s0 =	rddreg [dreg:$0x0];
	s2 =	stileid.u32  }
0x8c: {  	s1 =	rddreg [dreg:$0x1];
	p0 =	sne.s32 s2, $0x0  }
0x8d: {  	s3 =	rddreg [dreg:$0x2];
	[bflag:$0x3] =	sbarrier.arrive $0xFFFF;
	s2 =	simm.s32 @!p0 $0x1C05  }
0x8e: {  	[timem:s3], [sflag:s2] =	dma.local @!p0 [hbm:s0], s1  }
0x8f: {  	s0 =	simm.s32 @!p0 $0x5  }
0x90: {  	_ =	swait.ge @!p0 [sflag:s0], s1  }
0x91: {  	s1 =	ssub.s32 @!p0 $0x0, s1;
	[sflag:s0] =	ssyncset.done @!p0 $0x0  }
0x92: {  	[sflag:s0] =	ssyncadd.s32 @!p0 s1  }
0x93: {  	[bflag:$0x3] =	sbarrier.arrive $0xFFFF  }
0x94: {  	_ =	shalt  }

</sc_bundles>
